<compile_context>
chip_gen: v7x
topology: tpu7x:2x2x1
jax: 0.10.2.dev20260603
libtpu: 0.0.44.dev20260713+nightly
codegen_flags: <defaults>
</compile_context>

<pallas_src>
import functools

import jax
import jax.numpy as jnp
from jax import lax
from jax.experimental import pallas as pl
from jax.experimental.pallas import tpu as pltpu
from jax.experimental.pallas import tpu_sc as plsc

_NC = 2
_NS = 16
_NW = _NC * _NS
_K = 80
_BLK = 25
_NBUF = 3


def _zero_buf(buf, k, width):
  def zrow(i, _):
    for cc in range(width // 16):
      buf[0, i, pl.ds(cc * 16, 16)] = jnp.zeros((16,), jnp.float32)
    return 0
  lax.fori_loop(0, k, zrow, 0)


def _sc_aggregate(table, n_rows, srcs, dsts):
  width = table.shape[1]
  nw, nblk, _, k = srcs.shape
  npt = n_rows // _NS
  mesh = plsc.VectorSubcoreMesh(core_axis_name="c", subcore_axis_name="s")

  def body(table_hbm, src_hbm, dst_hbm, sums_out, src_b, dst_b, rows_v,
           sums_sh, sem_g, sem_s, sem_i):
    c = lax.axis_index("c")
    s = lax.axis_index("s")
    wid = c * _NS + s

    def mk_i(bi, ib):
      return (pltpu.make_async_copy(src_hbm.at[wid, bi], src_b.at[ib],
                                    sem_i),
              pltpu.make_async_copy(dst_hbm.at[wid, bi], dst_b.at[ib],
                                    sem_i))

    for d in mk_i(0, 0):
      d.start()
    _zero_buf(rows_v, k, width)
    base = s * npt
    for t in range(npt // k):
      pltpu.sync_copy(rows_v.at[0], sums_sh.at[pl.ds(base + t * k, k)])
    for d in mk_i(0, 0):
      d.wait()
    plsc.subcore_barrier()

    def block_step(bi, _):
      ib = bi % 2

      def mk_g(j, b):
        return pltpu.make_async_copy(
            table_hbm.at[src_b.at[ib, j]], rows_v.at[b], sem_g)

      def mk_s(j, b):
        return pltpu.make_async_copy(
            rows_v.at[b], sums_sh.at[dst_b.at[ib, j]], sem_s)

      @pl.when(bi + 1 < nblk)
      def _():
        for d in mk_i(bi + 1, 1 - ib):
          d.start()
      for i in range(_NBUF - 1):
        mk_g(i, i).start()

      def step(j, _):
        @pl.when(j >= 1)
        def _():
          mk_s(j - 1, (j - 1) % _NBUF).wait()

        @pl.when(j < _BLK - _NBUF + 1)
        def _():
          mk_g(j + _NBUF - 1, (j + _NBUF - 1) % _NBUF).start()
        mk_g(j, j % _NBUF).wait()
        mk_s(j, j % _NBUF).start(add=True)
        return 0
      lax.fori_loop(0, _BLK, step, 0)
      mk_s(_BLK - 1, (_BLK - 1) % _NBUF).wait()

      @pl.when(bi + 1 < nblk)
      def _():
        for d in mk_i(bi + 1, 1 - ib):
          d.wait()
      return 0
    lax.fori_loop(0, nblk, block_step, 0)

    plsc.subcore_barrier()
    pltpu.sync_copy(sums_sh.at[pl.ds(base, npt)],
                    sums_out.at[c, pl.ds(base, npt)])

  fn = pl.kernel(
      body,
      out_type=jax.ShapeDtypeStruct((_NC, n_rows, width), jnp.float32),
      mesh=mesh,
      scratch_types=[
          pltpu.VMEM((2, _BLK, k), jnp.int32),
          pltpu.VMEM((2, _BLK, k), jnp.int32),
          pltpu.VMEM((_NBUF, k, width), jnp.float32),
          pltpu.VMEM_SHARED((n_rows, width), jnp.float32),
          pltpu.SemaphoreType.DMA,
          pltpu.SemaphoreType.DMA,
          pltpu.SemaphoreType.DMA,
      ])
  return fn(table, srcs, dsts)


def _sc_degree(n_rows, dsts):
  nw, nblk, _, k = dsts.shape
  npt = n_rows // _NS
  mesh = plsc.VectorSubcoreMesh(core_axis_name="c", subcore_axis_name="s")

  def body(dst_hbm, deg_out, dst_b, ones_v, deg_sh, sem_s, sem_i):
    c = lax.axis_index("c")
    s = lax.axis_index("s")
    wid = c * _NS + s

    def mk_i(bi, ib):
      return pltpu.make_async_copy(
          dst_hbm.at[wid, bi], dst_b.at[ib], sem_i)

    mk_i(0, 0).start()
    _zero_buf(ones_v, k, 128)
    base = s * npt
    for t in range(npt // k):
      pltpu.sync_copy(ones_v.at[0], deg_sh.at[pl.ds(base + t * k, k)])

    def orow(i, _):
      ones_v[0, i, pl.ds(0, 16)] = jnp.ones((16,), jnp.float32)
      return 0
    lax.fori_loop(0, k, orow, 0)
    mk_i(0, 0).wait()
    plsc.subcore_barrier()

    def block_step(bi, _):
      ib = bi % 2

      def mk_s(j):
        return pltpu.make_async_copy(
            ones_v.at[0], deg_sh.at[dst_b.at[ib, j]], sem_s)

      @pl.when(bi + 1 < nblk)
      def _():
        mk_i(bi + 1, 1 - ib).start()

      def step(j, _):
        mk_s(j).start(add=True)

        @pl.when(j >= 6)
        def _():
          mk_s(j - 6).wait()
        return 0
      lax.fori_loop(0, _BLK, step, 0)
      for j in range(_BLK - 6, _BLK):
        mk_s(j).wait()

      @pl.when(bi + 1 < nblk)
      def _():
        mk_i(bi + 1, 1 - ib).wait()
      return 0
    lax.fori_loop(0, nblk, block_step, 0)

    plsc.subcore_barrier()
    pltpu.sync_copy(deg_sh.at[pl.ds(base, npt)],
                    deg_out.at[c, pl.ds(base, npt)])

  fn = pl.kernel(
      body,
      out_type=jax.ShapeDtypeStruct((_NC, n_rows, 128), jnp.float32),
      mesh=mesh,
      scratch_types=[
          pltpu.VMEM((2, _BLK, k), jnp.int32),
          pltpu.VMEM((1, k, 128), jnp.float32),
          pltpu.VMEM_SHARED((n_rows, 128), jnp.float32),
          pltpu.SemaphoreType.DMA,
          pltpu.SemaphoreType.DMA,
      ])
  return fn(dsts)


def _tc_layer1(features, sums_p, deg_p, W_self1, W_neigh1, b1,
               W_self2, b2):
  n, d = features.shape
  h = W_self1.shape[1]
  c_dim = W_self2.shape[1]
  r = 1024
  nb = (n + r - 1) // r

  def body(f_ref, sp_ref, dp_ref, ws1_ref, wn1_ref, b1_ref, ws2_ref,
           b2_ref, h1_ref, pre2_ref):
    dp = dp_ref[...]
    deg = jnp.maximum(dp[0, :, :1] + dp[1, :, :1], 1.0)
    sp = sp_ref[...]
    sums1 = sp[0] + sp[1]
    hn1 = jnp.dot(sums1, wn1_ref[...],
                  preferred_element_type=jnp.float32) / deg
    h1 = jnp.maximum(
        jnp.dot(f_ref[...], ws1_ref[...], preferred_element_type=jnp.float32)
        + hn1 + b1_ref[...], 0.0)
    h1_ref[...] = h1
    pre2_ref[...] = (
        jnp.dot(h1, ws2_ref[...], preferred_element_type=jnp.float32)
        + b2_ref[...])

  return pl.pallas_call(
      body,
      grid=(nb,),
      in_specs=[
          pl.BlockSpec((r, d), lambda i: (i, 0)),
          pl.BlockSpec((2, r, d), lambda i: (0, i, 0)),
          pl.BlockSpec((2, r, 128), lambda i: (0, i, 0)),
          pl.BlockSpec((d, h), lambda i: (0, 0)),
          pl.BlockSpec((d, h), lambda i: (0, 0)),
          pl.BlockSpec((1, h), lambda i: (0, 0)),
          pl.BlockSpec((h, c_dim), lambda i: (0, 0)),
          pl.BlockSpec((1, c_dim), lambda i: (0, 0)),
      ],
      out_specs=[
          pl.BlockSpec((r, h), lambda i: (i, 0)),
          pl.BlockSpec((r, c_dim), lambda i: (i, 0)),
      ],
      out_shape=[
          jax.ShapeDtypeStruct((n, h), jnp.float32),
          jax.ShapeDtypeStruct((n, c_dim), jnp.float32),
      ],
  )(features, sums_p, deg_p, W_self1, W_neigh1, b1.reshape(1, h),
    W_self2, b2.reshape(1, c_dim))


def _tc_layer2(pre2, sums2_p, deg_p, W_neigh2):
  n, c_dim = pre2.shape
  h = W_neigh2.shape[0]
  r = 1024
  nb = (n + r - 1) // r

  def body(pre_ref, q_ref, dp_ref, wn2_ref, out_ref):
    dp = dp_ref[...]
    deg = jnp.maximum(dp[0, :, :1] + dp[1, :, :1], 1.0)
    q = q_ref[...]
    out_ref[...] = pre_ref[...] + jnp.dot(
        q[0] + q[1], wn2_ref[...], preferred_element_type=jnp.float32) / deg

  return pl.pallas_call(
      body,
      grid=(nb,),
      in_specs=[
          pl.BlockSpec((r, c_dim), lambda i: (i, 0)),
          pl.BlockSpec((2, r, h), lambda i: (0, i, 0)),
          pl.BlockSpec((2, r, 128), lambda i: (0, i, 0)),
          pl.BlockSpec((h, c_dim), lambda i: (0, 0)),
      ],
      out_specs=pl.BlockSpec((r, c_dim), lambda i: (i, 0)),
      out_shape=jax.ShapeDtypeStruct((n, c_dim), jnp.float32),
  )(pre2, sums2_p, deg_p, W_neigh2)


@jax.jit
def kernel(features, edge_index, W_self1, W_neigh1, b1, W_self2, W_neigh2,
           b2):
  n = features.shape[0]
  e = edge_index.shape[1]
  kpc = _NW * _K
  ch = -(-(-(-e // kpc)) // _BLK) * _BLK
  e_pad = ch * kpc
  src = edge_index[0]
  dst = edge_index[1]
  if e_pad != e:
    src = jnp.concatenate([src, jnp.zeros((e_pad - e,), jnp.int32)])
    dst = jnp.concatenate([dst, jnp.full((e_pad - e,), n, jnp.int32)])
  shape4 = (_NW, ch // _BLK, _BLK, _K)
  srcs = src.reshape(shape4)
  dsts = dst.reshape(shape4)
  np_rows = -(-n // (_NS * _K)) * (_NS * _K)

  sums1_p = _sc_aggregate(features, np_rows, srcs, dsts)
  deg_p = _sc_degree(np_rows, dsts)
  h1, pre2 = _tc_layer1(features, sums1_p, deg_p, W_self1, W_neigh1, b1,
                        W_self2, b2)
  sums2_p = _sc_aggregate(h1, np_rows, srcs, dsts)
  return _tc_layer2(pre2, sums2_p, deg_p, W_neigh2)

# --- scband reference (transcript-rebuilt; emitter-appended) ---
"""Pipeline reference for scband-gnnsage-43937515438448 (READ-ONLY COPY).

The authoritative reference and input builder live on the scoring server;
editing this copy changes nothing except your own understanding.
"""

import jax, jax.numpy as jnp
import numpy as np

N = 10000
E = 320000
D = 128
H = 128
C = 16


def setup_inputs(seed: int = 0) -> dict:
    key = jax.random.key(seed)
    ks = jax.random.split(key, 8)
    features = jax.random.normal(ks[0], (N, D), dtype=jnp.float32)
    edge_index = jax.random.randint(ks[1], (2, E), 0, N, dtype=jnp.int32)
    s1 = 1.0 / np.sqrt(D)
    s2 = 1.0 / np.sqrt(H)
    W_self1 = jax.random.uniform(ks[2], (D, H), jnp.float32, -s1, s1)
    W_neigh1 = jax.random.uniform(ks[3], (D, H), jnp.float32, -s1, s1)
    b1 = jnp.zeros((H,), jnp.float32)
    W_self2 = jax.random.uniform(ks[4], (H, C), jnp.float32, -s2, s2)
    W_neigh2 = jax.random.uniform(ks[5], (H, C), jnp.float32, -s2, s2)
    b2 = jnp.zeros((C,), jnp.float32)
    return {
        "features": features,
        "edge_index": edge_index,
        "W_self1": W_self1,
        "W_neigh1": W_neigh1,
        "b1": b1,
        "W_self2": W_self2,
        "W_neigh2": W_neigh2,
        "b2": b2,
    }


def _sage_layer(h, src, dst, W_self, W_neigh, b, activation):
    # DGL SAGEConv with 'mean' aggregator:
    #   h_neigh[v] = mean_{u in N(v)} h[u]
    #   out[v] = fc_self(h[v]) + fc_neigh(h_neigh[v]) + bias
    msgs = h[src]  # gather source node features per edge
    sums = jax.ops.segment_sum(msgs, dst, num_segments=N)  # scatter-add to dst
    deg = jax.ops.segment_sum(jnp.ones((msgs.shape[0], 1), jnp.float32), dst, num_segments=N)
    h_neigh = sums / jnp.clip(deg, 1.0, None)
    out = h @ W_self + h_neigh @ W_neigh + b
    if activation:
        out = jax.nn.relu(out)
    return out


def reference(features, edge_index, W_self1, W_neigh1, b1, W_self2, W_neigh2, b2):
    src = edge_index[0]
    dst = edge_index[1]
    h = _sage_layer(features, src, dst, W_self1, W_neigh1, b1, True)
    # dropout p=0.0 -> identity
    h = _sage_layer(h, src, dst, W_self2, W_neigh2, b2, False)
    return h

if __name__ == "__main__":
    import jax
    _d = setup_inputs()
    print(jax.jit(kernel)(*tuple(_d.values())))

</pallas_src>

<mosaic_0001>
#map = affine_map<(d0, d1) -> (0, 0)>
#map1 = affine_map<(d0, d1) -> (0, 0, 0, 0)>
#map2 = affine_map<(d0, d1) -> (0, 0, 0)>
module attributes {stable_mosaic.version = 14 : i64} {
  func.func @body(%arg0: i32, %arg1: i32, %arg2: memref<10000x128xf32, #tpu.memory_space<hbm>>, %arg3: memref<32x5x25x80xi32, #tpu.memory_space<hbm>>, %arg4: memref<32x5x25x80xi32, #tpu.memory_space<hbm>>, %arg5: memref<2x10240x128xf32, #tpu.memory_space<hbm>>, %arg6: memref<2x25x80xi32, #tpu.memory_space<vmem>>, %arg7: memref<2x25x80xi32, #tpu.memory_space<vmem>>, %arg8: memref<3x80x128xf32, #tpu.memory_space<vmem>>, %arg9: memref<10240x128xf32, #tpu.memory_space<vmem_shared>>, %arg10: memref<!tpu.dma_semaphore, #tpu.memory_space<semaphore_mem>>, %arg11: memref<!tpu.dma_semaphore, #tpu.memory_space<semaphore_mem>>, %arg12: memref<!tpu.dma_semaphore, #tpu.memory_space<semaphore_mem>>) attributes {dimension_semantics = [#tpu.dimension_semantics<core_parallel>, #tpu.dimension_semantics<subcore_parallel>], iteration_bounds = array<i64: 2, 16>, scalar_prefetch = 0 : i64, scratch_operands = 7 : i64, tpu.core_type = #tpu.core_type<sc_vector_subcore>, window_params = [{transform_indices = #map}, {transform_indices = #map1}, {transform_indices = #map1}, {transform_indices = #map2}]} {
    %mul3A = arith.constant 16 : i32
    %mul3A_0 = arith.muli %arg0, %mul3A : i32
    %add3A = arith.addi %mul3A_0, %arg1 : i32
    %dma_start3A = arith.constant 0 : i32
    %dma_start3A_1 = arith.constant 0 : i32
    %dma_start3A_2 = arith.constant 0 : i32
    %dma_start3A_3 = arith.constant 0 : i32
    %dma_start3A_4 = tpu.memref_slice %arg6[%dma_start3A_1, %dma_start3A_2, %dma_start3A_3] : memref<2x25x80xi32, #tpu.memory_space<vmem>> -> memref<1x25x80xi32, #tpu.memory_space<vmem>>
    %dma_start3A_5 = tpu.memref_squeeze %dma_start3A_4 : memref<1x25x80xi32, #tpu.memory_space<vmem>> -> memref<25x80xi32, #tpu.memory_space<vmem>>
    %dma_start3A_6 = arith.constant 0 : i32
    %dma_start3A_7 = arith.constant 0 : i32
    %dma_start3A_8 = tpu.memref_slice %arg3[%add3A, %dma_start3A, %dma_start3A_6, %dma_start3A_7] : memref<32x5x25x80xi32, #tpu.memory_space<hbm>> -> memref<1x1x25x80xi32, #tpu.memory_space<hbm>>
    %dma_start3A_9 = tpu.memref_squeeze %dma_start3A_8 : memref<1x1x25x80xi32, #tpu.memory_space<hbm>> -> memref<25x80xi32, #tpu.memory_space<hbm>>
    %dma_start3A_10 = arith.constant 0 : i32
    %dma_start3A_11 = arith.constant 0 : i32
    %dma_start3A_12 = tpu.memref_slice %arg6[%dma_start3A_1, %dma_start3A_10, %dma_start3A_11] : memref<2x25x80xi32, #tpu.memory_space<vmem>> -> memref<1x25x80xi32, #tpu.memory_space<vmem>>
    %dma_start3A_13 = tpu.memref_squeeze %dma_start3A_12 : memref<1x25x80xi32, #tpu.memory_space<vmem>> -> memref<25x80xi32, #tpu.memory_space<vmem>>
    %dma_start3A_14 = arith.constant 0 : i32
    %dma_start3A_15 = arith.constant 0 : i32
    %dma_start3A_16 = tpu.memref_slice %arg3[%add3A, %dma_start3A, %dma_start3A_14, %dma_start3A_15] : memref<32x5x25x80xi32, #tpu.memory_space<hbm>> -> memref<1x1x25x80xi32, #tpu.memory_space<hbm>>
    %dma_start3A_17 = tpu.memref_squeeze %dma_start3A_16 : memref<1x1x25x80xi32, #tpu.memory_space<hbm>> -> memref<25x80xi32, #tpu.memory_space<hbm>>
    tpu.enqueue_dma source(%dma_start3A_17 : memref<25x80xi32, #tpu.memory_space<hbm>>) target(%dma_start3A_13 : memref<25x80xi32, #tpu.memory_space<vmem>>) target_semaphore(%arg12 : memref<!tpu.dma_semaphore, #tpu.memory_space<semaphore_mem>>)
    %dma_start3A_18 = arith.constant 0 : i32
    %dma_start3A_19 = arith.constant 0 : i32
    %dma_start3A_20 = arith.constant 0 : i32
    %dma_start3A_21 = arith.constant 0 : i32
    %dma_start3A_22 = tpu.memref_slice %arg7[%dma_start3A_19, %dma_start3A_20, %dma_start3A_21] : memref<2x25x80xi32, #tpu.memory_space<vmem>> -> memref<1x25x80xi32, #tpu.memory_space<vmem>>
    %dma_start3A_23 = tpu.memref_squeeze %dma_start3A_22 : memref<1x25x80xi32, #tpu.memory_space<vmem>> -> memref<25x80xi32, #tpu.memory_space<vmem>>
    %dma_start3A_24 = arith.constant 0 : i32
    %dma_start3A_25 = arith.constant 0 : i32
    %dma_start3A_26 = tpu.memref_slice %arg4[%add3A, %dma_start3A_18, %dma_start3A_24, %dma_start3A_25] : memref<32x5x25x80xi32, #tpu.memory_space<hbm>> -> memref<1x1x25x80xi32, #tpu.memory_space<hbm>>
    %dma_start3A_27 = tpu.memref_squeeze %dma_start3A_26 : memref<1x1x25x80xi32, #tpu.memory_space<hbm>> -> memref<25x80xi32, #tpu.memory_space<hbm>>
    %dma_start3A_28 = arith.constant 0 : i32
    %dma_start3A_29 = arith.constant 0 : i32
    %dma_start3A_30 = tpu.memref_slice %arg7[%dma_start3A_19, %dma_start3A_28, %dma_start3A_29] : memref<2x25x80xi32, #tpu.memory_space<vmem>> -> memref<1x25x80xi32, #tpu.memory_space<vmem>>
    %dma_start3A_31 = tpu.memref_squeeze %dma_start3A_30 : memref<1x25x80xi32, #tpu.memory_space<vmem>> -> memref<25x80xi32, #tpu.memory_space<vmem>>
    %dma_start3A_32 = arith.constant 0 : i32
    %dma_start3A_33 = arith.constant 0 : i32
    %dma_start3A_34 = tpu.memref_slice %arg4[%add3A, %dma_start3A_18, %dma_start3A_32, %dma_start3A_33] : memref<32x5x25x80xi32, #tpu.memory_space<hbm>> -> memref<1x1x25x80xi32, #tpu.memory_space<hbm>>
    %dma_start3A_35 = tpu.memref_squeeze %dma_start3A_34 : memref<1x1x25x80xi32, #tpu.memory_space<hbm>> -> memref<25x80xi32, #tpu.memory_space<hbm>>
    tpu.enqueue_dma source(%dma_start3A_35 : memref<25x80xi32, #tpu.memory_space<hbm>>) target(%dma_start3A_31 : memref<25x80xi32, #tpu.memory_space<vmem>>) target_semaphore(%arg12 : memref<!tpu.dma_semaphore, #tpu.memory_space<semaphore_mem>>)
    %scan3A = arith.constant 0 : i32
    %scan3A_36 = arith.constant 0 : i32
    %scan3A_37 = arith.constant 80 : i32
    %scan3A_38 = arith.addi %scan3A_36, %scan3A_37 : i32
    %scan3A_39 = arith.constant 1 : i32
    %scan3A_40 = scf.for %scan3A_110 = %scan3A_36 to %scan3A_38 step %scan3A_39 iter_args(%scan3A_111 = %scan3A) -> (i32)  : i32 {
      %broadcast_in_dim3A = arith.constant 0.000000e+00 : f32
      %broadcast_in_dim3A_112 = vector.broadcast %broadcast_in_dim3A : f32 to vector<16xf32>
      %swap3A = arith.constant 0 : i32
      %swap3A_113 = arith.index_cast %swap3A : i32 to index
      %swap3A_114 = arith.index_cast %scan3A_110 : i32 to index
      %swap3A_115 = arith.constant 0 : index
      %swap3A_116 = tpu.vector_load %arg8[%swap3A_113, %swap3A_114, %swap3A_115] {strides = array<i32>} : memref<3x80x128xf32, #tpu.memory_space<vmem>>, vector<1x1x16xf32>,
      %swap3A_117 = vector.shape_cast %swap3A_116 : vector<1x1x16xf32> to vector<16xf32>
      %swap3A_118 = vector.shape_cast %broadcast_in_dim3A_112 : vector<16xf32> to vector<1x1x16xf32>
      tpu.vector_store %arg8[%swap3A_113, %swap3A_114, %swap3A_115], %swap3A_118 {strides = array<i32>} : memref<3x80x128xf32, #tpu.memory_space<vmem>>, vector<1x1x16xf32>,
      %broadcast_in_dim3A_119 = arith.constant 0.000000e+00 : f32
      %broadcast_in_dim3A_120 = vector.broadcast %broadcast_in_dim3A_119 : f32 to vector<16xf32>
      %swap3A_121 = arith.constant 0 : i32
      %swap3A_122 = arith.index_cast %swap3A_121 : i32 to index
      %swap3A_123 = arith.index_cast %scan3A_110 : i32 to index
      %swap3A_124 = arith.constant 16 : index
      %swap3A_125 = tpu.vector_load %arg8[%swap3A_122, %swap3A_123, %swap3A_124] {strides = array<i32>} : memref<3x80x128xf32, #tpu.memory_space<vmem>>, vector<1x1x16xf32>,
      %swap3A_126 = vector.shape_cast %swap3A_125 : vector<1x1x16xf32> to vector<16xf32>
      %swap3A_127 = vector.shape_cast %broadcast_in_dim3A_120 : vector<16xf32> to vector<1x1x16xf32>
      tpu.vector_store %arg8[%swap3A_122, %swap3A_123, %swap3A_124], %swap3A_127 {strides = array<i32>} : memref<3x80x128xf32, #tpu.memory_space<vmem>>, vector<1x1x16xf32>,
      %broadcast_in_dim3A_128 = arith.constant 0.000000e+00 : f32
      %broadcast_in_dim3A_129 = vector.broadcast %broadcast_in_dim3A_128 : f32 to vector<16xf32>
      %swap3A_130 = arith.constant 0 : i32
      %swap3A_131 = arith.index_cast %swap3A_130 : i32 to index
      %swap3A_132 = arith.index_cast %scan3A_110 : i32 to index
      %swap3A_133 = arith.constant 32 : index
      %swap3A_134 = tpu.vector_load %arg8[%swap3A_131, %swap3A_132, %swap3A_133] {strides = array<i32>} : memref<3x80x128xf32, #tpu.memory_space<vmem>>, vector<1x1x16xf32>,
      %swap3A_135 = vector.shape_cast %swap3A_134 : vector<1x1x16xf32> to vector<16xf32>
      %swap3A_136 = vector.shape_cast %broadcast_in_dim3A_129 : vector<16xf32> to vector<1x1x16xf32>
      tpu.vector_store %arg8[%swap3A_131, %swap3A_132, %swap3A_133], %swap3A_136 {strides = array<i32>} : memref<3x80x128xf32, #tpu.memory_space<vmem>>, vector<1x1x16xf32>,
      %broadcast_in_dim3A_137 = arith.constant 0.000000e+00 : f32
      %broadcast_in_dim3A_138 = vector.broadcast %broadcast_in_dim3A_137 : f32 to vector<16xf32>
      %swap3A_139 = arith.constant 0 : i32
      %swap3A_140 = arith.index_cast %swap3A_139 : i32 to index
      %swap3A_141 = arith.index_cast %scan3A_110 : i32 to index
      %swap3A_142 = arith.constant 48 : index
      %swap3A_143 = tpu.vector_load %arg8[%swap3A_140, %swap3A_141, %swap3A_142] {strides = array<i32>} : memref<3x80x128xf32, #tpu.memory_space<vmem>>, vector<1x1x16xf32>,
      %swap3A_144 = vector.shape_cast %swap3A_143 : vector<1x1x16xf32> to vector<16xf32>
      %swap3A_145 = vector.shape_cast %broadcast_in_dim3A_138 : vector<16xf32> to vector<1x1x16xf32>
      tpu.vector_store %arg8[%swap3A_140, %swap3A_141, %swap3A_142], %swap3A_145 {strides = array<i32>} : memref<3x80x128xf32, #tpu.memory_space<vmem>>, vector<1x1x16xf32>,
      %broadcast_in_dim3A_146 = arith.constant 0.000000e+00 : f32
      %broadcast_in_dim3A_147 = vector.broadcast %broadcast_in_dim3A_146 : f32 to vector<16xf32>
      %swap3A_148 = arith.constant 0 : i32
      %swap3A_149 = arith.index_cast %swap3A_148 : i32 to index
      %swap3A_150 = arith.index_cast %scan3A_110 : i32 to index
      %swap3A_151 = arith.constant 64 : index
      %swap3A_152 = tpu.vector_load %arg8[%swap3A_149, %swap3A_150, %swap3A_151] {strides = array<i32>} : memref<3x80x128xf32, #tpu.memory_space<vmem>>, vector<1x1x16xf32>,
      %swap3A_153 = vector.shape_cast %swap3A_152 : vector<1x1x16xf32> to vector<16xf32>
      %swap3A_154 = vector.shape_cast %broadcast_in_dim3A_147 : vector<16xf32> to vector<1x1x16xf32>
      tpu.vector_store %arg8[%swap3A_149, %swap3A_150, %swap3A_151], %swap3A_154 {strides = array<i32>} : memref<3x80x128xf32, #tpu.memory_space<vmem>>, vector<1x1x16xf32>,
      %broadcast_in_dim3A_155 = arith.constant 0.000000e+00 : f32
      %broadcast_in_dim3A_156 = vector.broadcast %broadcast_in_dim3A_155 : f32 to vector<16xf32>
      %swap3A_157 = arith.constant 0 : i32
      %swap3A_158 = arith.index_cast %swap3A_157 : i32 to index
      %swap3A_159 = arith.index_cast %scan3A_110 : i32 to index
      %swap3A_160 = arith.constant 80 : index
      %swap3A_161 = tpu.vector_load %arg8[%swap3A_158, %swap3A_159, %swap3A_160] {strides = array<i32>} : memref<3x80x128xf32, #tpu.memory_space<vmem>>, vector<1x1x16xf32>,
      %swap3A_162 = vector.shape_cast %swap3A_161 : vector<1x1x16xf32> to vector<16xf32>
      %swap3A_163 = vector.shape_cast %broadcast_in_dim3A_156 : vector<16xf32> to vector<1x1x16xf32>
      tpu.vector_store %arg8[%swap3A_158, %swap3A_159, %swap3A_160], %swap3A_163 {strides = array<i32>} : memref<3x80x128xf32, #tpu.memory_space<vmem>>, vector<1x1x16xf32>,
      %broadcast_in_dim3A_164 = arith.constant 0.000000e+00 : f32
      %broadcast_in_dim3A_165 = vector.broadcast %broadcast_in_dim3A_164 : f32 to vector<16xf32>
      %swap3A_166 = arith.constant 0 : i32
      %swap3A_167 = arith.index_cast %swap3A_166 : i32 to index
      %swap3A_168 = arith.index_cast %scan3A_110 : i32 to index
      %swap3A_169 = arith.constant 96 : index
      %swap3A_170 = tpu.vector_load %arg8[%swap3A_167, %swap3A_168, %swap3A_169] {strides = array<i32>} : memref<3x80x128xf32, #tpu.memory_space<vmem>>, vector<1x1x16xf32>,
      %swap3A_171 = vector.shape_cast %swap3A_170 : vector<1x1x16xf32> to vector<16xf32>
      %swap3A_172 = vector.shape_cast %broadcast_in_dim3A_165 : vector<16xf32> to vector<1x1x16xf32>
      tpu.vector_store %arg8[%swap3A_167, %swap3A_168, %swap3A_169], %swap3A_172 {strides = array<i32>} : memref<3x80x128xf32, #tpu.memory_space<vmem>>, vector<1x1x16xf32>,
      %broadcast_in_dim3A_173 = arith.constant 0.000000e+00 : f32
      %broadcast_in_dim3A_174 = vector.broadcast %broadcast_in_dim3A_173 : f32 to vector<16xf32>
      %swap3A_175 = arith.constant 0 : i32
      %swap3A_176 = arith.index_cast %swap3A_175 : i32 to index
      %swap3A_177 = arith.index_cast %scan3A_110 : i32 to index
      %swap3A_178 = arith.constant 112 : index
      %swap3A_179 = tpu.vector_load %arg8[%swap3A_176, %swap3A_177, %swap3A_178] {strides = array<i32>} : memref<3x80x128xf32, #tpu.memory_space<vmem>>, vector<1x1x16xf32>,
      %swap3A_180 = vector.shape_cast %swap3A_179 : vector<1x1x16xf32> to vector<16xf32>
      %swap3A_181 = vector.shape_cast %broadcast_in_dim3A_174 : vector<16xf32> to vector<1x1x16xf32>
      tpu.vector_store %arg8[%swap3A_176, %swap3A_177, %swap3A_178], %swap3A_181 {strides = array<i32>} : memref<3x80x128xf32, #tpu.memory_space<vmem>>, vector<1x1x16xf32>,
      %scan3A_182 = arith.constant 0 : i32
      scf.yield %scan3A_182 : i32
    }
    %scan3A_41 = arith.constant 80 : i32
    %mul3A_42 = arith.constant 640 : i32
    %mul3A_43 = arith.muli %arg1, %mul3A_42 : i32
    %add3A_44 = arith.constant 0 : i32
    %add3A_45 = arith.addi %mul3A_43, %add3A_44 : i32
    %run_scoped3A = arith.constant 0 : i32
    "tpu.region"() ({
      %run_scoped3A_110 = tpu.sem_alloc : memref<!tpu.dma_semaphore, #tpu.memory_space<semaphore_mem>>
      %dma_start3A_111 = arith.constant 0 : i32
      %dma_start3A_112 = arith.constant 0 : i32
      %dma_start3A_113 = tpu.memref_slice %arg8[%run_scoped3A, %dma_start3A_111, %dma_start3A_112] : memref<3x80x128xf32, #tpu.memory_space<vmem>> -> memref<1x80x128xf32, #tpu.memory_space<vmem>>
      %dma_start3A_114 = tpu.memref_squeeze %dma_start3A_113 : memref<1x80x128xf32, #tpu.memory_space<vmem>> -> memref<80x128xf32, #tpu.memory_space<vmem>>
      %dma_start3A_115 = arith.constant 0 : i32
      %dma_start3A_116 = tpu.memref_slice %arg9[%add3A_45, %dma_start3A_115] : memref<10240x128xf32, #tpu.memory_space<vmem_shared>> -> memref<80x128xf32, #tpu.memory_space<vmem_shared>>
      %dma_start3A_117 = arith.constant 0 : i32
      %dma_start3A_118 = tpu.memref_slice %arg9[%add3A_45, %dma_start3A_117] : memref<10240x128xf32, #tpu.memory_space<vmem_shared>> -> memref<80x128xf32, #tpu.memory_space<vmem_shared>>
      %dma_start3A_119 = arith.constant 0 : i32
      %dma_start3A_120 = arith.constant 0 : i32
      %dma_start3A_121 = tpu.memref_slice %arg8[%run_scoped3A, %dma_start3A_119, %dma_start3A_120] : memref<3x80x128xf32, #tpu.memory_space<vmem>> -> memref<1x80x128xf32, #tpu.memory_space<vmem>>
      %dma_start3A_122 = tpu.memref_squeeze %dma_start3A_121 : memref<1x80x128xf32, #tpu.memory_space<vmem>> -> memref<80x128xf32, #tpu.memory_space<vmem>>
      tpu.enqueue_dma source(%dma_start3A_122 : memref<80x128xf32, #tpu.memory_space<vmem>>) target(%dma_start3A_118 : memref<80x128xf32, #tpu.memory_space<vmem_shared>>) target_semaphore(%run_scoped3A_110 : memref<!tpu.dma_semaphore, #tpu.memory_space<semaphore_mem>>)
      %dma_wait3A_123 = arith.constant 0 : i32
      %dma_wait3A_124 = arith.constant 0 : i32
      %dma_wait3A_125 = tpu.memref_slice %arg8[%run_scoped3A, %dma_wait3A_123, %dma_wait3A_124] : memref<3x80x128xf32, #tpu.memory_space<vmem>> -> memref<1x80x128xf32, #tpu.memory_space<vmem>>
      %dma_wait3A_126 = tpu.memref_squeeze %dma_wait3A_125 : memref<1x80x128xf32, #tpu.memory_space<vmem>> -> memref<80x128xf32, #tpu.memory_space<vmem>>
      %dma_wait3A_127 = arith.constant 0 : i32
      %dma_wait3A_128 = tpu.memref_slice %arg9[%add3A_45, %dma_wait3A_127] : memref<10240x128xf32, #tpu.memory_space<vmem_shared>> -> memref<80x128xf32, #tpu.memory_space<vmem_shared>>
      %dma_wait3A_129 = arith.constant 0 : i32
      %dma_wait3A_130 = tpu.memref_slice %arg9[%add3A_45, %dma_wait3A_129] : memref<10240x128xf32, #tpu.memory_space<vmem_shared>> -> memref<80x128xf32, #tpu.memory_space<vmem_shared>>
      %dma_wait3A_131 = arith.constant 0 : i32
      %dma_wait3A_132 = arith.constant 0 : i32
      %dma_wait3A_133 = tpu.memref_slice %arg8[%run_scoped3A, %dma_wait3A_131, %dma_wait3A_132] : memref<3x80x128xf32, #tpu.memory_space<vmem>> -> memref<1x80x128xf32, #tpu.memory_space<vmem>>
      %dma_wait3A_134 = tpu.memref_squeeze %dma_wait3A_133 : memref<1x80x128xf32, #tpu.memory_space<vmem>> -> memref<80x128xf32, #tpu.memory_space<vmem>>
      tpu.wait_dma2 semaphore(%run_scoped3A_110 : memref<!tpu.dma_semaphore, #tpu.memory_space<semaphore_mem>>) src(%dma_wait3A_134 : memref<80x128xf32, #tpu.memory_space<vmem>>) dst(%dma_wait3A_130 : memref<80x128xf32, #tpu.memory_space<vmem_shared>>)
      tpu.yield
    }) : () -> ()
    %add3A_46 = arith.constant 80 : i32
    %add3A_47 = arith.addi %mul3A_43, %add3A_46 : i32
    %run_scoped3A_48 = arith.constant 0 : i32
    "tpu.region"() ({
      %run_scoped3A_110 = tpu.sem_alloc : memref<!tpu.dma_semaphore, #tpu.memory_space<semaphore_mem>>
      %dma_start3A_111 = arith.constant 0 : i32
      %dma_start3A_112 = arith.constant 0 : i32
      %dma_start3A_113 = tpu.memref_slice %arg8[%run_scoped3A_48, %dma_start3A_111, %dma_start3A_112] : memref<3x80x128xf32, #tpu.memory_space<vmem>> -> memref<1x80x128xf32, #tpu.memory_space<vmem>>
      %dma_start3A_114 = tpu.memref_squeeze %dma_start3A_113 : memref<1x80x128xf32, #tpu.memory_space<vmem>> -> memref<80x128xf32, #tpu.memory_space<vmem>>
      %dma_start3A_115 = arith.constant 0 : i32
      %dma_start3A_116 = tpu.memref_slice %arg9[%add3A_47, %dma_start3A_115] : memref<10240x128xf32, #tpu.memory_space<vmem_shared>> -> memref<80x128xf32, #tpu.memory_space<vmem_shared>>
      %dma_start3A_117 = arith.constant 0 : i32
      %dma_start3A_118 = tpu.memref_slice %arg9[%add3A_47, %dma_start3A_117] : memref<10240x128xf32, #tpu.memory_space<vmem_shared>> -> memref<80x128xf32, #tpu.memory_space<vmem_shared>>
      %dma_start3A_119 = arith.constant 0 : i32
      %dma_start3A_120 = arith.constant 0 : i32
      %dma_start3A_121 = tpu.memref_slice %arg8[%run_scoped3A_48, %dma_start3A_119, %dma_start3A_120] : memref<3x80x128xf32, #tpu.memory_space<vmem>> -> memref<1x80x128xf32, #tpu.memory_space<vmem>>
      %dma_start3A_122 = tpu.memref_squeeze %dma_start3A_121 : memref<1x80x128xf32, #tpu.memory_space<vmem>> -> memref<80x128xf32, #tpu.memory_space<vmem>>
      tpu.enqueue_dma source(%dma_start3A_122 : memref<80x128xf32, #tpu.memory_space<vmem>>) target(%dma_start3A_118 : memref<80x128xf32, #tpu.memory_space<vmem_shared>>) target_semaphore(%run_scoped3A_110 : memref<!tpu.dma_semaphore, #tpu.memory_space<semaphore_mem>>)
      %dma_wait3A_123 = arith.constant 0 : i32
      %dma_wait3A_124 = arith.constant 0 : i32
      %dma_wait3A_125 = tpu.memref_slice %arg8[%run_scoped3A_48, %dma_wait3A_123, %dma_wait3A_124] : memref<3x80x128xf32, #tpu.memory_space<vmem>> -> memref<1x80x128xf32, #tpu.memory_space<vmem>>
      %dma_wait3A_126 = tpu.memref_squeeze %dma_wait3A_125 : memref<1x80x128xf32, #tpu.memory_space<vmem>> -> memref<80x128xf32, #tpu.memory_space<vmem>>
      %dma_wait3A_127 = arith.constant 0 : i32
      %dma_wait3A_128 = tpu.memref_slice %arg9[%add3A_47, %dma_wait3A_127] : memref<10240x128xf32, #tpu.memory_space<vmem_shared>> -> memref<80x128xf32, #tpu.memory_space<vmem_shared>>
      %dma_wait3A_129 = arith.constant 0 : i32
      %dma_wait3A_130 = tpu.memref_slice %arg9[%add3A_47, %dma_wait3A_129] : memref<10240x128xf32, #tpu.memory_space<vmem_shared>> -> memref<80x128xf32, #tpu.memory_space<vmem_shared>>
      %dma_wait3A_131 = arith.constant 0 : i32
      %dma_wait3A_132 = arith.constant 0 : i32
      %dma_wait3A_133 = tpu.memref_slice %arg8[%run_scoped3A_48, %dma_wait3A_131, %dma_wait3A_132] : memref<3x80x128xf32, #tpu.memory_space<vmem>> -> memref<1x80x128xf32, #tpu.memory_space<vmem>>
      %dma_wait3A_134 = tpu.memref_squeeze %dma_wait3A_133 : memref<1x80x128xf32, #tpu.memory_space<vmem>> -> memref<80x128xf32, #tpu.memory_space<vmem>>
      tpu.wait_dma2 semaphore(%run_scoped3A_110 : memref<!tpu.dma_semaphore, #tpu.memory_space<semaphore_mem>>) src(%dma_wait3A_134 : memref<80x128xf32, #tpu.memory_space<vmem>>) dst(%dma_wait3A_130 : memref<80x128xf32, #tpu.memory_space<vmem_shared>>)
      tpu.yield
    }) : () -> ()
    %add3A_49 = arith.constant 160 : i32
    %add3A_50 = arith.addi %mul3A_43, %add3A_49 : i32
    %run_scoped3A_51 = arith.constant 0 : i32
    "tpu.region"() ({
      %run_scoped3A_110 = tpu.sem_alloc : memref<!tpu.dma_semaphore, #tpu.memory_space<semaphore_mem>>
      %dma_start3A_111 = arith.constant 0 : i32
      %dma_start3A_112 = arith.constant 0 : i32
      %dma_start3A_113 = tpu.memref_slice %arg8[%run_scoped3A_51, %dma_start3A_111, %dma_start3A_112] : memref<3x80x128xf32, #tpu.memory_space<vmem>> -> memref<1x80x128xf32, #tpu.memory_space<vmem>>
      %dma_start3A_114 = tpu.memref_squeeze %dma_start3A_113 : memref<1x80x128xf32, #tpu.memory_space<vmem>> -> memref<80x128xf32, #tpu.memory_space<vmem>>
      %dma_start3A_115 = arith.constant 0 : i32
      %dma_start3A_116 = tpu.memref_slice %arg9[%add3A_50, %dma_start3A_115] : memref<10240x128xf32, #tpu.memory_space<vmem_shared>> -> memref<80x128xf32, #tpu.memory_space<vmem_shared>>
      %dma_start3A_117 = arith.constant 0 : i32
      %dma_start3A_118 = tpu.memref_slice %arg9[%add3A_50, %dma_start3A_117] : memref<10240x128xf32, #tpu.memory_space<vmem_shared>> -> memref<80x128xf32, #tpu.memory_space<vmem_shared>>
      %dma_start3A_119 = arith.constant 0 : i32
      %dma_start3A_120 = arith.constant 0 : i32
      %dma_start3A_121 = tpu.memref_slice %arg8[%run_scoped3A_51, %dma_start3A_119, %dma_start3A_120] : memref<3x80x128xf32, #tpu.memory_space<vmem>> -> memref<1x80x128xf32, #tpu.memory_space<vmem>>
      %dma_start3A_122 = tpu.memref_squeeze %dma_start3A_121 : memref<1x80x128xf32, #tpu.memory_space<vmem>> -> memref<80x128xf32, #tpu.memory_space<vmem>>
      tpu.enqueue_dma source(%dma_start3A_122 : memref<80x128xf32, #tpu.memory_space<vmem>>) target(%dma_start3A_118 : memref<80x128xf32, #tpu.memory_space<vmem_shared>>) target_semaphore(%run_scoped3A_110 : memref<!tpu.dma_semaphore, #tpu.memory_space<semaphore_mem>>)
      %dma_wait3A_123 = arith.constant 0 : i32
      %dma_wait3A_124 = arith.constant 0 : i32
      %dma_wait3A_125 = tpu.memref_slice %arg8[%run_scoped3A_51, %dma_wait3A_123, %dma_wait3A_124] : memref<3x80x128xf32, #tpu.memory_space<vmem>> -> memref<1x80x128xf32, #tpu.memory_space<vmem>>
      %dma_wait3A_126 = tpu.memref_squeeze %dma_wait3A_125 : memref<1x80x128xf32, #tpu.memory_space<vmem>> -> memref<80x128xf32, #tpu.memory_space<vmem>>
      %dma_wait3A_127 = arith.constant 0 : i32
      %dma_wait3A_128 = tpu.memref_slice %arg9[%add3A_50, %dma_wait3A_127] : memref<10240x128xf32, #tpu.memory_space<vmem_shared>> -> memref<80x128xf32, #tpu.memory_space<vmem_shared>>
      %dma_wait3A_129 = arith.constant 0 : i32
      %dma_wait3A_130 = tpu.memref_slice %arg9[%add3A_50, %dma_wait3A_129] : memref<10240x128xf32, #tpu.memory_space<vmem_shared>> -> memref<80x128xf32, #tpu.memory_space<vmem_shared>>
      %dma_wait3A_131 = arith.constant 0 : i32
      %dma_wait3A_132 = arith.constant 0 : i32
      %dma_wait3A_133 = tpu.memref_slice %arg8[%run_scoped3A_51, %dma_wait3A_131, %dma_wait3A_132] : memref<3x80x128xf32, #tpu.memory_space<vmem>> -> memref<1x80x128xf32, #tpu.memory_space<vmem>>
      %dma_wait3A_134 = tpu.memref_squeeze %dma_wait3A_133 : memref<1x80x128xf32, #tpu.memory_space<vmem>> -> memref<80x128xf32, #tpu.memory_space<vmem>>
      tpu.wait_dma2 semaphore(%run_scoped3A_110 : memref<!tpu.dma_semaphore, #tpu.memory_space<semaphore_mem>>) src(%dma_wait3A_134 : memref<80x128xf32, #tpu.memory_space<vmem>>) dst(%dma_wait3A_130 : memref<80x128xf32, #tpu.memory_space<vmem_shared>>)
      tpu.yield
    }) : () -> ()
    %add3A_52 = arith.constant 240 : i32
    %add3A_53 = arith.addi %mul3A_43, %add3A_52 : i32
    %run_scoped3A_54 = arith.constant 0 : i32
    "tpu.region"() ({
      %run_scoped3A_110 = tpu.sem_alloc : memref<!tpu.dma_semaphore, #tpu.memory_space<semaphore_mem>>
      %dma_start3A_111 = arith.constant 0 : i32
      %dma_start3A_112 = arith.constant 0 : i32
      %dma_start3A_113 = tpu.memref_slice %arg8[%run_scoped3A_54, %dma_start3A_111, %dma_start3A_112] : memref<3x80x128xf32, #tpu.memory_space<vmem>> -> memref<1x80x128xf32, #tpu.memory_space<vmem>>
      %dma_start3A_114 = tpu.memref_squeeze %dma_start3A_113 : memref<1x80x128xf32, #tpu.memory_space<vmem>> -> memref<80x128xf32, #tpu.memory_space<vmem>>
      %dma_start3A_115 = arith.constant 0 : i32
      %dma_start3A_116 = tpu.memref_slice %arg9[%add3A_53, %dma_start3A_115] : memref<10240x128xf32, #tpu.memory_space<vmem_shared>> -> memref<80x128xf32, #tpu.memory_space<vmem_shared>>
      %dma_start3A_117 = arith.constant 0 : i32
      %dma_start3A_118 = tpu.memref_slice %arg9[%add3A_53, %dma_start3A_117] : memref<10240x128xf32, #tpu.memory_space<vmem_shared>> -> memref<80x128xf32, #tpu.memory_space<vmem_shared>>
      %dma_start3A_119 = arith.constant 0 : i32
      %dma_start3A_120 = arith.constant 0 : i32
      %dma_start3A_121 = tpu.memref_slice %arg8[%run_scoped3A_54, %dma_start3A_119, %dma_start3A_120] : memref<3x80x128xf32, #tpu.memory_space<vmem>> -> memref<1x80x128xf32, #tpu.memory_space<vmem>>
      %dma_start3A_122 = tpu.memref_squeeze %dma_start3A_121 : memref<1x80x128xf32, #tpu.memory_space<vmem>> -> memref<80x128xf32, #tpu.memory_space<vmem>>
      tpu.enqueue_dma source(%dma_start3A_122 : memref<80x128xf32, #tpu.memory_space<vmem>>) target(%dma_start3A_118 : memref<80x128xf32, #tpu.memory_space<vmem_shared>>) target_semaphore(%run_scoped3A_110 : memref<!tpu.dma_semaphore, #tpu.memory_space<semaphore_mem>>)
      %dma_wait3A_123 = arith.constant 0 : i32
      %dma_wait3A_124 = arith.constant 0 : i32
      %dma_wait3A_125 = tpu.memref_slice %arg8[%run_scoped3A_54, %dma_wait3A_123, %dma_wait3A_124] : memref<3x80x128xf32, #tpu.memory_space<vmem>> -> memref<1x80x128xf32, #tpu.memory_space<vmem>>
      %dma_wait3A_126 = tpu.memref_squeeze %dma_wait3A_125 : memref<1x80x128xf32, #tpu.memory_space<vmem>> -> memref<80x128xf32, #tpu.memory_space<vmem>>
      %dma_wait3A_127 = arith.constant 0 : i32
      %dma_wait3A_128 = tpu.memref_slice %arg9[%add3A_53, %dma_wait3A_127] : memref<10240x128xf32, #tpu.memory_space<vmem_shared>> -> memref<80x128xf32, #tpu.memory_space<vmem_shared>>
      %dma_wait3A_129 = arith.constant 0 : i32
      %dma_wait3A_130 = tpu.memref_slice %arg9[%add3A_53, %dma_wait3A_129] : memref<10240x128xf32, #tpu.memory_space<vmem_shared>> -> memref<80x128xf32, #tpu.memory_space<vmem_shared>>
      %dma_wait3A_131 = arith.constant 0 : i32
      %dma_wait3A_132 = arith.constant 0 : i32
      %dma_wait3A_133 = tpu.memref_slice %arg8[%run_scoped3A_54, %dma_wait3A_131, %dma_wait3A_132] : memref<3x80x128xf32, #tpu.memory_space<vmem>> -> memref<1x80x128xf32, #tpu.memory_space<vmem>>
      %dma_wait3A_134 = tpu.memref_squeeze %dma_wait3A_133 : memref<1x80x128xf32, #tpu.memory_space<vmem>> -> memref<80x128xf32, #tpu.memory_space<vmem>>
      tpu.wait_dma2 semaphore(%run_scoped3A_110 : memref<!tpu.dma_semaphore, #tpu.memory_space<semaphore_mem>>) src(%dma_wait3A_134 : memref<80x128xf32, #tpu.memory_space<vmem>>) dst(%dma_wait3A_130 : memref<80x128xf32, #tpu.memory_space<vmem_shared>>)
      tpu.yield
    }) : () -> ()
    %add3A_55 = arith.constant 320 : i32
    %add3A_56 = arith.addi %mul3A_43, %add3A_55 : i32
    %run_scoped3A_57 = arith.constant 0 : i32
    "tpu.region"() ({
      %run_scoped3A_110 = tpu.sem_alloc : memref<!tpu.dma_semaphore, #tpu.memory_space<semaphore_mem>>
      %dma_start3A_111 = arith.constant 0 : i32
      %dma_start3A_112 = arith.constant 0 : i32
      %dma_start3A_113 = tpu.memref_slice %arg8[%run_scoped3A_57, %dma_start3A_111, %dma_start3A_112] : memref<3x80x128xf32, #tpu.memory_space<vmem>> -> memref<1x80x128xf32, #tpu.memory_space<vmem>>
      %dma_start3A_114 = tpu.memref_squeeze %dma_start3A_113 : memref<1x80x128xf32, #tpu.memory_space<vmem>> -> memref<80x128xf32, #tpu.memory_space<vmem>>
      %dma_start3A_115 = arith.constant 0 : i32
      %dma_start3A_116 = tpu.memref_slice %arg9[%add3A_56, %dma_start3A_115] : memref<10240x128xf32, #tpu.memory_space<vmem_shared>> -> memref<80x128xf32, #tpu.memory_space<vmem_shared>>
      %dma_start3A_117 = arith.constant 0 : i32
      %dma_start3A_118 = tpu.memref_slice %arg9[%add3A_56, %dma_start3A_117] : memref<10240x128xf32, #tpu.memory_space<vmem_shared>> -> memref<80x128xf32, #tpu.memory_space<vmem_shared>>
      %dma_start3A_119 = arith.constant 0 : i32
      %dma_start3A_120 = arith.constant 0 : i32
      %dma_start3A_121 = tpu.memref_slice %arg8[%run_scoped3A_57, %dma_start3A_119, %dma_start3A_120] : memref<3x80x128xf32, #tpu.memory_space<vmem>> -> memref<1x80x128xf32, #tpu.memory_space<vmem>>
      %dma_start3A_122 = tpu.memref_squeeze %dma_start3A_121 : memref<1x80x128xf32, #tpu.memory_space<vmem>> -> memref<80x128xf32, #tpu.memory_space<vmem>>
      tpu.enqueue_dma source(%dma_start3A_122 : memref<80x128xf32, #tpu.memory_space<vmem>>) target(%dma_start3A_118 : memref<80x128xf32, #tpu.memory_space<vmem_shared>>) target_semaphore(%run_scoped3A_110 : memref<!tpu.dma_semaphore, #tpu.memory_space<semaphore_mem>>)
      %dma_wait3A_123 = arith.constant 0 : i32
      %dma_wait3A_124 = arith.constant 0 : i32
      %dma_wait3A_125 = tpu.memref_slice %arg8[%run_scoped3A_57, %dma_wait3A_123, %dma_wait3A_124] : memref<3x80x128xf32, #tpu.memory_space<vmem>> -> memref<1x80x128xf32, #tpu.memory_space<vmem>>
      %dma_wait3A_126 = tpu.memref_squeeze %dma_wait3A_125 : memref<1x80x128xf32, #tpu.memory_space<vmem>> -> memref<80x128xf32, #tpu.memory_space<vmem>>
      %dma_wait3A_127 = arith.constant 0 : i32
      %dma_wait3A_128 = tpu.memref_slice %arg9[%add3A_56, %dma_wait3A_127] : memref<10240x128xf32, #tpu.memory_space<vmem_shared>> -> memref<80x128xf32, #tpu.memory_space<vmem_shared>>
      %dma_wait3A_129 = arith.constant 0 : i32
      %dma_wait3A_130 = tpu.memref_slice %arg9[%add3A_56, %dma_wait3A_129] : memref<10240x128xf32, #tpu.memory_space<vmem_shared>> -> memref<80x128xf32, #tpu.memory_space<vmem_shared>>
      %dma_wait3A_131 = arith.constant 0 : i32
      %dma_wait3A_132 = arith.constant 0 : i32
      %dma_wait3A_133 = tpu.memref_slice %arg8[%run_scoped3A_57, %dma_wait3A_131, %dma_wait3A_132] : memref<3x80x128xf32, #tpu.memory_space<vmem>> -> memref<1x80x128xf32, #tpu.memory_space<vmem>>
      %dma_wait3A_134 = tpu.memref_squeeze %dma_wait3A_133 : memref<1x80x128xf32, #tpu.memory_space<vmem>> -> memref<80x128xf32, #tpu.memory_space<vmem>>
      tpu.wait_dma2 semaphore(%run_scoped3A_110 : memref<!tpu.dma_semaphore, #tpu.memory_space<semaphore_mem>>) src(%dma_wait3A_134 : memref<80x128xf32, #tpu.memory_space<vmem>>) dst(%dma_wait3A_130 : memref<80x128xf32, #tpu.memory_space<vmem_shared>>)
      tpu.yield
    }) : () -> ()
    %add3A_58 = arith.constant 400 : i32
    %add3A_59 = arith.addi %mul3A_43, %add3A_58 : i32
    %run_scoped3A_60 = arith.constant 0 : i32
    "tpu.region"() ({
      %run_scoped3A_110 = tpu.sem_alloc : memref<!tpu.dma_semaphore, #tpu.memory_space<semaphore_mem>>
      %dma_start3A_111 = arith.constant 0 : i32
      %dma_start3A_112 = arith.constant 0 : i32
      %dma_start3A_113 = tpu.memref_slice %arg8[%run_scoped3A_60, %dma_start3A_111, %dma_start3A_112] : memref<3x80x128xf32, #tpu.memory_space<vmem>> -> memref<1x80x128xf32, #tpu.memory_space<vmem>>
      %dma_start3A_114 = tpu.memref_squeeze %dma_start3A_113 : memref<1x80x128xf32, #tpu.memory_space<vmem>> -> memref<80x128xf32, #tpu.memory_space<vmem>>
      %dma_start3A_115 = arith.constant 0 : i32
      %dma_start3A_116 = tpu.memref_slice %arg9[%add3A_59, %dma_start3A_115] : memref<10240x128xf32, #tpu.memory_space<vmem_shared>> -> memref<80x128xf32, #tpu.memory_space<vmem_shared>>
      %dma_start3A_117 = arith.constant 0 : i32
      %dma_start3A_118 = tpu.memref_slice %arg9[%add3A_59, %dma_start3A_117] : memref<10240x128xf32, #tpu.memory_space<vmem_shared>> -> memref<80x128xf32, #tpu.memory_space<vmem_shared>>
      %dma_start3A_119 = arith.constant 0 : i32
      %dma_start3A_120 = arith.constant 0 : i32
      %dma_start3A_121 = tpu.memref_slice %arg8[%run_scoped3A_60, %dma_start3A_119, %dma_start3A_120] : memref<3x80x128xf32, #tpu.memory_space<vmem>> -> memref<1x80x128xf32, #tpu.memory_space<vmem>>
      %dma_start3A_122 = tpu.memref_squeeze %dma_start3A_121 : memref<1x80x128xf32, #tpu.memory_space<vmem>> -> memref<80x128xf32, #tpu.memory_space<vmem>>
      tpu.enqueue_dma source(%dma_start3A_122 : memref<80x128xf32, #tpu.memory_space<vmem>>) target(%dma_start3A_118 : memref<80x128xf32, #tpu.memory_space<vmem_shared>>) target_semaphore(%run_scoped3A_110 : memref<!tpu.dma_semaphore, #tpu.memory_space<semaphore_mem>>)
      %dma_wait3A_123 = arith.constant 0 : i32
      %dma_wait3A_124 = arith.constant 0 : i32
      %dma_wait3A_125 = tpu.memref_slice %arg8[%run_scoped3A_60, %dma_wait3A_123, %dma_wait3A_124] : memref<3x80x128xf32, #tpu.memory_space<vmem>> -> memref<1x80x128xf32, #tpu.memory_space<vmem>>
      %dma_wait3A_126 = tpu.memref_squeeze %dma_wait3A_125 : memref<1x80x128xf32, #tpu.memory_space<vmem>> -> memref<80x128xf32, #tpu.memory_space<vmem>>
      %dma_wait3A_127 = arith.constant 0 : i32
      %dma_wait3A_128 = tpu.memref_slice %arg9[%add3A_59, %dma_wait3A_127] : memref<10240x128xf32, #tpu.memory_space<vmem_shared>> -> memref<80x128xf32, #tpu.memory_space<vmem_shared>>
      %dma_wait3A_129 = arith.constant 0 : i32
      %dma_wait3A_130 = tpu.memref_slice %arg9[%add3A_59, %dma_wait3A_129] : memref<10240x128xf32, #tpu.memory_space<vmem_shared>> -> memref<80x128xf32, #tpu.memory_space<vmem_shared>>
      %dma_wait3A_131 = arith.constant 0 : i32
      %dma_wait3A_132 = arith.constant 0 : i32
      %dma_wait3A_133 = tpu.memref_slice %arg8[%run_scoped3A_60, %dma_wait3A_131, %dma_wait3A_132] : memref<3x80x128xf32, #tpu.memory_space<vmem>> -> memref<1x80x128xf32, #tpu.memory_space<vmem>>
      %dma_wait3A_134 = tpu.memref_squeeze %dma_wait3A_133 : memref<1x80x128xf32, #tpu.memory_space<vmem>> -> memref<80x128xf32, #tpu.memory_space<vmem>>
      tpu.wait_dma2 semaphore(%run_scoped3A_110 : memref<!tpu.dma_semaphore, #tpu.memory_space<semaphore_mem>>) src(%dma_wait3A_134 : memref<80x128xf32, #tpu.memory_space<vmem>>) dst(%dma_wait3A_130 : memref<80x128xf32, #tpu.memory_space<vmem_shared>>)
      tpu.yield
    }) : () -> ()
    %add3A_61 = arith.constant 480 : i32
    %add3A_62 = arith.addi %mul3A_43, %add3A_61 : i32
    %run_scoped3A_63 = arith.constant 0 : i32
    "tpu.region"() ({
      %run_scoped3A_110 = tpu.sem_alloc : memref<!tpu.dma_semaphore, #tpu.memory_space<semaphore_mem>>
      %dma_start3A_111 = arith.constant 0 : i32
      %dma_start3A_112 = arith.constant 0 : i32
      %dma_start3A_113 = tpu.memref_slice %arg8[%run_scoped3A_63, %dma_start3A_111, %dma_start3A_112] : memref<3x80x128xf32, #tpu.memory_space<vmem>> -> memref<1x80x128xf32, #tpu.memory_space<vmem>>
      %dma_start3A_114 = tpu.memref_squeeze %dma_start3A_113 : memref<1x80x128xf32, #tpu.memory_space<vmem>> -> memref<80x128xf32, #tpu.memory_space<vmem>>
      %dma_start3A_115 = arith.constant 0 : i32
      %dma_start3A_116 = tpu.memref_slice %arg9[%add3A_62, %dma_start3A_115] : memref<10240x128xf32, #tpu.memory_space<vmem_shared>> -> memref<80x128xf32, #tpu.memory_space<vmem_shared>>
      %dma_start3A_117 = arith.constant 0 : i32
      %dma_start3A_118 = tpu.memref_slice %arg9[%add3A_62, %dma_start3A_117] : memref<10240x128xf32, #tpu.memory_space<vmem_shared>> -> memref<80x128xf32, #tpu.memory_space<vmem_shared>>
      %dma_start3A_119 = arith.constant 0 : i32
      %dma_start3A_120 = arith.constant 0 : i32
      %dma_start3A_121 = tpu.memref_slice %arg8[%run_scoped3A_63, %dma_start3A_119, %dma_start3A_120] : memref<3x80x128xf32, #tpu.memory_space<vmem>> -> memref<1x80x128xf32, #tpu.memory_space<vmem>>
      %dma_start3A_122 = tpu.memref_squeeze %dma_start3A_121 : memref<1x80x128xf32, #tpu.memory_space<vmem>> -> memref<80x128xf32, #tpu.memory_space<vmem>>
      tpu.enqueue_dma source(%dma_start3A_122 : memref<80x128xf32, #tpu.memory_space<vmem>>) target(%dma_start3A_118 : memref<80x128xf32, #tpu.memory_space<vmem_shared>>) target_semaphore(%run_scoped3A_110 : memref<!tpu.dma_semaphore, #tpu.memory_space<semaphore_mem>>)
      %dma_wait3A_123 = arith.constant 0 : i32
      %dma_wait3A_124 = arith.constant 0 : i32
      %dma_wait3A_125 = tpu.memref_slice %arg8[%run_scoped3A_63, %dma_wait3A_123, %dma_wait3A_124] : memref<3x80x128xf32, #tpu.memory_space<vmem>> -> memref<1x80x128xf32, #tpu.memory_space<vmem>>
      %dma_wait3A_126 = tpu.memref_squeeze %dma_wait3A_125 : memref<1x80x128xf32, #tpu.memory_space<vmem>> -> memref<80x128xf32, #tpu.memory_space<vmem>>
      %dma_wait3A_127 = arith.constant 0 : i32
      %dma_wait3A_128 = tpu.memref_slice %arg9[%add3A_62, %dma_wait3A_127] : memref<10240x128xf32, #tpu.memory_space<vmem_shared>> -> memref<80x128xf32, #tpu.memory_space<vmem_shared>>
      %dma_wait3A_129 = arith.constant 0 : i32
      %dma_wait3A_130 = tpu.memref_slice %arg9[%add3A_62, %dma_wait3A_129] : memref<10240x128xf32, #tpu.memory_space<vmem_shared>> -> memref<80x128xf32, #tpu.memory_space<vmem_shared>>
      %dma_wait3A_131 = arith.constant 0 : i32
      %dma_wait3A_132 = arith.constant 0 : i32
      %dma_wait3A_133 = tpu.memref_slice %arg8[%run_scoped3A_63, %dma_wait3A_131, %dma_wait3A_132] : memref<3x80x128xf32, #tpu.memory_space<vmem>> -> memref<1x80x128xf32, #tpu.memory_space<vmem>>
      %dma_wait3A_134 = tpu.memref_squeeze %dma_wait3A_133 : memref<1x80x128xf32, #tpu.memory_space<vmem>> -> memref<80x128xf32, #tpu.memory_space<vmem>>
      tpu.wait_dma2 semaphore(%run_scoped3A_110 : memref<!tpu.dma_semaphore, #tpu.memory_space<semaphore_mem>>) src(%dma_wait3A_134 : memref<80x128xf32, #tpu.memory_space<vmem>>) dst(%dma_wait3A_130 : memref<80x128xf32, #tpu.memory_space<vmem_shared>>)
      tpu.yield
    }) : () -> ()
    %add3A_64 = arith.constant 560 : i32
    %add3A_65 = arith.addi %mul3A_43, %add3A_64 : i32
    %run_scoped3A_66 = arith.constant 0 : i32
    "tpu.region"() ({
      %run_scoped3A_110 = tpu.sem_alloc : memref<!tpu.dma_semaphore, #tpu.memory_space<semaphore_mem>>
      %dma_start3A_111 = arith.constant 0 : i32
      %dma_start3A_112 = arith.constant 0 : i32
      %dma_start3A_113 = tpu.memref_slice %arg8[%run_scoped3A_66, %dma_start3A_111, %dma_start3A_112] : memref<3x80x128xf32, #tpu.memory_space<vmem>> -> memref<1x80x128xf32, #tpu.memory_space<vmem>>
      %dma_start3A_114 = tpu.memref_squeeze %dma_start3A_113 : memref<1x80x128xf32, #tpu.memory_space<vmem>> -> memref<80x128xf32, #tpu.memory_space<vmem>>
      %dma_start3A_115 = arith.constant 0 : i32
      %dma_start3A_116 = tpu.memref_slice %arg9[%add3A_65, %dma_start3A_115] : memref<10240x128xf32, #tpu.memory_space<vmem_shared>> -> memref<80x128xf32, #tpu.memory_space<vmem_shared>>
      %dma_start3A_117 = arith.constant 0 : i32
      %dma_start3A_118 = tpu.memref_slice %arg9[%add3A_65, %dma_start3A_117] : memref<10240x128xf32, #tpu.memory_space<vmem_shared>> -> memref<80x128xf32, #tpu.memory_space<vmem_shared>>
      %dma_start3A_119 = arith.constant 0 : i32
      %dma_start3A_120 = arith.constant 0 : i32
      %dma_start3A_121 = tpu.memref_slice %arg8[%run_scoped3A_66, %dma_start3A_119, %dma_start3A_120] : memref<3x80x128xf32, #tpu.memory_space<vmem>> -> memref<1x80x128xf32, #tpu.memory_space<vmem>>
      %dma_start3A_122 = tpu.memref_squeeze %dma_start3A_121 : memref<1x80x128xf32, #tpu.memory_space<vmem>> -> memref<80x128xf32, #tpu.memory_space<vmem>>
      tpu.enqueue_dma source(%dma_start3A_122 : memref<80x128xf32, #tpu.memory_space<vmem>>) target(%dma_start3A_118 : memref<80x128xf32, #tpu.memory_space<vmem_shared>>) target_semaphore(%run_scoped3A_110 : memref<!tpu.dma_semaphore, #tpu.memory_space<semaphore_mem>>)
      %dma_wait3A_123 = arith.constant 0 : i32
      %dma_wait3A_124 = arith.constant 0 : i32
      %dma_wait3A_125 = tpu.memref_slice %arg8[%run_scoped3A_66, %dma_wait3A_123, %dma_wait3A_124] : memref<3x80x128xf32, #tpu.memory_space<vmem>> -> memref<1x80x128xf32, #tpu.memory_space<vmem>>
      %dma_wait3A_126 = tpu.memref_squeeze %dma_wait3A_125 : memref<1x80x128xf32, #tpu.memory_space<vmem>> -> memref<80x128xf32, #tpu.memory_space<vmem>>
      %dma_wait3A_127 = arith.constant 0 : i32
      %dma_wait3A_128 = tpu.memref_slice %arg9[%add3A_65, %dma_wait3A_127] : memref<10240x128xf32, #tpu.memory_space<vmem_shared>> -> memref<80x128xf32, #tpu.memory_space<vmem_shared>>
      %dma_wait3A_129 = arith.constant 0 : i32
      %dma_wait3A_130 = tpu.memref_slice %arg9[%add3A_65, %dma_wait3A_129] : memref<10240x128xf32, #tpu.memory_space<vmem_shared>> -> memref<80x128xf32, #tpu.memory_space<vmem_shared>>
      %dma_wait3A_131 = arith.constant 0 : i32
      %dma_wait3A_132 = arith.constant 0 : i32
      %dma_wait3A_133 = tpu.memref_slice %arg8[%run_scoped3A_66, %dma_wait3A_131, %dma_wait3A_132] : memref<3x80x128xf32, #tpu.memory_space<vmem>> -> memref<1x80x128xf32, #tpu.memory_space<vmem>>
      %dma_wait3A_134 = tpu.memref_squeeze %dma_wait3A_133 : memref<1x80x128xf32, #tpu.memory_space<vmem>> -> memref<80x128xf32, #tpu.memory_space<vmem>>
      tpu.wait_dma2 semaphore(%run_scoped3A_110 : memref<!tpu.dma_semaphore, #tpu.memory_space<semaphore_mem>>) src(%dma_wait3A_134 : memref<80x128xf32, #tpu.memory_space<vmem>>) dst(%dma_wait3A_130 : memref<80x128xf32, #tpu.memory_space<vmem_shared>>)
      tpu.yield
    }) : () -> ()
    %dma_wait3A = arith.constant 0 : i32
    %dma_wait3A_67 = arith.constant 0 : i32
    %dma_wait3A_68 = arith.constant 0 : i32
    %dma_wait3A_69 = arith.constant 0 : i32
    %dma_wait3A_70 = tpu.memref_slice %arg6[%dma_wait3A_67, %dma_wait3A_68, %dma_wait3A_69] : memref<2x25x80xi32, #tpu.memory_space<vmem>> -> memref<1x25x80xi32, #tpu.memory_space<vmem>>
    %dma_wait3A_71 = tpu.memref_squeeze %dma_wait3A_70 : memref<1x25x80xi32, #tpu.memory_space<vmem>> -> memref<25x80xi32, #tpu.memory_space<vmem>>
    %dma_wait3A_72 = arith.constant 0 : i32
    %dma_wait3A_73 = arith.constant 0 : i32
    %dma_wait3A_74 = tpu.memref_slice %arg3[%add3A, %dma_wait3A, %dma_wait3A_72, %dma_wait3A_73] : memref<32x5x25x80xi32, #tpu.memory_space<hbm>> -> memref<1x1x25x80xi32, #tpu.memory_space<hbm>>
    %dma_wait3A_75 = tpu.memref_squeeze %dma_wait3A_74 : memref<1x1x25x80xi32, #tpu.memory_space<hbm>> -> memref<25x80xi32, #tpu.memory_space<hbm>>
    %dma_wait3A_76 = arith.constant 0 : i32
    %dma_wait3A_77 = arith.constant 0 : i32
    %dma_wait3A_78 = tpu.memref_slice %arg6[%dma_wait3A_67, %dma_wait3A_76, %dma_wait3A_77] : memref<2x25x80xi32, #tpu.memory_space<vmem>> -> memref<1x25x80xi32, #tpu.memory_space<vmem>>
    %dma_wait3A_79 = tpu.memref_squeeze %dma_wait3A_78 : memref<1x25x80xi32, #tpu.memory_space<vmem>> -> memref<25x80xi32, #tpu.memory_space<vmem>>
    %dma_wait3A_80 = arith.constant 0 : i32
    %dma_wait3A_81 = arith.constant 0 : i32
    %dma_wait3A_82 = tpu.memref_slice %arg3[%add3A, %dma_wait3A, %dma_wait3A_80, %dma_wait3A_81] : memref<32x5x25x80xi32, #tpu.memory_space<hbm>> -> memref<1x1x25x80xi32, #tpu.memory_space<hbm>>
    %dma_wait3A_83 = tpu.memref_squeeze %dma_wait3A_82 : memref<1x1x25x80xi32, #tpu.memory_space<hbm>> -> memref<25x80xi32, #tpu.memory_space<hbm>>
    tpu.wait_dma2 semaphore(%arg12 : memref<!tpu.dma_semaphore, #tpu.memory_space<semaphore_mem>>) src(%dma_wait3A_83 : memref<25x80xi32, #tpu.memory_space<hbm>>) dst(%dma_wait3A_79 : memref<25x80xi32, #tpu.memory_space<vmem>>)
    %dma_wait3A_84 = arith.constant 0 : i32
    %dma_wait3A_85 = arith.constant 0 : i32
    %dma_wait3A_86 = arith.constant 0 : i32
    %dma_wait3A_87 = arith.constant 0 : i32
    %dma_wait3A_88 = tpu.memref_slice %arg7[%dma_wait3A_85, %dma_wait3A_86, %dma_wait3A_87] : memref<2x25x80xi32, #tpu.memory_space<vmem>> -> memref<1x25x80xi32, #tpu.memory_space<vmem>>
    %dma_wait3A_89 = tpu.memref_squeeze %dma_wait3A_88 : memref<1x25x80xi32, #tpu.memory_space<vmem>> -> memref<25x80xi32, #tpu.memory_space<vmem>>
    %dma_wait3A_90 = arith.constant 0 : i32
    %dma_wait3A_91 = arith.constant 0 : i32
    %dma_wait3A_92 = tpu.memref_slice %arg4[%add3A, %dma_wait3A_84, %dma_wait3A_90, %dma_wait3A_91] : memref<32x5x25x80xi32, #tpu.memory_space<hbm>> -> memref<1x1x25x80xi32, #tpu.memory_space<hbm>>
    %dma_wait3A_93 = tpu.memref_squeeze %dma_wait3A_92 : memref<1x1x25x80xi32, #tpu.memory_space<hbm>> -> memref<25x80xi32, #tpu.memory_space<hbm>>
    %dma_wait3A_94 = arith.constant 0 : i32
    %dma_wait3A_95 = arith.constant 0 : i32
    %dma_wait3A_96 = tpu.memref_slice %arg7[%dma_wait3A_85, %dma_wait3A_94, %dma_wait3A_95] : memref<2x25x80xi32, #tpu.memory_space<vmem>> -> memref<1x25x80xi32, #tpu.memory_space<vmem>>
    %dma_wait3A_97 = tpu.memref_squeeze %dma_wait3A_96 : memref<1x25x80xi32, #tpu.memory_space<vmem>> -> memref<25x80xi32, #tpu.memory_space<vmem>>
    %dma_wait3A_98 = arith.constant 0 : i32
    %dma_wait3A_99 = arith.constant 0 : i32
    %dma_wait3A_100 = tpu.memref_slice %arg4[%add3A, %dma_wait3A_84, %dma_wait3A_98, %dma_wait3A_99] : memref<32x5x25x80xi32, #tpu.memory_space<hbm>> -> memref<1x1x25x80xi32, #tpu.memory_space<hbm>>
    %dma_wait3A_101 = tpu.memref_squeeze %dma_wait3A_100 : memref<1x1x25x80xi32, #tpu.memory_space<hbm>> -> memref<25x80xi32, #tpu.memory_space<hbm>>
    tpu.wait_dma2 semaphore(%arg12 : memref<!tpu.dma_semaphore, #tpu.memory_space<semaphore_mem>>) src(%dma_wait3A_101 : memref<25x80xi32, #tpu.memory_space<hbm>>) dst(%dma_wait3A_97 : memref<25x80xi32, #tpu.memory_space<vmem>>)
    %barrier3A = arith.constant 0 : index
    tpu.barrier barrier_id(%barrier3A)
    %scan3A_102 = arith.constant 0 : i32
    %scan3A_103 = arith.constant 0 : i32
    %scan3A_104 = arith.constant 5 : i32
    %scan3A_105 = arith.addi %scan3A_103, %scan3A_104 : i32
    %scan3A_106 = arith.constant 1 : i32
    %scan3A_107 = scf.for %scan3A_110 = %scan3A_103 to %scan3A_105 step %scan3A_106 iter_args(%scan3A_111 = %scan3A_102) -> (i32)  : i32 {
      %jit3A = arith.constant 2 : i32
      %eq3A = arith.constant 0 : i32
      %eq3A_112 = arith.cmpi eq, %jit3A, %eq3A : i32
      %jit3A_113 = arith.constant 1 : i32
      %select_n3A = arith.select %eq3A_112, %jit3A_113, %jit3A : i32
      %rem3A = arith.remsi %scan3A_110, %select_n3A : i32
      %ne3A = arith.constant 0 : i32
      %ne3A_114 = arith.cmpi ne, %rem3A, %ne3A : i32
      %lt3A = arith.constant 0 : i32
      %lt3A_115 = arith.cmpi slt, %rem3A, %lt3A : i32
      %lt3A_116 = arith.constant 0 : i32
      %lt3A_117 = arith.cmpi slt, %select_n3A, %lt3A_116 : i32
      %ne3A_118 = arith.xori %lt3A_115, %lt3A_117 : i1
      %and3A = arith.andi %ne3A_118, %ne3A_114 : i1
      %add3A_119 = arith.addi %rem3A, %select_n3A : i32
      %select_n3A_120 = arith.select %and3A, %add3A_119, %rem3A : i32
      %add3A_121 = arith.constant 1 : i32
      %add3A_122 = arith.addi %scan3A_110, %add3A_121 : i32
      %lt3A_123 = arith.constant 5 : i32
      %lt3A_124 = arith.cmpi slt, %add3A_122, %lt3A_123 : i32
      %convert_element_type3A = arith.extui %lt3A_124 : i1 to i32
      %cond3A = arith.constant 0 : i32
      %cond3A_125 = arith.cmpi ne, %convert_element_type3A, %cond3A : i32
      scf.if %cond3A_125 {
        %add3A_177 = arith.constant 1 : i32
        %add3A_178 = arith.addi %scan3A_110, %add3A_177 : i32
        %sub3A = arith.constant 1 : i32
        %sub3A_179 = arith.subi %sub3A, %select_n3A_120 : i32
        %dma_start3A_180 = arith.constant 0 : i32
        %dma_start3A_181 = arith.constant 0 : i32
        %dma_start3A_182 = tpu.memref_slice %arg6[%sub3A_179, %dma_start3A_180, %dma_start3A_181] : memref<2x25x80xi32, #tpu.memory_space<vmem>> -> memref<1x25x80xi32, #tpu.memory_space<vmem>>
        %dma_start3A_183 = tpu.memref_squeeze %dma_start3A_182 : memref<1x25x80xi32, #tpu.memory_space<vmem>> -> memref<25x80xi32, #tpu.memory_space<vmem>>
        %dma_start3A_184 = arith.constant 0 : i32
        %dma_start3A_185 = arith.constant 0 : i32
        %dma_start3A_186 = tpu.memref_slice %arg3[%add3A, %add3A_178, %dma_start3A_184, %dma_start3A_185] : memref<32x5x25x80xi32, #tpu.memory_space<hbm>> -> memref<1x1x25x80xi32, #tpu.memory_space<hbm>>
        %dma_start3A_187 = tpu.memref_squeeze %dma_start3A_186 : memref<1x1x25x80xi32, #tpu.memory_space<hbm>> -> memref<25x80xi32, #tpu.memory_space<hbm>>
        %dma_start3A_188 = arith.constant 0 : i32
        %dma_start3A_189 = arith.constant 0 : i32
        %dma_start3A_190 = tpu.memref_slice %arg6[%sub3A_179, %dma_start3A_188, %dma_start3A_189] : memref<2x25x80xi32, #tpu.memory_space<vmem>> -> memref<1x25x80xi32, #tpu.memory_space<vmem>>
        %dma_start3A_191 = tpu.memref_squeeze %dma_start3A_190 : memref<1x25x80xi32, #tpu.memory_space<vmem>> -> memref<25x80xi32, #tpu.memory_space<vmem>>
        %dma_start3A_192 = arith.constant 0 : i32
        %dma_start3A_193 = arith.constant 0 : i32
        %dma_start3A_194 = tpu.memref_slice %arg3[%add3A, %add3A_178, %dma_start3A_192, %dma_start3A_193] : memref<32x5x25x80xi32, #tpu.memory_space<hbm>> -> memref<1x1x25x80xi32, #tpu.memory_space<hbm>>
        %dma_start3A_195 = tpu.memref_squeeze %dma_start3A_194 : memref<1x1x25x80xi32, #tpu.memory_space<hbm>> -> memref<25x80xi32, #tpu.memory_space<hbm>>
        tpu.enqueue_dma source(%dma_start3A_195 : memref<25x80xi32, #tpu.memory_space<hbm>>) target(%dma_start3A_191 : memref<25x80xi32, #tpu.memory_space<vmem>>) target_semaphore(%arg12 : memref<!tpu.dma_semaphore, #tpu.memory_space<semaphore_mem>>)
        %dma_start3A_196 = arith.constant 0 : i32
        %dma_start3A_197 = arith.constant 0 : i32
        %dma_start3A_198 = tpu.memref_slice %arg7[%sub3A_179, %dma_start3A_196, %dma_start3A_197] : memref<2x25x80xi32, #tpu.memory_space<vmem>> -> memref<1x25x80xi32, #tpu.memory_space<vmem>>
        %dma_start3A_199 = tpu.memref_squeeze %dma_start3A_198 : memref<1x25x80xi32, #tpu.memory_space<vmem>> -> memref<25x80xi32, #tpu.memory_space<vmem>>
        %dma_start3A_200 = arith.constant 0 : i32
        %dma_start3A_201 = arith.constant 0 : i32
        %dma_start3A_202 = tpu.memref_slice %arg4[%add3A, %add3A_178, %dma_start3A_200, %dma_start3A_201] : memref<32x5x25x80xi32, #tpu.memory_space<hbm>> -> memref<1x1x25x80xi32, #tpu.memory_space<hbm>>
        %dma_start3A_203 = tpu.memref_squeeze %dma_start3A_202 : memref<1x1x25x80xi32, #tpu.memory_space<hbm>> -> memref<25x80xi32, #tpu.memory_space<hbm>>
        %dma_start3A_204 = arith.constant 0 : i32
        %dma_start3A_205 = arith.constant 0 : i32
        %dma_start3A_206 = tpu.memref_slice %arg7[%sub3A_179, %dma_start3A_204, %dma_start3A_205] : memref<2x25x80xi32, #tpu.memory_space<vmem>> -> memref<1x25x80xi32, #tpu.memory_space<vmem>>
        %dma_start3A_207 = tpu.memref_squeeze %dma_start3A_206 : memref<1x25x80xi32, #tpu.memory_space<vmem>> -> memref<25x80xi32, #tpu.memory_space<vmem>>
        %dma_start3A_208 = arith.constant 0 : i32
        %dma_start3A_209 = arith.constant 0 : i32
        %dma_start3A_210 = tpu.memref_slice %arg4[%add3A, %add3A_178, %dma_start3A_208, %dma_start3A_209] : memref<32x5x25x80xi32, #tpu.memory_space<hbm>> -> memref<1x1x25x80xi32, #tpu.memory_space<hbm>>
        %dma_start3A_211 = tpu.memref_squeeze %dma_start3A_210 : memref<1x1x25x80xi32, #tpu.memory_space<hbm>> -> memref<25x80xi32, #tpu.memory_space<hbm>>
        tpu.enqueue_dma source(%dma_start3A_211 : memref<25x80xi32, #tpu.memory_space<hbm>>) target(%dma_start3A_207 : memref<25x80xi32, #tpu.memory_space<vmem>>) target_semaphore(%arg12 : memref<!tpu.dma_semaphore, #tpu.memory_space<semaphore_mem>>)
      } else {
      }
      %dma_start3A_126 = arith.constant 0 : i32
      %dma_start3A_127 = arith.constant 0 : i32
      %dma_start3A_128 = arith.constant 0 : i32
      %dma_start3A_129 = arith.constant 0 : i32
      %dma_start3A_130 = tpu.memref_slice %arg8[%dma_start3A_127, %dma_start3A_128, %dma_start3A_129] : memref<3x80x128xf32, #tpu.memory_space<vmem>> -> memref<1x80x128xf32, #tpu.memory_space<vmem>>
      %dma_start3A_131 = tpu.memref_squeeze %dma_start3A_130 : memref<1x80x128xf32, #tpu.memory_space<vmem>> -> memref<80x128xf32, #tpu.memory_space<vmem>>
      %dma_start3A_132 = arith.constant 0 : i32
      %dma_start3A_133 = tpu.memref_slice %arg6[%select_n3A_120, %dma_start3A_126, %dma_start3A_132] : memref<2x25x80xi32, #tpu.memory_space<vmem>> -> memref<1x1x80xi32, #tpu.memory_space<vmem>>
      %dma_start3A_134 = tpu.memref_squeeze %dma_start3A_133 : memref<1x1x80xi32, #tpu.memory_space<vmem>> -> memref<80xi32, #tpu.memory_space<vmem>>
      %dma_start3A_135 = arith.constant 0 : i32
      %dma_start3A_136 = arith.constant 0 : i32
      %dma_start3A_137 = tpu.memref_slice %arg2[%dma_start3A_135, %dma_start3A_136] : memref<10000x128xf32, #tpu.memory_space<hbm>> -> memref<10000x128xf32, #tpu.memory_space<hbm>>
      tpu.enqueue_indirect_dma source(%dma_start3A_137 : memref<10000x128xf32, #tpu.memory_space<hbm>>) target(%dma_start3A_131 : memref<80x128xf32, #tpu.memory_space<vmem>>) offsets(%dma_start3A_134 : memref<80xi32, #tpu.memory_space<vmem>>) semaphore(%arg10 : memref<!tpu.dma_semaphore, #tpu.memory_space<semaphore_mem>>)
      %dma_start3A_138 = arith.constant 1 : i32
      %dma_start3A_139 = arith.constant 1 : i32
      %dma_start3A_140 = arith.constant 0 : i32
      %dma_start3A_141 = arith.constant 0 : i32
      %dma_start3A_142 = tpu.memref_slice %arg8[%dma_start3A_139, %dma_start3A_140, %dma_start3A_141] : memref<3x80x128xf32, #tpu.memory_space<vmem>> -> memref<1x80x128xf32, #tpu.memory_space<vmem>>
      %dma_start3A_143 = tpu.memref_squeeze %dma_start3A_142 : memref<1x80x128xf32, #tpu.memory_space<vmem>> -> memref<80x128xf32, #tpu.memory_space<vmem>>
      %dma_start3A_144 = arith.constant 0 : i32
      %dma_start3A_145 = tpu.memref_slice %arg6[%select_n3A_120, %dma_start3A_138, %dma_start3A_144] : memref<2x25x80xi32, #tpu.memory_space<vmem>> -> memref<1x1x80xi32, #tpu.memory_space<vmem>>
      %dma_start3A_146 = tpu.memref_squeeze %dma_start3A_145 : memref<1x1x80xi32, #tpu.memory_space<vmem>> -> memref<80xi32, #tpu.memory_space<vmem>>
      %dma_start3A_147 = arith.constant 0 : i32
      %dma_start3A_148 = arith.constant 0 : i32
      %dma_start3A_149 = tpu.memref_slice %arg2[%dma_start3A_147, %dma_start3A_148] : memref<10000x128xf32, #tpu.memory_space<hbm>> -> memref<10000x128xf32, #tpu.memory_space<hbm>>
      tpu.enqueue_indirect_dma source(%dma_start3A_149 : memref<10000x128xf32, #tpu.memory_space<hbm>>) target(%dma_start3A_143 : memref<80x128xf32, #tpu.memory_space<vmem>>) offsets(%dma_start3A_146 : memref<80xi32, #tpu.memory_space<vmem>>) semaphore(%arg10 : memref<!tpu.dma_semaphore, #tpu.memory_space<semaphore_mem>>)
      %scan3A_150 = arith.constant 0 : i32
      %scan3A_151 = arith.constant 0 : i32
      %scan3A_152 = arith.constant 25 : i32
      %scan3A_153 = arith.addi %scan3A_151, %scan3A_152 : i32
      %scan3A_154 = arith.constant 1 : i32
      %scan3A_155 = scf.for %scan3A_177 = %scan3A_151 to %scan3A_153 step %scan3A_154 iter_args(%scan3A_178 = %scan3A_150) -> (i32)  : i32 {
        %ge3A = arith.constant 1 : i32
        %ge3A_179 = arith.cmpi sge, %scan3A_177, %ge3A : i32
        %convert_element_type3A_180 = arith.extui %ge3A_179 : i1 to i32
        %cond3A_181 = arith.constant 0 : i32
        %cond3A_182 = arith.cmpi ne, %convert_element_type3A_180, %cond3A_181 : i32
        scf.if %cond3A_182 {
          %sub3A = arith.constant 1 : i32
          %sub3A_241 = arith.subi %scan3A_177, %sub3A : i32
          %sub3A_242 = arith.constant 1 : i32
          %sub3A_243 = arith.subi %scan3A_177, %sub3A_242 : i32
          %jit3A_244 = arith.constant 3 : i32
          %eq3A_245 = arith.constant 0 : i32
          %eq3A_246 = arith.cmpi eq, %jit3A_244, %eq3A_245 : i32
          %jit3A_247 = arith.constant 1 : i32
          %select_n3A_248 = arith.select %eq3A_246, %jit3A_247, %jit3A_244 : i32
          %rem3A_249 = arith.remsi %sub3A_243, %select_n3A_248 : i32
          %ne3A_250 = arith.constant 0 : i32
          %ne3A_251 = arith.cmpi ne, %rem3A_249, %ne3A_250 : i32
          %lt3A_252 = arith.constant 0 : i32
          %lt3A_253 = arith.cmpi slt, %rem3A_249, %lt3A_252 : i32
          %lt3A_254 = arith.constant 0 : i32
          %lt3A_255 = arith.cmpi slt, %select_n3A_248, %lt3A_254 : i32
          %ne3A_256 = arith.xori %lt3A_253, %lt3A_255 : i1
          %and3A_257 = arith.andi %ne3A_256, %ne3A_251 : i1
          %add3A_258 = arith.addi %rem3A_249, %select_n3A_248 : i32
          %select_n3A_259 = arith.select %and3A_257, %add3A_258, %rem3A_249 : i32
          %dma_wait3A_260 = arith.constant 0 : i32
          %dma_wait3A_261 = arith.constant 0 : i32
          %dma_wait3A_262 = tpu.memref_slice %arg8[%select_n3A_259, %dma_wait3A_260, %dma_wait3A_261] : memref<3x80x128xf32, #tpu.memory_space<vmem>> -> memref<1x80x128xf32, #tpu.memory_space<vmem>>
          %dma_wait3A_263 = tpu.memref_squeeze %dma_wait3A_262 : memref<1x80x128xf32, #tpu.memory_space<vmem>> -> memref<80x128xf32, #tpu.memory_space<vmem>>
          %dma_wait3A_264 = arith.constant 0 : i32
          %dma_wait3A_265 = tpu.memref_slice %arg7[%select_n3A_120, %sub3A_241, %dma_wait3A_264] : memref<2x25x80xi32, #tpu.memory_space<vmem>> -> memref<1x1x80xi32, #tpu.memory_space<vmem>>
          %dma_wait3A_266 = tpu.memref_squeeze %dma_wait3A_265 : memref<1x1x80xi32, #tpu.memory_space<vmem>> -> memref<80xi32, #tpu.memory_space<vmem>>
          %dma_wait3A_267 = arith.constant 0 : i32
          %dma_wait3A_268 = arith.constant 0 : i32
          %dma_wait3A_269 = tpu.memref_slice %arg9[%dma_wait3A_267, %dma_wait3A_268] : memref<10240x128xf32, #tpu.memory_space<vmem_shared>> -> memref<10240x128xf32, #tpu.memory_space<vmem_shared>>
          tpu.wait_indirect_dma semaphore(%arg11 : memref<!tpu.dma_semaphore, #tpu.memory_space<semaphore_mem>>) src(%dma_wait3A_263 : memref<80x128xf32, #tpu.memory_space<vmem>>) dst(%dma_wait3A_269 : memref<10240x128xf32, #tpu.memory_space<vmem_shared>>)
        } else {
        }
        %lt3A_183 = arith.constant 23 : i32
        %lt3A_184 = arith.cmpi slt, %scan3A_177, %lt3A_183 : i32
        %convert_element_type3A_185 = arith.extui %lt3A_184 : i1 to i32
        %cond3A_186 = arith.constant 0 : i32
        %cond3A_187 = arith.cmpi ne, %convert_element_type3A_185, %cond3A_186 : i32
        scf.if %cond3A_187 {
          %add3A_241 = arith.constant 3 : i32
          %add3A_242 = arith.addi %scan3A_177, %add3A_241 : i32
          %sub3A = arith.constant 1 : i32
          %sub3A_243 = arith.subi %add3A_242, %sub3A : i32
          %add3A_244 = arith.constant 3 : i32
          %add3A_245 = arith.addi %scan3A_177, %add3A_244 : i32
          %sub3A_246 = arith.constant 1 : i32
          %sub3A_247 = arith.subi %add3A_245, %sub3A_246 : i32
          %jit3A_248 = arith.constant 3 : i32
          %eq3A_249 = arith.constant 0 : i32
          %eq3A_250 = arith.cmpi eq, %jit3A_248, %eq3A_249 : i32
          %jit3A_251 = arith.constant 1 : i32
          %select_n3A_252 = arith.select %eq3A_250, %jit3A_251, %jit3A_248 : i32
          %rem3A_253 = arith.remsi %sub3A_247, %select_n3A_252 : i32
          %ne3A_254 = arith.constant 0 : i32
          %ne3A_255 = arith.cmpi ne, %rem3A_253, %ne3A_254 : i32
          %lt3A_256 = arith.constant 0 : i32
          %lt3A_257 = arith.cmpi slt, %rem3A_253, %lt3A_256 : i32
          %lt3A_258 = arith.constant 0 : i32
          %lt3A_259 = arith.cmpi slt, %select_n3A_252, %lt3A_258 : i32
          %ne3A_260 = arith.xori %lt3A_257, %lt3A_259 : i1
          %and3A_261 = arith.andi %ne3A_260, %ne3A_255 : i1
          %add3A_262 = arith.addi %rem3A_253, %select_n3A_252 : i32
          %select_n3A_263 = arith.select %and3A_261, %add3A_262, %rem3A_253 : i32
          %dma_start3A_264 = arith.constant 0 : i32
          %dma_start3A_265 = arith.constant 0 : i32
          %dma_start3A_266 = tpu.memref_slice %arg8[%select_n3A_263, %dma_start3A_264, %dma_start3A_265] : memref<3x80x128xf32, #tpu.memory_space<vmem>> -> memref<1x80x128xf32, #tpu.memory_space<vmem>>
          %dma_start3A_267 = tpu.memref_squeeze %dma_start3A_266 : memref<1x80x128xf32, #tpu.memory_space<vmem>> -> memref<80x128xf32, #tpu.memory_space<vmem>>
          %dma_start3A_268 = arith.constant 0 : i32
          %dma_start3A_269 = tpu.memref_slice %arg6[%select_n3A_120, %sub3A_243, %dma_start3A_268] : memref<2x25x80xi32, #tpu.memory_space<vmem>> -> memref<1x1x80xi32, #tpu.memory_space<vmem>>
          %dma_start3A_270 = tpu.memref_squeeze %dma_start3A_269 : memref<1x1x80xi32, #tpu.memory_space<vmem>> -> memref<80xi32, #tpu.memory_space<vmem>>
          %dma_start3A_271 = arith.constant 0 : i32
          %dma_start3A_272 = arith.constant 0 : i32
          %dma_start3A_273 = tpu.memref_slice %arg2[%dma_start3A_271, %dma_start3A_272] : memref<10000x128xf32, #tpu.memory_space<hbm>> -> memref<10000x128xf32, #tpu.memory_space<hbm>>
          tpu.enqueue_indirect_dma source(%dma_start3A_273 : memref<10000x128xf32, #tpu.memory_space<hbm>>) target(%dma_start3A_267 : memref<80x128xf32, #tpu.memory_space<vmem>>) offsets(%dma_start3A_270 : memref<80xi32, #tpu.memory_space<vmem>>) semaphore(%arg10 : memref<!tpu.dma_semaphore, #tpu.memory_space<semaphore_mem>>)
        } else {
        }
        %jit3A_188 = arith.constant 3 : i32
        %eq3A_189 = arith.constant 0 : i32
        %eq3A_190 = arith.cmpi eq, %jit3A_188, %eq3A_189 : i32
        %jit3A_191 = arith.constant 1 : i32
        %select_n3A_192 = arith.select %eq3A_190, %jit3A_191, %jit3A_188 : i32
        %rem3A_193 = arith.remsi %scan3A_177, %select_n3A_192 : i32
        %ne3A_194 = arith.constant 0 : i32
        %ne3A_195 = arith.cmpi ne, %rem3A_193, %ne3A_194 : i32
        %lt3A_196 = arith.constant 0 : i32
        %lt3A_197 = arith.cmpi slt, %rem3A_193, %lt3A_196 : i32
        %lt3A_198 = arith.constant 0 : i32
        %lt3A_199 = arith.cmpi slt, %select_n3A_192, %lt3A_198 : i32
        %ne3A_200 = arith.xori %lt3A_197, %lt3A_199 : i1
        %and3A_201 = arith.andi %ne3A_200, %ne3A_195 : i1
        %add3A_202 = arith.addi %rem3A_193, %select_n3A_192 : i32
        %select_n3A_203 = arith.select %and3A_201, %add3A_202, %rem3A_193 : i32
        %dma_wait3A_204 = arith.constant 0 : i32
        %dma_wait3A_205 = arith.constant 0 : i32
        %dma_wait3A_206 = tpu.memref_slice %arg8[%select_n3A_203, %dma_wait3A_204, %dma_wait3A_205] : memref<3x80x128xf32, #tpu.memory_space<vmem>> -> memref<1x80x128xf32, #tpu.memory_space<vmem>>
        %dma_wait3A_207 = tpu.memref_squeeze %dma_wait3A_206 : memref<1x80x128xf32, #tpu.memory_space<vmem>> -> memref<80x128xf32, #tpu.memory_space<vmem>>
        %dma_wait3A_208 = arith.constant 0 : i32
        %dma_wait3A_209 = tpu.memref_slice %arg6[%select_n3A_120, %scan3A_177, %dma_wait3A_208] : memref<2x25x80xi32, #tpu.memory_space<vmem>> -> memref<1x1x80xi32, #tpu.memory_space<vmem>>
        %dma_wait3A_210 = tpu.memref_squeeze %dma_wait3A_209 : memref<1x1x80xi32, #tpu.memory_space<vmem>> -> memref<80xi32, #tpu.memory_space<vmem>>
        %dma_wait3A_211 = arith.constant 0 : i32
        %dma_wait3A_212 = arith.constant 0 : i32
        %dma_wait3A_213 = tpu.memref_slice %arg2[%dma_wait3A_211, %dma_wait3A_212] : memref<10000x128xf32, #tpu.memory_space<hbm>> -> memref<10000x128xf32, #tpu.memory_space<hbm>>
        tpu.wait_indirect_dma semaphore(%arg10 : memref<!tpu.dma_semaphore, #tpu.memory_space<semaphore_mem>>) src(%dma_wait3A_213 : memref<10000x128xf32, #tpu.memory_space<hbm>>) dst(%dma_wait3A_207 : memref<80x128xf32, #tpu.memory_space<vmem>>)
        %jit3A_214 = arith.constant 3 : i32
        %eq3A_215 = arith.constant 0 : i32
        %eq3A_216 = arith.cmpi eq, %jit3A_214, %eq3A_215 : i32
        %jit3A_217 = arith.constant 1 : i32
        %select_n3A_218 = arith.select %eq3A_216, %jit3A_217, %jit3A_214 : i32
        %rem3A_219 = arith.remsi %scan3A_177, %select_n3A_218 : i32
        %ne3A_220 = arith.constant 0 : i32
        %ne3A_221 = arith.cmpi ne, %rem3A_219, %ne3A_220 : i32
        %lt3A_222 = arith.constant 0 : i32
        %lt3A_223 = arith.cmpi slt, %rem3A_219, %lt3A_222 : i32
        %lt3A_224 = arith.constant 0 : i32
        %lt3A_225 = arith.cmpi slt, %select_n3A_218, %lt3A_224 : i32
        %ne3A_226 = arith.xori %lt3A_223, %lt3A_225 : i1
        %and3A_227 = arith.andi %ne3A_226, %ne3A_221 : i1
        %add3A_228 = arith.addi %rem3A_219, %select_n3A_218 : i32
        %select_n3A_229 = arith.select %and3A_227, %add3A_228, %rem3A_219 : i32
        %dma_start3A_230 = arith.constant 0 : i32
        %dma_start3A_231 = arith.constant 0 : i32
        %dma_start3A_232 = tpu.memref_slice %arg8[%select_n3A_229, %dma_start3A_230, %dma_start3A_231] : memref<3x80x128xf32, #tpu.memory_space<vmem>> -> memref<1x80x128xf32, #tpu.memory_space<vmem>>
        %dma_start3A_233 = tpu.memref_squeeze %dma_start3A_232 : memref<1x80x128xf32, #tpu.memory_space<vmem>> -> memref<80x128xf32, #tpu.memory_space<vmem>>
        %dma_start3A_234 = arith.constant 0 : i32
        %dma_start3A_235 = tpu.memref_slice %arg7[%select_n3A_120, %scan3A_177, %dma_start3A_234] : memref<2x25x80xi32, #tpu.memory_space<vmem>> -> memref<1x1x80xi32, #tpu.memory_space<vmem>>
        %dma_start3A_236 = tpu.memref_squeeze %dma_start3A_235 : memref<1x1x80xi32, #tpu.memory_space<vmem>> -> memref<80xi32, #tpu.memory_space<vmem>>
        %dma_start3A_237 = arith.constant 0 : i32
        %dma_start3A_238 = arith.constant 0 : i32
        %dma_start3A_239 = tpu.memref_slice %arg9[%dma_start3A_237, %dma_start3A_238] : memref<10240x128xf32, #tpu.memory_space<vmem_shared>> -> memref<10240x128xf32, #tpu.memory_space<vmem_shared>>
        tpu.enqueue_indirect_dma source(%dma_start3A_233 : memref<80x128xf32, #tpu.memory_space<vmem>>) target(%dma_start3A_239 : memref<10240x128xf32, #tpu.memory_space<vmem_shared>>) offsets(%dma_start3A_236 : memref<80xi32, #tpu.memory_space<vmem>>) semaphore(%arg11 : memref<!tpu.dma_semaphore, #tpu.memory_space<semaphore_mem>>) {add = true}
        %scan3A_240 = arith.constant 0 : i32
        scf.yield %scan3A_240 : i32
      }
      %scan3A_156 = arith.constant 25 : i32
      %dma_wait3A_157 = arith.constant 0 : i32
      %dma_wait3A_158 = arith.constant 24 : i32
      %dma_wait3A_159 = arith.constant 0 : i32
      %dma_wait3A_160 = arith.constant 0 : i32
      %dma_wait3A_161 = tpu.memref_slice %arg8[%dma_wait3A_157, %dma_wait3A_159, %dma_wait3A_160] : memref<3x80x128xf32, #tpu.memory_space<vmem>> -> memref<1x80x128xf32, #tpu.memory_space<vmem>>
      %dma_wait3A_162 = tpu.memref_squeeze %dma_wait3A_161 : memref<1x80x128xf32, #tpu.memory_space<vmem>> -> memref<80x128xf32, #tpu.memory_space<vmem>>
      %dma_wait3A_163 = arith.constant 0 : i32
      %dma_wait3A_164 = tpu.memref_slice %arg7[%select_n3A_120, %dma_wait3A_158, %dma_wait3A_163] : memref<2x25x80xi32, #tpu.memory_space<vmem>> -> memref<1x1x80xi32, #tpu.memory_space<vmem>>
      %dma_wait3A_165 = tpu.memref_squeeze %dma_wait3A_164 : memref<1x1x80xi32, #tpu.memory_space<vmem>> -> memref<80xi32, #tpu.memory_space<vmem>>
      %dma_wait3A_166 = arith.constant 0 : i32
      %dma_wait3A_167 = arith.constant 0 : i32
      %dma_wait3A_168 = tpu.memref_slice %arg9[%dma_wait3A_166, %dma_wait3A_167] : memref<10240x128xf32, #tpu.memory_space<vmem_shared>> -> memref<10240x128xf32, #tpu.memory_space<vmem_shared>>
      tpu.wait_indirect_dma semaphore(%arg11 : memref<!tpu.dma_semaphore, #tpu.memory_space<semaphore_mem>>) src(%dma_wait3A_162 : memref<80x128xf32, #tpu.memory_space<vmem>>) dst(%dma_wait3A_168 : memref<10240x128xf32, #tpu.memory_space<vmem_shared>>)
      %add3A_169 = arith.constant 1 : i32
      %add3A_170 = arith.addi %scan3A_110, %add3A_169 : i32
      %lt3A_171 = arith.constant 5 : i32
      %lt3A_172 = arith.cmpi slt, %add3A_170, %lt3A_171 : i32
      %convert_element_type3A_173 = arith.extui %lt3A_172 : i1 to i32
      %cond3A_174 = arith.constant 0 : i32
      %cond3A_175 = arith.cmpi ne, %convert_element_type3A_173, %cond3A_174 : i32
      scf.if %cond3A_175 {
        %add3A_177 = arith.constant 1 : i32
        %add3A_178 = arith.addi %scan3A_110, %add3A_177 : i32
        %sub3A = arith.constant 1 : i32
        %sub3A_179 = arith.subi %sub3A, %select_n3A_120 : i32
        %dma_wait3A_180 = arith.constant 0 : i32
        %dma_wait3A_181 = arith.constant 0 : i32
        %dma_wait3A_182 = tpu.memref_slice %arg6[%sub3A_179, %dma_wait3A_180, %dma_wait3A_181] : memref<2x25x80xi32, #tpu.memory_space<vmem>> -> memref<1x25x80xi32, #tpu.memory_space<vmem>>
        %dma_wait3A_183 = tpu.memref_squeeze %dma_wait3A_182 : memref<1x25x80xi32, #tpu.memory_space<vmem>> -> memref<25x80xi32, #tpu.memory_space<vmem>>
        %dma_wait3A_184 = arith.constant 0 : i32
        %dma_wait3A_185 = arith.constant 0 : i32
        %dma_wait3A_186 = tpu.memref_slice %arg3[%add3A, %add3A_178, %dma_wait3A_184, %dma_wait3A_185] : memref<32x5x25x80xi32, #tpu.memory_space<hbm>> -> memref<1x1x25x80xi32, #tpu.memory_space<hbm>>
        %dma_wait3A_187 = tpu.memref_squeeze %dma_wait3A_186 : memref<1x1x25x80xi32, #tpu.memory_space<hbm>> -> memref<25x80xi32, #tpu.memory_space<hbm>>
        %dma_wait3A_188 = arith.constant 0 : i32
        %dma_wait3A_189 = arith.constant 0 : i32
        %dma_wait3A_190 = tpu.memref_slice %arg6[%sub3A_179, %dma_wait3A_188, %dma_wait3A_189] : memref<2x25x80xi32, #tpu.memory_space<vmem>> -> memref<1x25x80xi32, #tpu.memory_space<vmem>>
        %dma_wait3A_191 = tpu.memref_squeeze %dma_wait3A_190 : memref<1x25x80xi32, #tpu.memory_space<vmem>> -> memref<25x80xi32, #tpu.memory_space<vmem>>
        %dma_wait3A_192 = arith.constant 0 : i32
        %dma_wait3A_193 = arith.constant 0 : i32
        %dma_wait3A_194 = tpu.memref_slice %arg3[%add3A, %add3A_178, %dma_wait3A_192, %dma_wait3A_193] : memref<32x5x25x80xi32, #tpu.memory_space<hbm>> -> memref<1x1x25x80xi32, #tpu.memory_space<hbm>>
        %dma_wait3A_195 = tpu.memref_squeeze %dma_wait3A_194 : memref<1x1x25x80xi32, #tpu.memory_space<hbm>> -> memref<25x80xi32, #tpu.memory_space<hbm>>
        tpu.wait_dma2 semaphore(%arg12 : memref<!tpu.dma_semaphore, #tpu.memory_space<semaphore_mem>>) src(%dma_wait3A_195 : memref<25x80xi32, #tpu.memory_space<hbm>>) dst(%dma_wait3A_191 : memref<25x80xi32, #tpu.memory_space<vmem>>)
        %dma_wait3A_196 = arith.constant 0 : i32
        %dma_wait3A_197 = arith.constant 0 : i32
        %dma_wait3A_198 = tpu.memref_slice %arg7[%sub3A_179, %dma_wait3A_196, %dma_wait3A_197] : memref<2x25x80xi32, #tpu.memory_space<vmem>> -> memref<1x25x80xi32, #tpu.memory_space<vmem>>
        %dma_wait3A_199 = tpu.memref_squeeze %dma_wait3A_198 : memref<1x25x80xi32, #tpu.memory_space<vmem>> -> memref<25x80xi32, #tpu.memory_space<vmem>>
        %dma_wait3A_200 = arith.constant 0 : i32
        %dma_wait3A_201 = arith.constant 0 : i32
        %dma_wait3A_202 = tpu.memref_slice %arg4[%add3A, %add3A_178, %dma_wait3A_200, %dma_wait3A_201] : memref<32x5x25x80xi32, #tpu.memory_space<hbm>> -> memref<1x1x25x80xi32, #tpu.memory_space<hbm>>
        %dma_wait3A_203 = tpu.memref_squeeze %dma_wait3A_202 : memref<1x1x25x80xi32, #tpu.memory_space<hbm>> -> memref<25x80xi32, #tpu.memory_space<hbm>>
        %dma_wait3A_204 = arith.constant 0 : i32
        %dma_wait3A_205 = arith.constant 0 : i32
        %dma_wait3A_206 = tpu.memref_slice %arg7[%sub3A_179, %dma_wait3A_204, %dma_wait3A_205] : memref<2x25x80xi32, #tpu.memory_space<vmem>> -> memref<1x25x80xi32, #tpu.memory_space<vmem>>
        %dma_wait3A_207 = tpu.memref_squeeze %dma_wait3A_206 : memref<1x25x80xi32, #tpu.memory_space<vmem>> -> memref<25x80xi32, #tpu.memory_space<vmem>>
        %dma_wait3A_208 = arith.constant 0 : i32
        %dma_wait3A_209 = arith.constant 0 : i32
        %dma_wait3A_210 = tpu.memref_slice %arg4[%add3A, %add3A_178, %dma_wait3A_208, %dma_wait3A_209] : memref<32x5x25x80xi32, #tpu.memory_space<hbm>> -> memref<1x1x25x80xi32, #tpu.memory_space<hbm>>
        %dma_wait3A_211 = tpu.memref_squeeze %dma_wait3A_210 : memref<1x1x25x80xi32, #tpu.memory_space<hbm>> -> memref<25x80xi32, #tpu.memory_space<hbm>>
        tpu.wait_dma2 semaphore(%arg12 : memref<!tpu.dma_semaphore, #tpu.memory_space<semaphore_mem>>) src(%dma_wait3A_211 : memref<25x80xi32, #tpu.memory_space<hbm>>) dst(%dma_wait3A_207 : memref<25x80xi32, #tpu.memory_space<vmem>>)
      } else {
      }
      %scan3A_176 = arith.constant 0 : i32
      scf.yield %scan3A_176 : i32
    }
    %scan3A_108 = arith.constant 5 : i32
    %barrier3A_109 = arith.constant 0 : index
    tpu.barrier barrier_id(%barrier3A_109)
    "tpu.region"() ({
      %run_scoped3A_110 = tpu.sem_alloc : memref<!tpu.dma_semaphore, #tpu.memory_space<semaphore_mem>>
      %dma_start3A_111 = arith.constant 0 : i32
      %dma_start3A_112 = tpu.memref_slice %arg5[%arg0, %mul3A_43, %dma_start3A_111] : memref<2x10240x128xf32, #tpu.memory_space<hbm>> -> memref<1x640x128xf32, #tpu.memory_space<hbm>>
      %dma_start3A_113 = tpu.memref_squeeze %dma_start3A_112 : memref<1x640x128xf32, #tpu.memory_space<hbm>> -> memref<640x128xf32, #tpu.memory_space<hbm>>
      %dma_start3A_114 = arith.constant 0 : i32
      %dma_start3A_115 = tpu.memref_slice %arg9[%mul3A_43, %dma_start3A_114] : memref<10240x128xf32, #tpu.memory_space<vmem_shared>> -> memref<640x128xf32, #tpu.memory_space<vmem_shared>>
      tpu.enqueue_dma source(%dma_start3A_115 : memref<640x128xf32, #tpu.memory_space<vmem_shared>>) target(%dma_start3A_113 : memref<640x128xf32, #tpu.memory_space<hbm>>) target_semaphore(%run_scoped3A_110 : memref<!tpu.dma_semaphore, #tpu.memory_space<semaphore_mem>>)
      %dma_wait3A_116 = arith.constant 0 : i32
      %dma_wait3A_117 = tpu.memref_slice %arg5[%arg0, %mul3A_43, %dma_wait3A_116] : memref<2x10240x128xf32, #tpu.memory_space<hbm>> -> memref<1x640x128xf32, #tpu.memory_space<hbm>>
      %dma_wait3A_118 = tpu.memref_squeeze %dma_wait3A_117 : memref<1x640x128xf32, #tpu.memory_space<hbm>> -> memref<640x128xf32, #tpu.memory_space<hbm>>
      %dma_wait3A_119 = arith.constant 0 : i32
      %dma_wait3A_120 = tpu.memref_slice %arg9[%mul3A_43, %dma_wait3A_119] : memref<10240x128xf32, #tpu.memory_space<vmem_shared>> -> memref<640x128xf32, #tpu.memory_space<vmem_shared>>
      tpu.wait_dma2 semaphore(%run_scoped3A_110 : memref<!tpu.dma_semaphore, #tpu.memory_space<semaphore_mem>>) src(%dma_wait3A_120 : memref<640x128xf32, #tpu.memory_space<vmem_shared>>) dst(%dma_wait3A_118 : memref<640x128xf32, #tpu.memory_space<hbm>>)
      tpu.yield
    }) : () -> ()
    return
  }
}

#map = affine_map<(d0, d1) -> (0, 0)>
#map1 = affine_map<(d0, d1) -> (0, 0, 0, 0)>
#map2 = affine_map<(d0, d1) -> (0, 0, 0)>
module attributes {stable_mosaic.version = 14 : i64} {
  func.func @body(%arg0: i32, %arg1: i32, %arg2: memref<10000x128xf32, #tpu.memory_space<hbm>>, %arg3: memref<32x5x25x80xi32, #tpu.memory_space<hbm>>, %arg4: memref<32x5x25x80xi32, #tpu.memory_space<hbm>>, %arg5: memref<2x10240x128xf32, #tpu.memory_space<hbm>>, %arg6: memref<2x25x80xi32, #tpu.memory_space<vmem>>, %arg7: memref<2x25x80xi32, #tpu.memory_space<vmem>>, %arg8: memref<3x80x128xf32, #tpu.memory_space<vmem>>, %arg9: memref<10240x128xf32, #tpu.memory_space<vmem_shared>>, %arg10: memref<!tpu.dma_semaphore, #tpu.memory_space<semaphore_mem>>, %arg11: memref<!tpu.dma_semaphore, #tpu.memory_space<semaphore_mem>>, %arg12: memref<!tpu.dma_semaphore, #tpu.memory_space<semaphore_mem>>) attributes {dimension_semantics = [#tpu.dimension_semantics<core_parallel>, #tpu.dimension_semantics<subcore_parallel>], iteration_bounds = array<i64: 2, 16>, scalar_prefetch = 0 : i64, scratch_operands = 7 : i64, tpu.core_type = #tpu.core_type<sc_vector_subcore>, window_params = [{transform_indices = #map}, {transform_indices = #map1}, {transform_indices = #map1}, {transform_indices = #map2}]} {
    %mul3A = arith.constant 16 : i32
    %mul3A_0 = arith.muli %arg0, %mul3A : i32
    %add3A = arith.addi %mul3A_0, %arg1 : i32
    %dma_start3A = arith.constant 0 : i32
    %dma_start3A_1 = arith.constant 0 : i32
    %dma_start3A_2 = arith.constant 0 : i32
    %dma_start3A_3 = arith.constant 0 : i32
    %dma_start3A_4 = tpu.memref_slice %arg6[%dma_start3A_1, %dma_start3A_2, %dma_start3A_3] : memref<2x25x80xi32, #tpu.memory_space<vmem>> -> memref<1x25x80xi32, #tpu.memory_space<vmem>>
    %dma_start3A_5 = tpu.memref_squeeze %dma_start3A_4 : memref<1x25x80xi32, #tpu.memory_space<vmem>> -> memref<25x80xi32, #tpu.memory_space<vmem>>
    %dma_start3A_6 = arith.constant 0 : i32
    %dma_start3A_7 = arith.constant 0 : i32
    %dma_start3A_8 = tpu.memref_slice %arg3[%add3A, %dma_start3A, %dma_start3A_6, %dma_start3A_7] : memref<32x5x25x80xi32, #tpu.memory_space<hbm>> -> memref<1x1x25x80xi32, #tpu.memory_space<hbm>>
    %dma_start3A_9 = tpu.memref_squeeze %dma_start3A_8 : memref<1x1x25x80xi32, #tpu.memory_space<hbm>> -> memref<25x80xi32, #tpu.memory_space<hbm>>
    %dma_start3A_10 = arith.constant 0 : i32
    %dma_start3A_11 = arith.constant 0 : i32
    %dma_start3A_12 = tpu.memref_slice %arg6[%dma_start3A_1, %dma_start3A_10, %dma_start3A_11] : memref<2x25x80xi32, #tpu.memory_space<vmem>> -> memref<1x25x80xi32, #tpu.memory_space<vmem>>
    %dma_start3A_13 = tpu.memref_squeeze %dma_start3A_12 : memref<1x25x80xi32, #tpu.memory_space<vmem>> -> memref<25x80xi32, #tpu.memory_space<vmem>>
    %dma_start3A_14 = arith.constant 0 : i32
    %dma_start3A_15 = arith.constant 0 : i32
    %dma_start3A_16 = tpu.memref_slice %arg3[%add3A, %dma_start3A, %dma_start3A_14, %dma_start3A_15] : memref<32x5x25x80xi32, #tpu.memory_space<hbm>> -> memref<1x1x25x80xi32, #tpu.memory_space<hbm>>
    %dma_start3A_17 = tpu.memref_squeeze %dma_start3A_16 : memref<1x1x25x80xi32, #tpu.memory_space<hbm>> -> memref<25x80xi32, #tpu.memory_space<hbm>>
    tpu.enqueue_dma source(%dma_start3A_17 : memref<25x80xi32, #tpu.memory_space<hbm>>) target(%dma_start3A_13 : memref<25x80xi32, #tpu.memory_space<vmem>>) target_semaphore(%arg12 : memref<!tpu.dma_semaphore, #tpu.memory_space<semaphore_mem>>)
    %dma_start3A_18 = arith.constant 0 : i32
    %dma_start3A_19 = arith.constant 0 : i32
    %dma_start3A_20 = arith.constant 0 : i32
    %dma_start3A_21 = arith.constant 0 : i32
    %dma_start3A_22 = tpu.memref_slice %arg7[%dma_start3A_19, %dma_start3A_20, %dma_start3A_21] : memref<2x25x80xi32, #tpu.memory_space<vmem>> -> memref<1x25x80xi32, #tpu.memory_space<vmem>>
    %dma_start3A_23 = tpu.memref_squeeze %dma_start3A_22 : memref<1x25x80xi32, #tpu.memory_space<vmem>> -> memref<25x80xi32, #tpu.memory_space<vmem>>
    %dma_start3A_24 = arith.constant 0 : i32
    %dma_start3A_25 = arith.constant 0 : i32
    %dma_start3A_26 = tpu.memref_slice %arg4[%add3A, %dma_start3A_18, %dma_start3A_24, %dma_start3A_25] : memref<32x5x25x80xi32, #tpu.memory_space<hbm>> -> memref<1x1x25x80xi32, #tpu.memory_space<hbm>>
    %dma_start3A_27 = tpu.memref_squeeze %dma_start3A_26 : memref<1x1x25x80xi32, #tpu.memory_space<hbm>> -> memref<25x80xi32, #tpu.memory_space<hbm>>
    %dma_start3A_28 = arith.constant 0 : i32
    %dma_start3A_29 = arith.constant 0 : i32
    %dma_start3A_30 = tpu.memref_slice %arg7[%dma_start3A_19, %dma_start3A_28, %dma_start3A_29] : memref<2x25x80xi32, #tpu.memory_space<vmem>> -> memref<1x25x80xi32, #tpu.memory_space<vmem>>
    %dma_start3A_31 = tpu.memref_squeeze %dma_start3A_30 : memref<1x25x80xi32, #tpu.memory_space<vmem>> -> memref<25x80xi32, #tpu.memory_space<vmem>>
    %dma_start3A_32 = arith.constant 0 : i32
    %dma_start3A_33 = arith.constant 0 : i32
    %dma_start3A_34 = tpu.memref_slice %arg4[%add3A, %dma_start3A_18, %dma_start3A_32, %dma_start3A_33] : memref<32x5x25x80xi32, #tpu.memory_space<hbm>> -> memref<1x1x25x80xi32, #tpu.memory_space<hbm>>
    %dma_start3A_35 = tpu.memref_squeeze %dma_start3A_34 : memref<1x1x25x80xi32, #tpu.memory_space<hbm>> -> memref<25x80xi32, #tpu.memory_space<hbm>>
    tpu.enqueue_dma source(%dma_start3A_35 : memref<25x80xi32, #tpu.memory_space<hbm>>) target(%dma_start3A_31 : memref<25x80xi32, #tpu.memory_space<vmem>>) target_semaphore(%arg12 : memref<!tpu.dma_semaphore, #tpu.memory_space<semaphore_mem>>)
    %scan3A = arith.constant 0 : i32
    %scan3A_36 = arith.constant 0 : i32
    %scan3A_37 = arith.constant 80 : i32
    %scan3A_38 = arith.addi %scan3A_36, %scan3A_37 : i32
    %scan3A_39 = arith.constant 1 : i32
    %scan3A_40 = scf.for %scan3A_110 = %scan3A_36 to %scan3A_38 step %scan3A_39 iter_args(%scan3A_111 = %scan3A) -> (i32)  : i32 {
      %broadcast_in_dim3A = arith.constant 0.000000e+00 : f32
      %broadcast_in_dim3A_112 = vector.broadcast %broadcast_in_dim3A : f32 to vector<16xf32>
      %swap3A = arith.constant 0 : i32
      %swap3A_113 = arith.index_cast %swap3A : i32 to index
      %swap3A_114 = arith.index_cast %scan3A_110 : i32 to index
      %swap3A_115 = arith.constant 0 : index
      %swap3A_116 = tpu.vector_load %arg8[%swap3A_113, %swap3A_114, %swap3A_115] {strides = array<i32>} : memref<3x80x128xf32, #tpu.memory_space<vmem>>, vector<1x1x16xf32>,
      %swap3A_117 = vector.shape_cast %swap3A_116 : vector<1x1x16xf32> to vector<16xf32>
      %swap3A_118 = vector.shape_cast %broadcast_in_dim3A_112 : vector<16xf32> to vector<1x1x16xf32>
      tpu.vector_store %arg8[%swap3A_113, %swap3A_114, %swap3A_115], %swap3A_118 {strides = array<i32>} : memref<3x80x128xf32, #tpu.memory_space<vmem>>, vector<1x1x16xf32>,
      %broadcast_in_dim3A_119 = arith.constant 0.000000e+00 : f32
      %broadcast_in_dim3A_120 = vector.broadcast %broadcast_in_dim3A_119 : f32 to vector<16xf32>
      %swap3A_121 = arith.constant 0 : i32
      %swap3A_122 = arith.index_cast %swap3A_121 : i32 to index
      %swap3A_123 = arith.index_cast %scan3A_110 : i32 to index
      %swap3A_124 = arith.constant 16 : index
      %swap3A_125 = tpu.vector_load %arg8[%swap3A_122, %swap3A_123, %swap3A_124] {strides = array<i32>} : memref<3x80x128xf32, #tpu.memory_space<vmem>>, vector<1x1x16xf32>,
      %swap3A_126 = vector.shape_cast %swap3A_125 : vector<1x1x16xf32> to vector<16xf32>
      %swap3A_127 = vector.shape_cast %broadcast_in_dim3A_120 : vector<16xf32> to vector<1x1x16xf32>
      tpu.vector_store %arg8[%swap3A_122, %swap3A_123, %swap3A_124], %swap3A_127 {strides = array<i32>} : memref<3x80x128xf32, #tpu.memory_space<vmem>>, vector<1x1x16xf32>,
      %broadcast_in_dim3A_128 = arith.constant 0.000000e+00 : f32
      %broadcast_in_dim3A_129 = vector.broadcast %broadcast_in_dim3A_128 : f32 to vector<16xf32>
      %swap3A_130 = arith.constant 0 : i32
      %swap3A_131 = arith.index_cast %swap3A_130 : i32 to index
      %swap3A_132 = arith.index_cast %scan3A_110 : i32 to index
      %swap3A_133 = arith.constant 32 : index
      %swap3A_134 = tpu.vector_load %arg8[%swap3A_131, %swap3A_132, %swap3A_133] {strides = array<i32>} : memref<3x80x128xf32, #tpu.memory_space<vmem>>, vector<1x1x16xf32>,
      %swap3A_135 = vector.shape_cast %swap3A_134 : vector<1x1x16xf32> to vector<16xf32>
      %swap3A_136 = vector.shape_cast %broadcast_in_dim3A_129 : vector<16xf32> to vector<1x1x16xf32>
      tpu.vector_store %arg8[%swap3A_131, %swap3A_132, %swap3A_133], %swap3A_136 {strides = array<i32>} : memref<3x80x128xf32, #tpu.memory_space<vmem>>, vector<1x1x16xf32>,
      %broadcast_in_dim3A_137 = arith.constant 0.000000e+00 : f32
      %broadcast_in_dim3A_138 = vector.broadcast %broadcast_in_dim3A_137 : f32 to vector<16xf32>
      %swap3A_139 = arith.constant 0 : i32
      %swap3A_140 = arith.index_cast %swap3A_139 : i32 to index
      %swap3A_141 = arith.index_cast %scan3A_110 : i32 to index
      %swap3A_142 = arith.constant 48 : index
      %swap3A_143 = tpu.vector_load %arg8[%swap3A_140, %swap3A_141, %swap3A_142] {strides = array<i32>} : memref<3x80x128xf32, #tpu.memory_space<vmem>>, vector<1x1x16xf32>,
      %swap3A_144 = vector.shape_cast %swap3A_143 : vector<1x1x16xf32> to vector<16xf32>
      %swap3A_145 = vector.shape_cast %broadcast_in_dim3A_138 : vector<16xf32> to vector<1x1x16xf32>
      tpu.vector_store %arg8[%swap3A_140, %swap3A_141, %swap3A_142], %swap3A_145 {strides = array<i32>} : memref<3x80x128xf32, #tpu.memory_space<vmem>>, vector<1x1x16xf32>,
      %broadcast_in_dim3A_146 = arith.constant 0.000000e+00 : f32
      %broadcast_in_dim3A_147 = vector.broadcast %broadcast_in_dim3A_146 : f32 to vector<16xf32>
      %swap3A_148 = arith.constant 0 : i32
      %swap3A_149 = arith.index_cast %swap3A_148 : i32 to index
      %swap3A_150 = arith.index_cast %scan3A_110 : i32 to index
      %swap3A_151 = arith.constant 64 : index
      %swap3A_152 = tpu.vector_load %arg8[%swap3A_149, %swap3A_150, %swap3A_151] {strides = array<i32>} : memref<3x80x128xf32, #tpu.memory_space<vmem>>, vector<1x1x16xf32>,
      %swap3A_153 = vector.shape_cast %swap3A_152 : vector<1x1x16xf32> to vector<16xf32>
      %swap3A_154 = vector.shape_cast %broadcast_in_dim3A_147 : vector<16xf32> to vector<1x1x16xf32>
      tpu.vector_store %arg8[%swap3A_149, %swap3A_150, %swap3A_151], %swap3A_154 {strides = array<i32>} : memref<3x80x128xf32, #tpu.memory_space<vmem>>, vector<1x1x16xf32>,
      %broadcast_in_dim3A_155 = arith.constant 0.000000e+00 : f32
      %broadcast_in_dim3A_156 = vector.broadcast %broadcast_in_dim3A_155 : f32 to vector<16xf32>
      %swap3A_157 = arith.constant 0 : i32
      %swap3A_158 = arith.index_cast %swap3A_157 : i32 to index
      %swap3A_159 = arith.index_cast %scan3A_110 : i32 to index
      %swap3A_160 = arith.constant 80 : index
      %swap3A_161 = tpu.vector_load %arg8[%swap3A_158, %swap3A_159, %swap3A_160] {strides = array<i32>} : memref<3x80x128xf32, #tpu.memory_space<vmem>>, vector<1x1x16xf32>,
      %swap3A_162 = vector.shape_cast %swap3A_161 : vector<1x1x16xf32> to vector<16xf32>
      %swap3A_163 = vector.shape_cast %broadcast_in_dim3A_156 : vector<16xf32> to vector<1x1x16xf32>
      tpu.vector_store %arg8[%swap3A_158, %swap3A_159, %swap3A_160], %swap3A_163 {strides = array<i32>} : memref<3x80x128xf32, #tpu.memory_space<vmem>>, vector<1x1x16xf32>,
      %broadcast_in_dim3A_164 = arith.constant 0.000000e+00 : f32
      %broadcast_in_dim3A_165 = vector.broadcast %broadcast_in_dim3A_164 : f32 to vector<16xf32>
      %swap3A_166 = arith.constant 0 : i32
      %swap3A_167 = arith.index_cast %swap3A_166 : i32 to index
      %swap3A_168 = arith.index_cast %scan3A_110 : i32 to index
      %swap3A_169 = arith.constant 96 : index
      %swap3A_170 = tpu.vector_load %arg8[%swap3A_167, %swap3A_168, %swap3A_169] {strides = array<i32>} : memref<3x80x128xf32, #tpu.memory_space<vmem>>, vector<1x1x16xf32>,
      %swap3A_171 = vector.shape_cast %swap3A_170 : vector<1x1x16xf32> to vector<16xf32>
      %swap3A_172 = vector.shape_cast %broadcast_in_dim3A_165 : vector<16xf32> to vector<1x1x16xf32>
      tpu.vector_store %arg8[%swap3A_167, %swap3A_168, %swap3A_169], %swap3A_172 {strides = array<i32>} : memref<3x80x128xf32, #tpu.memory_space<vmem>>, vector<1x1x16xf32>,
      %broadcast_in_dim3A_173 = arith.constant 0.000000e+00 : f32
      %broadcast_in_dim3A_174 = vector.broadcast %broadcast_in_dim3A_173 : f32 to vector<16xf32>
      %swap3A_175 = arith.constant 0 : i32
      %swap3A_176 = arith.index_cast %swap3A_175 : i32 to index
      %swap3A_177 = arith.index_cast %scan3A_110 : i32 to index
      %swap3A_178 = arith.constant 112 : index
      %swap3A_179 = tpu.vector_load %arg8[%swap3A_176, %swap3A_177, %swap3A_178] {strides = array<i32>} : memref<3x80x128xf32, #tpu.memory_space<vmem>>, vector<1x1x16xf32>,
      %swap3A_180 = vector.shape_cast %swap3A_179 : vector<1x1x16xf32> to vector<16xf32>
      %swap3A_181 = vector.shape_cast %broadcast_in_dim3A_174 : vector<16xf32> to vector<1x1x16xf32>
      tpu.vector_store %arg8[%swap3A_176, %swap3A_177, %swap3A_178], %swap3A_181 {strides = array<i32>} : memref<3x80x128xf32, #tpu.memory_space<vmem>>, vector<1x1x16xf32>,
      %scan3A_182 = arith.constant 0 : i32
      scf.yield %scan3A_182 : i32
    }
    %scan3A_41 = arith.constant 80 : i32
    %mul3A_42 = arith.constant 640 : i32
    %mul3A_43 = arith.muli %arg1, %mul3A_42 : i32
    %add3A_44 = arith.constant 0 : i32
    %add3A_45 = arith.addi %mul3A_43, %add3A_44 : i32
    %run_scoped3A = arith.constant 0 : i32
    "tpu.region"() ({
      %run_scoped3A_110 = tpu.sem_alloc : memref<!tpu.dma_semaphore, #tpu.memory_space<semaphore_mem>>
      %dma_start3A_111 = arith.constant 0 : i32
      %dma_start3A_112 = arith.constant 0 : i32
      %dma_start3A_113 = tpu.memref_slice %arg8[%run_scoped3A, %dma_start3A_111, %dma_start3A_112] : memref<3x80x128xf32, #tpu.memory_space<vmem>> -> memref<1x80x128xf32, #tpu.memory_space<vmem>>
      %dma_start3A_114 = tpu.memref_squeeze %dma_start3A_113 : memref<1x80x128xf32, #tpu.memory_space<vmem>> -> memref<80x128xf32, #tpu.memory_space<vmem>>
      %dma_start3A_115 = arith.constant 0 : i32
      %dma_start3A_116 = tpu.memref_slice %arg9[%add3A_45, %dma_start3A_115] : memref<10240x128xf32, #tpu.memory_space<vmem_shared>> -> memref<80x128xf32, #tpu.memory_space<vmem_shared>>
      %dma_start3A_117 = arith.constant 0 : i32
      %dma_start3A_118 = tpu.memref_slice %arg9[%add3A_45, %dma_start3A_117] : memref<10240x128xf32, #tpu.memory_space<vmem_shared>> -> memref<80x128xf32, #tpu.memory_space<vmem_shared>>
      %dma_start3A_119 = arith.constant 0 : i32
      %dma_start3A_120 = arith.constant 0 : i32
      %dma_start3A_121 = tpu.memref_slice %arg8[%run_scoped3A, %dma_start3A_119, %dma_start3A_120] : memref<3x80x128xf32, #tpu.memory_space<vmem>> -> memref<1x80x128xf32, #tpu.memory_space<vmem>>
      %dma_start3A_122 = tpu.memref_squeeze %dma_start3A_121 : memref<1x80x128xf32, #tpu.memory_space<vmem>> -> memref<80x128xf32, #tpu.memory_space<vmem>>
      tpu.enqueue_dma source(%dma_start3A_122 : memref<80x128xf32, #tpu.memory_space<vmem>>) target(%dma_start3A_118 : memref<80x128xf32, #tpu.memory_space<vmem_shared>>) target_semaphore(%run_scoped3A_110 : memref<!tpu.dma_semaphore, #tpu.memory_space<semaphore_mem>>)
      %dma_wait3A_123 = arith.constant 0 : i32
      %dma_wait3A_124 = arith.constant 0 : i32
      %dma_wait3A_125 = tpu.memref_slice %arg8[%run_scoped3A, %dma_wait3A_123, %dma_wait3A_124] : memref<3x80x128xf32, #tpu.memory_space<vmem>> -> memref<1x80x128xf32, #tpu.memory_space<vmem>>
      %dma_wait3A_126 = tpu.memref_squeeze %dma_wait3A_125 : memref<1x80x128xf32, #tpu.memory_space<vmem>> -> memref<80x128xf32, #tpu.memory_space<vmem>>
      %dma_wait3A_127 = arith.constant 0 : i32
      %dma_wait3A_128 = tpu.memref_slice %arg9[%add3A_45, %dma_wait3A_127] : memref<10240x128xf32, #tpu.memory_space<vmem_shared>> -> memref<80x128xf32, #tpu.memory_space<vmem_shared>>
      %dma_wait3A_129 = arith.constant 0 : i32
      %dma_wait3A_130 = tpu.memref_slice %arg9[%add3A_45, %dma_wait3A_129] : memref<10240x128xf32, #tpu.memory_space<vmem_shared>> -> memref<80x128xf32, #tpu.memory_space<vmem_shared>>
      %dma_wait3A_131 = arith.constant 0 : i32
      %dma_wait3A_132 = arith.constant 0 : i32
      %dma_wait3A_133 = tpu.memref_slice %arg8[%run_scoped3A, %dma_wait3A_131, %dma_wait3A_132] : memref<3x80x128xf32, #tpu.memory_space<vmem>> -> memref<1x80x128xf32, #tpu.memory_space<vmem>>
      %dma_wait3A_134 = tpu.memref_squeeze %dma_wait3A_133 : memref<1x80x128xf32, #tpu.memory_space<vmem>> -> memref<80x128xf32, #tpu.memory_space<vmem>>
      tpu.wait_dma2 semaphore(%run_scoped3A_110 : memref<!tpu.dma_semaphore, #tpu.memory_space<semaphore_mem>>) src(%dma_wait3A_134 : memref<80x128xf32, #tpu.memory_space<vmem>>) dst(%dma_wait3A_130 : memref<80x128xf32, #tpu.memory_space<vmem_shared>>)
      tpu.yield
    }) : () -> ()
    %add3A_46 = arith.constant 80 : i32
    %add3A_47 = arith.addi %mul3A_43, %add3A_46 : i32
    %run_scoped3A_48 = arith.constant 0 : i32
    "tpu.region"() ({
      %run_scoped3A_110 = tpu.sem_alloc : memref<!tpu.dma_semaphore, #tpu.memory_space<semaphore_mem>>
      %dma_start3A_111 = arith.constant 0 : i32
      %dma_start3A_112 = arith.constant 0 : i32
      %dma_start3A_113 = tpu.memref_slice %arg8[%run_scoped3A_48, %dma_start3A_111, %dma_start3A_112] : memref<3x80x128xf32, #tpu.memory_space<vmem>> -> memref<1x80x128xf32, #tpu.memory_space<vmem>>
      %dma_start3A_114 = tpu.memref_squeeze %dma_start3A_113 : memref<1x80x128xf32, #tpu.memory_space<vmem>> -> memref<80x128xf32, #tpu.memory_space<vmem>>
      %dma_start3A_115 = arith.constant 0 : i32
      %dma_start3A_116 = tpu.memref_slice %arg9[%add3A_47, %dma_start3A_115] : memref<10240x128xf32, #tpu.memory_space<vmem_shared>> -> memref<80x128xf32, #tpu.memory_space<vmem_shared>>
      %dma_start3A_117 = arith.constant 0 : i32
      %dma_start3A_118 = tpu.memref_slice %arg9[%add3A_47, %dma_start3A_117] : memref<10240x128xf32, #tpu.memory_space<vmem_shared>> -> memref<80x128xf32, #tpu.memory_space<vmem_shared>>
      %dma_start3A_119 = arith.constant 0 : i32
      %dma_start3A_120 = arith.constant 0 : i32
      %dma_start3A_121 = tpu.memref_slice %arg8[%run_scoped3A_48, %dma_start3A_119, %dma_start3A_120] : memref<3x80x128xf32, #tpu.memory_space<vmem>> -> memref<1x80x128xf32, #tpu.memory_space<vmem>>
      %dma_start3A_122 = tpu.memref_squeeze %dma_start3A_121 : memref<1x80x128xf32, #tpu.memory_space<vmem>> -> memref<80x128xf32, #tpu.memory_space<vmem>>
      tpu.enqueue_dma source(%dma_start3A_122 : memref<80x128xf32, #tpu.memory_space<vmem>>) target(%dma_start3A_118 : memref<80x128xf32, #tpu.memory_space<vmem_shared>>) target_semaphore(%run_scoped3A_110 : memref<!tpu.dma_semaphore, #tpu.memory_space<semaphore_mem>>)
      %dma_wait3A_123 = arith.constant 0 : i32
      %dma_wait3A_124 = arith.constant 0 : i32
      %dma_wait3A_125 = tpu.memref_slice %arg8[%run_scoped3A_48, %dma_wait3A_123, %dma_wait3A_124] : memref<3x80x128xf32, #tpu.memory_space<vmem>> -> memref<1x80x128xf32, #tpu.memory_space<vmem>>
      %dma_wait3A_126 = tpu.memref_squeeze %dma_wait3A_125 : memref<1x80x128xf32, #tpu.memory_space<vmem>> -> memref<80x128xf32, #tpu.memory_space<vmem>>
      %dma_wait3A_127 = arith.constant 0 : i32
      %dma_wait3A_128 = tpu.memref_slice %arg9[%add3A_47, %dma_wait3A_127] : memref<10240x128xf32, #tpu.memory_space<vmem_shared>> -> memref<80x128xf32, #tpu.memory_space<vmem_shared>>
      %dma_wait3A_129 = arith.constant 0 : i32
      %dma_wait3A_130 = tpu.memref_slice %arg9[%add3A_47, %dma_wait3A_129] : memref<10240x128xf32, #tpu.memory_space<vmem_shared>> -> memref<80x128xf32, #tpu.memory_space<vmem_shared>>
      %dma_wait3A_131 = arith.constant 0 : i32
      %dma_wait3A_132 = arith.constant 0 : i32
      %dma_wait3A_133 = tpu.memref_slice %arg8[%run_scoped3A_48, %dma_wait3A_131, %dma_wait3A_132] : memref<3x80x128xf32, #tpu.memory_space<vmem>> -> memref<1x80x128xf32, #tpu.memory_space<vmem>>
      %dma_wait3A_134 = tpu.memref_squeeze %dma_wait3A_133 : memref<1x80x128xf32, #tpu.memory_space<vmem>> -> memref<80x128xf32, #tpu.memory_space<vmem>>
      tpu.wait_dma2 semaphore(%run_scoped3A_110 : memref<!tpu.dma_semaphore, #tpu.memory_space<semaphore_mem>>) src(%dma_wait3A_134 : memref<80x128xf32, #tpu.memory_space<vmem>>) dst(%dma_wait3A_130 : memref<80x128xf32, #tpu.memory_space<vmem_shared>>)
      tpu.yield
    }) : () -> ()
    %add3A_49 = arith.constant 160 : i32
    %add3A_50 = arith.addi %mul3A_43, %add3A_49 : i32
    %run_scoped3A_51 = arith.constant 0 : i32
    "tpu.region"() ({
      %run_scoped3A_110 = tpu.sem_alloc : memref<!tpu.dma_semaphore, #tpu.memory_space<semaphore_mem>>
      %dma_start3A_111 = arith.constant 0 : i32
      %dma_start3A_112 = arith.constant 0 : i32
      %dma_start3A_113 = tpu.memref_slice %arg8[%run_scoped3A_51, %dma_start3A_111, %dma_start3A_112] : memref<3x80x128xf32, #tpu.memory_space<vmem>> -> memref<1x80x128xf32, #tpu.memory_space<vmem>>
      %dma_start3A_114 = tpu.memref_squeeze %dma_start3A_113 : memref<1x80x128xf32, #tpu.memory_space<vmem>> -> memref<80x128xf32, #tpu.memory_space<vmem>>
      %dma_start3A_115 = arith.constant 0 : i32
      %dma_start3A_116 = tpu.memref_slice %arg9[%add3A_50, %dma_start3A_115] : memref<10240x128xf32, #tpu.memory_space<vmem_shared>> -> memref<80x128xf32, #tpu.memory_space<vmem_shared>>
      %dma_start3A_117 = arith.constant 0 : i32
      %dma_start3A_118 = tpu.memref_slice %arg9[%add3A_50, %dma_start3A_117] : memref<10240x128xf32, #tpu.memory_space<vmem_shared>> -> memref<80x128xf32, #tpu.memory_space<vmem_shared>>
      %dma_start3A_119 = arith.constant 0 : i32
      %dma_start3A_120 = arith.constant 0 : i32
      %dma_start3A_121 = tpu.memref_slice %arg8[%run_scoped3A_51, %dma_start3A_119, %dma_start3A_120] : memref<3x80x128xf32, #tpu.memory_space<vmem>> -> memref<1x80x128xf32, #tpu.memory_space<vmem>>
      %dma_start3A_122 = tpu.memref_squeeze %dma_start3A_121 : memref<1x80x128xf32, #tpu.memory_space<vmem>> -> memref<80x128xf32, #tpu.memory_space<vmem>>
      tpu.enqueue_dma source(%dma_start3A_122 : memref<80x128xf32, #tpu.memory_space<vmem>>) target(%dma_start3A_118 : memref<80x128xf32, #tpu.memory_space<vmem_shared>>) target_semaphore(%run_scoped3A_110 : memref<!tpu.dma_semaphore, #tpu.memory_space<semaphore_mem>>)
      %dma_wait3A_123 = arith.constant 0 : i32
      %dma_wait3A_124 = arith.constant 0 : i32
      %dma_wait3A_125 = tpu.memref_slice %arg8[%run_scoped3A_51, %dma_wait3A_123, %dma_wait3A_124] : memref<3x80x128xf32, #tpu.memory_space<vmem>> -> memref<1x80x128xf32, #tpu.memory_space<vmem>>
      %dma_wait3A_126 = tpu.memref_squeeze %dma_wait3A_125 : memref<1x80x128xf32, #tpu.memory_space<vmem>> -> memref<80x128xf32, #tpu.memory_space<vmem>>
      %dma_wait3A_127 = arith.constant 0 : i32
      %dma_wait3A_128 = tpu.memref_slice %arg9[%add3A_50, %dma_wait3A_127] : memref<10240x128xf32, #tpu.memory_space<vmem_shared>> -> memref<80x128xf32, #tpu.memory_space<vmem_shared>>
      %dma_wait3A_129 = arith.constant 0 : i32
      %dma_wait3A_130 = tpu.memref_slice %arg9[%add3A_50, %dma_wait3A_129] : memref<10240x128xf32, #tpu.memory_space<vmem_shared>> -> memref<80x128xf32, #tpu.memory_space<vmem_shared>>
      %dma_wait3A_131 = arith.constant 0 : i32
      %dma_wait3A_132 = arith.constant 0 : i32
      %dma_wait3A_133 = tpu.memref_slice %arg8[%run_scoped3A_51, %dma_wait3A_131, %dma_wait3A_132] : memref<3x80x128xf32, #tpu.memory_space<vmem>> -> memref<1x80x128xf32, #tpu.memory_space<vmem>>
      %dma_wait3A_134 = tpu.memref_squeeze %dma_wait3A_133 : memref<1x80x128xf32, #tpu.memory_space<vmem>> -> memref<80x128xf32, #tpu.memory_space<vmem>>
      tpu.wait_dma2 semaphore(%run_scoped3A_110 : memref<!tpu.dma_semaphore, #tpu.memory_space<semaphore_mem>>) src(%dma_wait3A_134 : memref<80x128xf32, #tpu.memory_space<vmem>>) dst(%dma_wait3A_130 : memref<80x128xf32, #tpu.memory_space<vmem_shared>>)
      tpu.yield
    }) : () -> ()
    %add3A_52 = arith.constant 240 : i32
    %add3A_53 = arith.addi %mul3A_43, %add3A_52 : i32
    %run_scoped3A_54 = arith.constant 0 : i32
    "tpu.region"() ({
      %run_scoped3A_110 = tpu.sem_alloc : memref<!tpu.dma_semaphore, #tpu.memory_space<semaphore_mem>>
      %dma_start3A_111 = arith.constant 0 : i32
      %dma_start3A_112 = arith.constant 0 : i32
      %dma_start3A_113 = tpu.memref_slice %arg8[%run_scoped3A_54, %dma_start3A_111, %dma_start3A_112] : memref<3x80x128xf32, #tpu.memory_space<vmem>> -> memref<1x80x128xf32, #tpu.memory_space<vmem>>
      %dma_start3A_114 = tpu.memref_squeeze %dma_start3A_113 : memref<1x80x128xf32, #tpu.memory_space<vmem>> -> memref<80x128xf32, #tpu.memory_space<vmem>>
      %dma_start3A_115 = arith.constant 0 : i32
      %dma_start3A_116 = tpu.memref_slice %arg9[%add3A_53, %dma_start3A_115] : memref<10240x128xf32, #tpu.memory_space<vmem_shared>> -> memref<80x128xf32, #tpu.memory_space<vmem_shared>>
      %dma_start3A_117 = arith.constant 0 : i32
      %dma_start3A_118 = tpu.memref_slice %arg9[%add3A_53, %dma_start3A_117] : memref<10240x128xf32, #tpu.memory_space<vmem_shared>> -> memref<80x128xf32, #tpu.memory_space<vmem_shared>>
      %dma_start3A_119 = arith.constant 0 : i32
      %dma_start3A_120 = arith.constant 0 : i32
      %dma_start3A_121 = tpu.memref_slice %arg8[%run_scoped3A_54, %dma_start3A_119, %dma_start3A_120] : memref<3x80x128xf32, #tpu.memory_space<vmem>> -> memref<1x80x128xf32, #tpu.memory_space<vmem>>
      %dma_start3A_122 = tpu.memref_squeeze %dma_start3A_121 : memref<1x80x128xf32, #tpu.memory_space<vmem>> -> memref<80x128xf32, #tpu.memory_space<vmem>>
      tpu.enqueue_dma source(%dma_start3A_122 : memref<80x128xf32, #tpu.memory_space<vmem>>) target(%dma_start3A_118 : memref<80x128xf32, #tpu.memory_space<vmem_shared>>) target_semaphore(%run_scoped3A_110 : memref<!tpu.dma_semaphore, #tpu.memory_space<semaphore_mem>>)
      %dma_wait3A_123 = arith.constant 0 : i32
      %dma_wait3A_124 = arith.constant 0 : i32
      %dma_wait3A_125 = tpu.memref_slice %arg8[%run_scoped3A_54, %dma_wait3A_123, %dma_wait3A_124] : memref<3x80x128xf32, #tpu.memory_space<vmem>> -> memref<1x80x128xf32, #tpu.memory_space<vmem>>
      %dma_wait3A_126 = tpu.memref_squeeze %dma_wait3A_125 : memref<1x80x128xf32, #tpu.memory_space<vmem>> -> memref<80x128xf32, #tpu.memory_space<vmem>>
      %dma_wait3A_127 = arith.constant 0 : i32
      %dma_wait3A_128 = tpu.memref_slice %arg9[%add3A_53, %dma_wait3A_127] : memref<10240x128xf32, #tpu.memory_space<vmem_shared>> -> memref<80x128xf32, #tpu.memory_space<vmem_shared>>
      %dma_wait3A_129 = arith.constant 0 : i32
      %dma_wait3A_130 = tpu.memref_slice %arg9[%add3A_53, %dma_wait3A_129] : memref<10240x128xf32, #tpu.memory_space<vmem_shared>> -> memref<80x128xf32, #tpu.memory_space<vmem_shared>>
      %dma_wait3A_131 = arith.constant 0 : i32
      %dma_wait3A_132 = arith.constant 0 : i32
      %dma_wait3A_133 = tpu.memref_slice %arg8[%run_scoped3A_54, %dma_wait3A_131, %dma_wait3A_132] : memref<3x80x128xf32, #tpu.memory_space<vmem>> -> memref<1x80x128xf32, #tpu.memory_space<vmem>>
      %dma_wait3A_134 = tpu.memref_squeeze %dma_wait3A_133 : memref<1x80x128xf32, #tpu.memory_space<vmem>> -> memref<80x128xf32, #tpu.memory_space<vmem>>
      tpu.wait_dma2 semaphore(%run_scoped3A_110 : memref<!tpu.dma_semaphore, #tpu.memory_space<semaphore_mem>>) src(%dma_wait3A_134 : memref<80x128xf32, #tpu.memory_space<vmem>>) dst(%dma_wait3A_130 : memref<80x128xf32, #tpu.memory_space<vmem_shared>>)
      tpu.yield
    }) : () -> ()
    %add3A_55 = arith.constant 320 : i32
    %add3A_56 = arith.addi %mul3A_43, %add3A_55 : i32
    %run_scoped3A_57 = arith.constant 0 : i32
    "tpu.region"() ({
      %run_scoped3A_110 = tpu.sem_alloc : memref<!tpu.dma_semaphore, #tpu.memory_space<semaphore_mem>>
      %dma_start3A_111 = arith.constant 0 : i32
      %dma_start3A_112 = arith.constant 0 : i32
      %dma_start3A_113 = tpu.memref_slice %arg8[%run_scoped3A_57, %dma_start3A_111, %dma_start3A_112] : memref<3x80x128xf32, #tpu.memory_space<vmem>> -> memref<1x80x128xf32, #tpu.memory_space<vmem>>
      %dma_start3A_114 = tpu.memref_squeeze %dma_start3A_113 : memref<1x80x128xf32, #tpu.memory_space<vmem>> -> memref<80x128xf32, #tpu.memory_space<vmem>>
      %dma_start3A_115 = arith.constant 0 : i32
      %dma_start3A_116 = tpu.memref_slice %arg9[%add3A_56, %dma_start3A_115] : memref<10240x128xf32, #tpu.memory_space<vmem_shared>> -> memref<80x128xf32, #tpu.memory_space<vmem_shared>>
      %dma_start3A_117 = arith.constant 0 : i32
      %dma_start3A_118 = tpu.memref_slice %arg9[%add3A_56, %dma_start3A_117] : memref<10240x128xf32, #tpu.memory_space<vmem_shared>> -> memref<80x128xf32, #tpu.memory_space<vmem_shared>>
      %dma_start3A_119 = arith.constant 0 : i32
      %dma_start3A_120 = arith.constant 0 : i32
      %dma_start3A_121 = tpu.memref_slice %arg8[%run_scoped3A_57, %dma_start3A_119, %dma_start3A_120] : memref<3x80x128xf32, #tpu.memory_space<vmem>> -> memref<1x80x128xf32, #tpu.memory_space<vmem>>
      %dma_start3A_122 = tpu.memref_squeeze %dma_start3A_121 : memref<1x80x128xf32, #tpu.memory_space<vmem>> -> memref<80x128xf32, #tpu.memory_space<vmem>>
      tpu.enqueue_dma source(%dma_start3A_122 : memref<80x128xf32, #tpu.memory_space<vmem>>) target(%dma_start3A_118 : memref<80x128xf32, #tpu.memory_space<vmem_shared>>) target_semaphore(%run_scoped3A_110 : memref<!tpu.dma_semaphore, #tpu.memory_space<semaphore_mem>>)
      %dma_wait3A_123 = arith.constant 0 : i32
      %dma_wait3A_124 = arith.constant 0 : i32
      %dma_wait3A_125 = tpu.memref_slice %arg8[%run_scoped3A_57, %dma_wait3A_123, %dma_wait3A_124] : memref<3x80x128xf32, #tpu.memory_space<vmem>> -> memref<1x80x128xf32, #tpu.memory_space<vmem>>
      %dma_wait3A_126 = tpu.memref_squeeze %dma_wait3A_125 : memref<1x80x128xf32, #tpu.memory_space<vmem>> -> memref<80x128xf32, #tpu.memory_space<vmem>>
      %dma_wait3A_127 = arith.constant 0 : i32
      %dma_wait3A_128 = tpu.memref_slice %arg9[%add3A_56, %dma_wait3A_127] : memref<10240x128xf32, #tpu.memory_space<vmem_shared>> -> memref<80x128xf32, #tpu.memory_space<vmem_shared>>
      %dma_wait3A_129 = arith.constant 0 : i32
      %dma_wait3A_130 = tpu.memref_slice %arg9[%add3A_56, %dma_wait3A_129] : memref<10240x128xf32, #tpu.memory_space<vmem_shared>> -> memref<80x128xf32, #tpu.memory_space<vmem_shared>>
      %dma_wait3A_131 = arith.constant 0 : i32
      %dma_wait3A_132 = arith.constant 0 : i32
      %dma_wait3A_133 = tpu.memref_slice %arg8[%run_scoped3A_57, %dma_wait3A_131, %dma_wait3A_132] : memref<3x80x128xf32, #tpu.memory_space<vmem>> -> memref<1x80x128xf32, #tpu.memory_space<vmem>>
      %dma_wait3A_134 = tpu.memref_squeeze %dma_wait3A_133 : memref<1x80x128xf32, #tpu.memory_space<vmem>> -> memref<80x128xf32, #tpu.memory_space<vmem>>
      tpu.wait_dma2 semaphore(%run_scoped3A_110 : memref<!tpu.dma_semaphore, #tpu.memory_space<semaphore_mem>>) src(%dma_wait3A_134 : memref<80x128xf32, #tpu.memory_space<vmem>>) dst(%dma_wait3A_130 : memref<80x128xf32, #tpu.memory_space<vmem_shared>>)
      tpu.yield
    }) : () -> ()
    %add3A_58 = arith.constant 400 : i32
    %add3A_59 = arith.addi %mul3A_43, %add3A_58 : i32
    %run_scoped3A_60 = arith.constant 0 : i32
    "tpu.region"() ({
      %run_scoped3A_110 = tpu.sem_alloc : memref<!tpu.dma_semaphore, #tpu.memory_space<semaphore_mem>>
      %dma_start3A_111 = arith.constant 0 : i32
      %dma_start3A_112 = arith.constant 0 : i32
      %dma_start3A_113 = tpu.memref_slice %arg8[%run_scoped3A_60, %dma_start3A_111, %dma_start3A_112] : memref<3x80x128xf32, #tpu.memory_space<vmem>> -> memref<1x80x128xf32, #tpu.memory_space<vmem>>
      %dma_start3A_114 = tpu.memref_squeeze %dma_start3A_113 : memref<1x80x128xf32, #tpu.memory_space<vmem>> -> memref<80x128xf32, #tpu.memory_space<vmem>>
      %dma_start3A_115 = arith.constant 0 : i32
      %dma_start3A_116 = tpu.memref_slice %arg9[%add3A_59, %dma_start3A_115] : memref<10240x128xf32, #tpu.memory_space<vmem_shared>> -> memref<80x128xf32, #tpu.memory_space<vmem_shared>>
      %dma_start3A_117 = arith.constant 0 : i32
      %dma_start3A_118 = tpu.memref_slice %arg9[%add3A_59, %dma_start3A_117] : memref<10240x128xf32, #tpu.memory_space<vmem_shared>> -> memref<80x128xf32, #tpu.memory_space<vmem_shared>>
      %dma_start3A_119 = arith.constant 0 : i32
      %dma_start3A_120 = arith.constant 0 : i32
      %dma_start3A_121 = tpu.memref_slice %arg8[%run_scoped3A_60, %dma_start3A_119, %dma_start3A_120] : memref<3x80x128xf32, #tpu.memory_space<vmem>> -> memref<1x80x128xf32, #tpu.memory_space<vmem>>
      %dma_start3A_122 = tpu.memref_squeeze %dma_start3A_121 : memref<1x80x128xf32, #tpu.memory_space<vmem>> -> memref<80x128xf32, #tpu.memory_space<vmem>>
      tpu.enqueue_dma source(%dma_start3A_122 : memref<80x128xf32, #tpu.memory_space<vmem>>) target(%dma_start3A_118 : memref<80x128xf32, #tpu.memory_space<vmem_shared>>) target_semaphore(%run_scoped3A_110 : memref<!tpu.dma_semaphore, #tpu.memory_space<semaphore_mem>>)
      %dma_wait3A_123 = arith.constant 0 : i32
      %dma_wait3A_124 = arith.constant 0 : i32
      %dma_wait3A_125 = tpu.memref_slice %arg8[%run_scoped3A_60, %dma_wait3A_123, %dma_wait3A_124] : memref<3x80x128xf32, #tpu.memory_space<vmem>> -> memref<1x80x128xf32, #tpu.memory_space<vmem>>
      %dma_wait3A_126 = tpu.memref_squeeze %dma_wait3A_125 : memref<1x80x128xf32, #tpu.memory_space<vmem>> -> memref<80x128xf32, #tpu.memory_space<vmem>>
      %dma_wait3A_127 = arith.constant 0 : i32
      %dma_wait3A_128 = tpu.memref_slice %arg9[%add3A_59, %dma_wait3A_127] : memref<10240x128xf32, #tpu.memory_space<vmem_shared>> -> memref<80x128xf32, #tpu.memory_space<vmem_shared>>
      %dma_wait3A_129 = arith.constant 0 : i32
      %dma_wait3A_130 = tpu.memref_slice %arg9[%add3A_59, %dma_wait3A_129] : memref<10240x128xf32, #tpu.memory_space<vmem_shared>> -> memref<80x128xf32, #tpu.memory_space<vmem_shared>>
      %dma_wait3A_131 = arith.constant 0 : i32
      %dma_wait3A_132 = arith.constant 0 : i32
      %dma_wait3A_133 = tpu.memref_slice %arg8[%run_scoped3A_60, %dma_wait3A_131, %dma_wait3A_132] : memref<3x80x128xf32, #tpu.memory_space<vmem>> -> memref<1x80x128xf32, #tpu.memory_space<vmem>>
      %dma_wait3A_134 = tpu.memref_squeeze %dma_wait3A_133 : memref<1x80x128xf32, #tpu.memory_space<vmem>> -> memref<80x128xf32, #tpu.memory_space<vmem>>
      tpu.wait_dma2 semaphore(%run_scoped3A_110 : memref<!tpu.dma_semaphore, #tpu.memory_space<semaphore_mem>>) src(%dma_wait3A_134 : memref<80x128xf32, #tpu.memory_space<vmem>>) dst(%dma_wait3A_130 : memref<80x128xf32, #tpu.memory_space<vmem_shared>>)
      tpu.yield
    }) : () -> ()
    %add3A_61 = arith.constant 480 : i32
    %add3A_62 = arith.addi %mul3A_43, %add3A_61 : i32
    %run_scoped3A_63 = arith.constant 0 : i32
    "tpu.region"() ({
      %run_scoped3A_110 = tpu.sem_alloc : memref<!tpu.dma_semaphore, #tpu.memory_space<semaphore_mem>>
      %dma_start3A_111 = arith.constant 0 : i32
      %dma_start3A_112 = arith.constant 0 : i32
      %dma_start3A_113 = tpu.memref_slice %arg8[%run_scoped3A_63, %dma_start3A_111, %dma_start3A_112] : memref<3x80x128xf32, #tpu.memory_space<vmem>> -> memref<1x80x128xf32, #tpu.memory_space<vmem>>
      %dma_start3A_114 = tpu.memref_squeeze %dma_start3A_113 : memref<1x80x128xf32, #tpu.memory_space<vmem>> -> memref<80x128xf32, #tpu.memory_space<vmem>>
      %dma_start3A_115 = arith.constant 0 : i32
      %dma_start3A_116 = tpu.memref_slice %arg9[%add3A_62, %dma_start3A_115] : memref<10240x128xf32, #tpu.memory_space<vmem_shared>> -> memref<80x128xf32, #tpu.memory_space<vmem_shared>>
      %dma_start3A_117 = arith.constant 0 : i32
      %dma_start3A_118 = tpu.memref_slice %arg9[%add3A_62, %dma_start3A_117] : memref<10240x128xf32, #tpu.memory_space<vmem_shared>> -> memref<80x128xf32, #tpu.memory_space<vmem_shared>>
      %dma_start3A_119 = arith.constant 0 : i32
      %dma_start3A_120 = arith.constant 0 : i32
      %dma_start3A_121 = tpu.memref_slice %arg8[%run_scoped3A_63, %dma_start3A_119, %dma_start3A_120] : memref<3x80x128xf32, #tpu.memory_space<vmem>> -> memref<1x80x128xf32, #tpu.memory_space<vmem>>
      %dma_start3A_122 = tpu.memref_squeeze %dma_start3A_121 : memref<1x80x128xf32, #tpu.memory_space<vmem>> -> memref<80x128xf32, #tpu.memory_space<vmem>>
      tpu.enqueue_dma source(%dma_start3A_122 : memref<80x128xf32, #tpu.memory_space<vmem>>) target(%dma_start3A_118 : memref<80x128xf32, #tpu.memory_space<vmem_shared>>) target_semaphore(%run_scoped3A_110 : memref<!tpu.dma_semaphore, #tpu.memory_space<semaphore_mem>>)
      %dma_wait3A_123 = arith.constant 0 : i32
      %dma_wait3A_124 = arith.constant 0 : i32
      %dma_wait3A_125 = tpu.memref_slice %arg8[%run_scoped3A_63, %dma_wait3A_123, %dma_wait3A_124] : memref<3x80x128xf32, #tpu.memory_space<vmem>> -> memref<1x80x128xf32, #tpu.memory_space<vmem>>
      %dma_wait3A_126 = tpu.memref_squeeze %dma_wait3A_125 : memref<1x80x128xf32, #tpu.memory_space<vmem>> -> memref<80x128xf32, #tpu.memory_space<vmem>>
      %dma_wait3A_127 = arith.constant 0 : i32
      %dma_wait3A_128 = tpu.memref_slice %arg9[%add3A_62, %dma_wait3A_127] : memref<10240x128xf32, #tpu.memory_space<vmem_shared>> -> memref<80x128xf32, #tpu.memory_space<vmem_shared>>
      %dma_wait3A_129 = arith.constant 0 : i32
      %dma_wait3A_130 = tpu.memref_slice %arg9[%add3A_62, %dma_wait3A_129] : memref<10240x128xf32, #tpu.memory_space<vmem_shared>> -> memref<80x128xf32, #tpu.memory_space<vmem_shared>>
      %dma_wait3A_131 = arith.constant 0 : i32
      %dma_wait3A_132 = arith.constant 0 : i32
      %dma_wait3A_133 = tpu.memref_slice %arg8[%run_scoped3A_63, %dma_wait3A_131, %dma_wait3A_132] : memref<3x80x128xf32, #tpu.memory_space<vmem>> -> memref<1x80x128xf32, #tpu.memory_space<vmem>>
      %dma_wait3A_134 = tpu.memref_squeeze %dma_wait3A_133 : memref<1x80x128xf32, #tpu.memory_space<vmem>> -> memref<80x128xf32, #tpu.memory_space<vmem>>
      tpu.wait_dma2 semaphore(%run_scoped3A_110 : memref<!tpu.dma_semaphore, #tpu.memory_space<semaphore_mem>>) src(%dma_wait3A_134 : memref<80x128xf32, #tpu.memory_space<vmem>>) dst(%dma_wait3A_130 : memref<80x128xf32, #tpu.memory_space<vmem_shared>>)
      tpu.yield
    }) : () -> ()
    %add3A_64 = arith.constant 560 : i32
    %add3A_65 = arith.addi %mul3A_43, %add3A_64 : i32
    %run_scoped3A_66 = arith.constant 0 : i32
    "tpu.region"() ({
      %run_scoped3A_110 = tpu.sem_alloc : memref<!tpu.dma_semaphore, #tpu.memory_space<semaphore_mem>>
      %dma_start3A_111 = arith.constant 0 : i32
      %dma_start3A_112 = arith.constant 0 : i32
      %dma_start3A_113 = tpu.memref_slice %arg8[%run_scoped3A_66, %dma_start3A_111, %dma_start3A_112] : memref<3x80x128xf32, #tpu.memory_space<vmem>> -> memref<1x80x128xf32, #tpu.memory_space<vmem>>
      %dma_start3A_114 = tpu.memref_squeeze %dma_start3A_113 : memref<1x80x128xf32, #tpu.memory_space<vmem>> -> memref<80x128xf32, #tpu.memory_space<vmem>>
      %dma_start3A_115 = arith.constant 0 : i32
      %dma_start3A_116 = tpu.memref_slice %arg9[%add3A_65, %dma_start3A_115] : memref<10240x128xf32, #tpu.memory_space<vmem_shared>> -> memref<80x128xf32, #tpu.memory_space<vmem_shared>>
      %dma_start3A_117 = arith.constant 0 : i32
      %dma_start3A_118 = tpu.memref_slice %arg9[%add3A_65, %dma_start3A_117] : memref<10240x128xf32, #tpu.memory_space<vmem_shared>> -> memref<80x128xf32, #tpu.memory_space<vmem_shared>>
      %dma_start3A_119 = arith.constant 0 : i32
      %dma_start3A_120 = arith.constant 0 : i32
      %dma_start3A_121 = tpu.memref_slice %arg8[%run_scoped3A_66, %dma_start3A_119, %dma_start3A_120] : memref<3x80x128xf32, #tpu.memory_space<vmem>> -> memref<1x80x128xf32, #tpu.memory_space<vmem>>
      %dma_start3A_122 = tpu.memref_squeeze %dma_start3A_121 : memref<1x80x128xf32, #tpu.memory_space<vmem>> -> memref<80x128xf32, #tpu.memory_space<vmem>>
      tpu.enqueue_dma source(%dma_start3A_122 : memref<80x128xf32, #tpu.memory_space<vmem>>) target(%dma_start3A_118 : memref<80x128xf32, #tpu.memory_space<vmem_shared>>) target_semaphore(%run_scoped3A_110 : memref<!tpu.dma_semaphore, #tpu.memory_space<semaphore_mem>>)
      %dma_wait3A_123 = arith.constant 0 : i32
      %dma_wait3A_124 = arith.constant 0 : i32
      %dma_wait3A_125 = tpu.memref_slice %arg8[%run_scoped3A_66, %dma_wait3A_123, %dma_wait3A_124] : memref<3x80x128xf32, #tpu.memory_space<vmem>> -> memref<1x80x128xf32, #tpu.memory_space<vmem>>
      %dma_wait3A_126 = tpu.memref_squeeze %dma_wait3A_125 : memref<1x80x128xf32, #tpu.memory_space<vmem>> -> memref<80x128xf32, #tpu.memory_space<vmem>>
      %dma_wait3A_127 = arith.constant 0 : i32
      %dma_wait3A_128 = tpu.memref_slice %arg9[%add3A_65, %dma_wait3A_127] : memref<10240x128xf32, #tpu.memory_space<vmem_shared>> -> memref<80x128xf32, #tpu.memory_space<vmem_shared>>
      %dma_wait3A_129 = arith.constant 0 : i32
      %dma_wait3A_130 = tpu.memref_slice %arg9[%add3A_65, %dma_wait3A_129] : memref<10240x128xf32, #tpu.memory_space<vmem_shared>> -> memref<80x128xf32, #tpu.memory_space<vmem_shared>>
      %dma_wait3A_131 = arith.constant 0 : i32
      %dma_wait3A_132 = arith.constant 0 : i32
      %dma_wait3A_133 = tpu.memref_slice %arg8[%run_scoped3A_66, %dma_wait3A_131, %dma_wait3A_132] : memref<3x80x128xf32, #tpu.memory_space<vmem>> -> memref<1x80x128xf32, #tpu.memory_space<vmem>>
      %dma_wait3A_134 = tpu.memref_squeeze %dma_wait3A_133 : memref<1x80x128xf32, #tpu.memory_space<vmem>> -> memref<80x128xf32, #tpu.memory_space<vmem>>
      tpu.wait_dma2 semaphore(%run_scoped3A_110 : memref<!tpu.dma_semaphore, #tpu.memory_space<semaphore_mem>>) src(%dma_wait3A_134 : memref<80x128xf32, #tpu.memory_space<vmem>>) dst(%dma_wait3A_130 : memref<80x128xf32, #tpu.memory_space<vmem_shared>>)
      tpu.yield
    }) : () -> ()
    %dma_wait3A = arith.constant 0 : i32
    %dma_wait3A_67 = arith.constant 0 : i32
    %dma_wait3A_68 = arith.constant 0 : i32
    %dma_wait3A_69 = arith.constant 0 : i32
    %dma_wait3A_70 = tpu.memref_slice %arg6[%dma_wait3A_67, %dma_wait3A_68, %dma_wait3A_69] : memref<2x25x80xi32, #tpu.memory_space<vmem>> -> memref<1x25x80xi32, #tpu.memory_space<vmem>>
    %dma_wait3A_71 = tpu.memref_squeeze %dma_wait3A_70 : memref<1x25x80xi32, #tpu.memory_space<vmem>> -> memref<25x80xi32, #tpu.memory_space<vmem>>
    %dma_wait3A_72 = arith.constant 0 : i32
    %dma_wait3A_73 = arith.constant 0 : i32
    %dma_wait3A_74 = tpu.memref_slice %arg3[%add3A, %dma_wait3A, %dma_wait3A_72, %dma_wait3A_73] : memref<32x5x25x80xi32, #tpu.memory_space<hbm>> -> memref<1x1x25x80xi32, #tpu.memory_space<hbm>>
    %dma_wait3A_75 = tpu.memref_squeeze %dma_wait3A_74 : memref<1x1x25x80xi32, #tpu.memory_space<hbm>> -> memref<25x80xi32, #tpu.memory_space<hbm>>
    %dma_wait3A_76 = arith.constant 0 : i32
    %dma_wait3A_77 = arith.constant 0 : i32
    %dma_wait3A_78 = tpu.memref_slice %arg6[%dma_wait3A_67, %dma_wait3A_76, %dma_wait3A_77] : memref<2x25x80xi32, #tpu.memory_space<vmem>> -> memref<1x25x80xi32, #tpu.memory_space<vmem>>
    %dma_wait3A_79 = tpu.memref_squeeze %dma_wait3A_78 : memref<1x25x80xi32, #tpu.memory_space<vmem>> -> memref<25x80xi32, #tpu.memory_space<vmem>>
    %dma_wait3A_80 = arith.constant 0 : i32
    %dma_wait3A_81 = arith.constant 0 : i32
    %dma_wait3A_82 = tpu.memref_slice %arg3[%add3A, %dma_wait3A, %dma_wait3A_80, %dma_wait3A_81] : memref<32x5x25x80xi32, #tpu.memory_space<hbm>> -> memref<1x1x25x80xi32, #tpu.memory_space<hbm>>
    %dma_wait3A_83 = tpu.memref_squeeze %dma_wait3A_82 : memref<1x1x25x80xi32, #tpu.memory_space<hbm>> -> memref<25x80xi32, #tpu.memory_space<hbm>>
    tpu.wait_dma2 semaphore(%arg12 : memref<!tpu.dma_semaphore, #tpu.memory_space<semaphore_mem>>) src(%dma_wait3A_83 : memref<25x80xi32, #tpu.memory_space<hbm>>) dst(%dma_wait3A_79 : memref<25x80xi32, #tpu.memory_space<vmem>>)
    %dma_wait3A_84 = arith.constant 0 : i32
    %dma_wait3A_85 = arith.constant 0 : i32
    %dma_wait3A_86 = arith.constant 0 : i32
    %dma_wait3A_87 = arith.constant 0 : i32
    %dma_wait3A_88 = tpu.memref_slice %arg7[%dma_wait3A_85, %dma_wait3A_86, %dma_wait3A_87] : memref<2x25x80xi32, #tpu.memory_space<vmem>> -> memref<1x25x80xi32, #tpu.memory_space<vmem>>
    %dma_wait3A_89 = tpu.memref_squeeze %dma_wait3A_88 : memref<1x25x80xi32, #tpu.memory_space<vmem>> -> memref<25x80xi32, #tpu.memory_space<vmem>>
    %dma_wait3A_90 = arith.constant 0 : i32
    %dma_wait3A_91 = arith.constant 0 : i32
    %dma_wait3A_92 = tpu.memref_slice %arg4[%add3A, %dma_wait3A_84, %dma_wait3A_90, %dma_wait3A_91] : memref<32x5x25x80xi32, #tpu.memory_space<hbm>> -> memref<1x1x25x80xi32, #tpu.memory_space<hbm>>
    %dma_wait3A_93 = tpu.memref_squeeze %dma_wait3A_92 : memref<1x1x25x80xi32, #tpu.memory_space<hbm>> -> memref<25x80xi32, #tpu.memory_space<hbm>>
    %dma_wait3A_94 = arith.constant 0 : i32
    %dma_wait3A_95 = arith.constant 0 : i32
    %dma_wait3A_96 = tpu.memref_slice %arg7[%dma_wait3A_85, %dma_wait3A_94, %dma_wait3A_95] : memref<2x25x80xi32, #tpu.memory_space<vmem>> -> memref<1x25x80xi32, #tpu.memory_space<vmem>>
    %dma_wait3A_97 = tpu.memref_squeeze %dma_wait3A_96 : memref<1x25x80xi32, #tpu.memory_space<vmem>> -> memref<25x80xi32, #tpu.memory_space<vmem>>
    %dma_wait3A_98 = arith.constant 0 : i32
    %dma_wait3A_99 = arith.constant 0 : i32
    %dma_wait3A_100 = tpu.memref_slice %arg4[%add3A, %dma_wait3A_84, %dma_wait3A_98, %dma_wait3A_99] : memref<32x5x25x80xi32, #tpu.memory_space<hbm>> -> memref<1x1x25x80xi32, #tpu.memory_space<hbm>>
    %dma_wait3A_101 = tpu.memref_squeeze %dma_wait3A_100 : memref<1x1x25x80xi32, #tpu.memory_space<hbm>> -> memref<25x80xi32, #tpu.memory_space<hbm>>
    tpu.wait_dma2 semaphore(%arg12 : memref<!tpu.dma_semaphore, #tpu.memory_space<semaphore_mem>>) src(%dma_wait3A_101 : memref<25x80xi32, #tpu.memory_space<hbm>>) dst(%dma_wait3A_97 : memref<25x80xi32, #tpu.memory_space<vmem>>)
    %barrier3A = arith.constant 0 : index
    tpu.barrier barrier_id(%barrier3A)
    %scan3A_102 = arith.constant 0 : i32
    %scan3A_103 = arith.constant 0 : i32
    %scan3A_104 = arith.constant 5 : i32
    %scan3A_105 = arith.addi %scan3A_103, %scan3A_104 : i32
    %scan3A_106 = arith.constant 1 : i32
    %scan3A_107 = scf.for %scan3A_110 = %scan3A_103 to %scan3A_105 step %scan3A_106 iter_args(%scan3A_111 = %scan3A_102) -> (i32)  : i32 {
      %jit3A = arith.constant 2 : i32
      %eq3A = arith.constant 0 : i32
      %eq3A_112 = arith.cmpi eq, %jit3A, %eq3A : i32
      %jit3A_113 = arith.constant 1 : i32
      %select_n3A = arith.select %eq3A_112, %jit3A_113, %jit3A : i32
      %rem3A = arith.remsi %scan3A_110, %select_n3A : i32
      %ne3A = arith.constant 0 : i32
      %ne3A_114 = arith.cmpi ne, %rem3A, %ne3A : i32
      %lt3A = arith.constant 0 : i32
      %lt3A_115 = arith.cmpi slt, %rem3A, %lt3A : i32
      %lt3A_116 = arith.constant 0 : i32
      %lt3A_117 = arith.cmpi slt, %select_n3A, %lt3A_116 : i32
      %ne3A_118 = arith.xori %lt3A_115, %lt3A_117 : i1
      %and3A = arith.andi %ne3A_118, %ne3A_114 : i1
      %add3A_119 = arith.addi %rem3A, %select_n3A : i32
      %select_n3A_120 = arith.select %and3A, %add3A_119, %rem3A : i32
      %add3A_121 = arith.constant 1 : i32
      %add3A_122 = arith.addi %scan3A_110, %add3A_121 : i32
      %lt3A_123 = arith.constant 5 : i32
      %lt3A_124 = arith.cmpi slt, %add3A_122, %lt3A_123 : i32
      %convert_element_type3A = arith.extui %lt3A_124 : i1 to i32
      %cond3A = arith.constant 0 : i32
      %cond3A_125 = arith.cmpi ne, %convert_element_type3A, %cond3A : i32
      scf.if %cond3A_125 {
        %add3A_177 = arith.constant 1 : i32
        %add3A_178 = arith.addi %scan3A_110, %add3A_177 : i32
        %sub3A = arith.constant 1 : i32
        %sub3A_179 = arith.subi %sub3A, %select_n3A_120 : i32
        %dma_start3A_180 = arith.constant 0 : i32
        %dma_start3A_181 = arith.constant 0 : i32
        %dma_start3A_182 = tpu.memref_slice %arg6[%sub3A_179, %dma_start3A_180, %dma_start3A_181] : memref<2x25x80xi32, #tpu.memory_space<vmem>> -> memref<1x25x80xi32, #tpu.memory_space<vmem>>
        %dma_start3A_183 = tpu.memref_squeeze %dma_start3A_182 : memref<1x25x80xi32, #tpu.memory_space<vmem>> -> memref<25x80xi32, #tpu.memory_space<vmem>>
        %dma_start3A_184 = arith.constant 0 : i32
        %dma_start3A_185 = arith.constant 0 : i32
        %dma_start3A_186 = tpu.memref_slice %arg3[%add3A, %add3A_178, %dma_start3A_184, %dma_start3A_185] : memref<32x5x25x80xi32, #tpu.memory_space<hbm>> -> memref<1x1x25x80xi32, #tpu.memory_space<hbm>>
        %dma_start3A_187 = tpu.memref_squeeze %dma_start3A_186 : memref<1x1x25x80xi32, #tpu.memory_space<hbm>> -> memref<25x80xi32, #tpu.memory_space<hbm>>
        %dma_start3A_188 = arith.constant 0 : i32
        %dma_start3A_189 = arith.constant 0 : i32
        %dma_start3A_190 = tpu.memref_slice %arg6[%sub3A_179, %dma_start3A_188, %dma_start3A_189] : memref<2x25x80xi32, #tpu.memory_space<vmem>> -> memref<1x25x80xi32, #tpu.memory_space<vmem>>
        %dma_start3A_191 = tpu.memref_squeeze %dma_start3A_190 : memref<1x25x80xi32, #tpu.memory_space<vmem>> -> memref<25x80xi32, #tpu.memory_space<vmem>>
        %dma_start3A_192 = arith.constant 0 : i32
        %dma_start3A_193 = arith.constant 0 : i32
        %dma_start3A_194 = tpu.memref_slice %arg3[%add3A, %add3A_178, %dma_start3A_192, %dma_start3A_193] : memref<32x5x25x80xi32, #tpu.memory_space<hbm>> -> memref<1x1x25x80xi32, #tpu.memory_space<hbm>>
        %dma_start3A_195 = tpu.memref_squeeze %dma_start3A_194 : memref<1x1x25x80xi32, #tpu.memory_space<hbm>> -> memref<25x80xi32, #tpu.memory_space<hbm>>
        tpu.enqueue_dma source(%dma_start3A_195 : memref<25x80xi32, #tpu.memory_space<hbm>>) target(%dma_start3A_191 : memref<25x80xi32, #tpu.memory_space<vmem>>) target_semaphore(%arg12 : memref<!tpu.dma_semaphore, #tpu.memory_space<semaphore_mem>>)
        %dma_start3A_196 = arith.constant 0 : i32
        %dma_start3A_197 = arith.constant 0 : i32
        %dma_start3A_198 = tpu.memref_slice %arg7[%sub3A_179, %dma_start3A_196, %dma_start3A_197] : memref<2x25x80xi32, #tpu.memory_space<vmem>> -> memref<1x25x80xi32, #tpu.memory_space<vmem>>
        %dma_start3A_199 = tpu.memref_squeeze %dma_start3A_198 : memref<1x25x80xi32, #tpu.memory_space<vmem>> -> memref<25x80xi32, #tpu.memory_space<vmem>>
        %dma_start3A_200 = arith.constant 0 : i32
        %dma_start3A_201 = arith.constant 0 : i32
        %dma_start3A_202 = tpu.memref_slice %arg4[%add3A, %add3A_178, %dma_start3A_200, %dma_start3A_201] : memref<32x5x25x80xi32, #tpu.memory_space<hbm>> -> memref<1x1x25x80xi32, #tpu.memory_space<hbm>>
        %dma_start3A_203 = tpu.memref_squeeze %dma_start3A_202 : memref<1x1x25x80xi32, #tpu.memory_space<hbm>> -> memref<25x80xi32, #tpu.memory_space<hbm>>
        %dma_start3A_204 = arith.constant 0 : i32
        %dma_start3A_205 = arith.constant 0 : i32
        %dma_start3A_206 = tpu.memref_slice %arg7[%sub3A_179, %dma_start3A_204, %dma_start3A_205] : memref<2x25x80xi32, #tpu.memory_space<vmem>> -> memref<1x25x80xi32, #tpu.memory_space<vmem>>
        %dma_start3A_207 = tpu.memref_squeeze %dma_start3A_206 : memref<1x25x80xi32, #tpu.memory_space<vmem>> -> memref<25x80xi32, #tpu.memory_space<vmem>>
        %dma_start3A_208 = arith.constant 0 : i32
        %dma_start3A_209 = arith.constant 0 : i32
        %dma_start3A_210 = tpu.memref_slice %arg4[%add3A, %add3A_178, %dma_start3A_208, %dma_start3A_209] : memref<32x5x25x80xi32, #tpu.memory_space<hbm>> -> memref<1x1x25x80xi32, #tpu.memory_space<hbm>>
        %dma_start3A_211 = tpu.memref_squeeze %dma_start3A_210 : memref<1x1x25x80xi32, #tpu.memory_space<hbm>> -> memref<25x80xi32, #tpu.memory_space<hbm>>
        tpu.enqueue_dma source(%dma_start3A_211 : memref<25x80xi32, #tpu.memory_space<hbm>>) target(%dma_start3A_207 : memref<25x80xi32, #tpu.memory_space<vmem>>) target_semaphore(%arg12 : memref<!tpu.dma_semaphore, #tpu.memory_space<semaphore_mem>>)
      } else {
      }
      %dma_start3A_126 = arith.constant 0 : i32
      %dma_start3A_127 = arith.constant 0 : i32
      %dma_start3A_128 = arith.constant 0 : i32
      %dma_start3A_129 = arith.constant 0 : i32
      %dma_start3A_130 = tpu.memref_slice %arg8[%dma_start3A_127, %dma_start3A_128, %dma_start3A_129] : memref<3x80x128xf32, #tpu.memory_space<vmem>> -> memref<1x80x128xf32, #tpu.memory_space<vmem>>
      %dma_start3A_131 = tpu.memref_squeeze %dma_start3A_130 : memref<1x80x128xf32, #tpu.memory_space<vmem>> -> memref<80x128xf32, #tpu.memory_space<vmem>>
      %dma_start3A_132 = arith.constant 0 : i32
      %dma_start3A_133 = tpu.memref_slice %arg6[%select_n3A_120, %dma_start3A_126, %dma_start3A_132] : memref<2x25x80xi32, #tpu.memory_space<vmem>> -> memref<1x1x80xi32, #tpu.memory_space<vmem>>
      %dma_start3A_134 = tpu.memref_squeeze %dma_start3A_133 : memref<1x1x80xi32, #tpu.memory_space<vmem>> -> memref<80xi32, #tpu.memory_space<vmem>>
      %dma_start3A_135 = arith.constant 0 : i32
      %dma_start3A_136 = arith.constant 0 : i32
      %dma_start3A_137 = tpu.memref_slice %arg2[%dma_start3A_135, %dma_start3A_136] : memref<10000x128xf32, #tpu.memory_space<hbm>> -> memref<10000x128xf32, #tpu.memory_space<hbm>>
      tpu.enqueue_indirect_dma source(%dma_start3A_137 : memref<10000x128xf32, #tpu.memory_space<hbm>>) target(%dma_start3A_131 : memref<80x128xf32, #tpu.memory_space<vmem>>) offsets(%dma_start3A_134 : memref<80xi32, #tpu.memory_space<vmem>>) semaphore(%arg10 : memref<!tpu.dma_semaphore, #tpu.memory_space<semaphore_mem>>)
      %dma_start3A_138 = arith.constant 1 : i32
      %dma_start3A_139 = arith.constant 1 : i32
      %dma_start3A_140 = arith.constant 0 : i32
      %dma_start3A_141 = arith.constant 0 : i32
      %dma_start3A_142 = tpu.memref_slice %arg8[%dma_start3A_139, %dma_start3A_140, %dma_start3A_141] : memref<3x80x128xf32, #tpu.memory_space<vmem>> -> memref<1x80x128xf32, #tpu.memory_space<vmem>>
      %dma_start3A_143 = tpu.memref_squeeze %dma_start3A_142 : memref<1x80x128xf32, #tpu.memory_space<vmem>> -> memref<80x128xf32, #tpu.memory_space<vmem>>
      %dma_start3A_144 = arith.constant 0 : i32
      %dma_start3A_145 = tpu.memref_slice %arg6[%select_n3A_120, %dma_start3A_138, %dma_start3A_144] : memref<2x25x80xi32, #tpu.memory_space<vmem>> -> memref<1x1x80xi32, #tpu.memory_space<vmem>>
      %dma_start3A_146 = tpu.memref_squeeze %dma_start3A_145 : memref<1x1x80xi32, #tpu.memory_space<vmem>> -> memref<80xi32, #tpu.memory_space<vmem>>
      %dma_start3A_147 = arith.constant 0 : i32
      %dma_start3A_148 = arith.constant 0 : i32
      %dma_start3A_149 = tpu.memref_slice %arg2[%dma_start3A_147, %dma_start3A_148] : memref<10000x128xf32, #tpu.memory_space<hbm>> -> memref<10000x128xf32, #tpu.memory_space<hbm>>
      tpu.enqueue_indirect_dma source(%dma_start3A_149 : memref<10000x128xf32, #tpu.memory_space<hbm>>) target(%dma_start3A_143 : memref<80x128xf32, #tpu.memory_space<vmem>>) offsets(%dma_start3A_146 : memref<80xi32, #tpu.memory_space<vmem>>) semaphore(%arg10 : memref<!tpu.dma_semaphore, #tpu.memory_space<semaphore_mem>>)
      %scan3A_150 = arith.constant 0 : i32
      %scan3A_151 = arith.constant 0 : i32
      %scan3A_152 = arith.constant 25 : i32
      %scan3A_153 = arith.addi %scan3A_151, %scan3A_152 : i32
      %scan3A_154 = arith.constant 1 : i32
      %scan3A_155 = scf.for %scan3A_177 = %scan3A_151 to %scan3A_153 step %scan3A_154 iter_args(%scan3A_178 = %scan3A_150) -> (i32)  : i32 {
        %ge3A = arith.constant 1 : i32
        %ge3A_179 = arith.cmpi sge, %scan3A_177, %ge3A : i32
        %convert_element_type3A_180 = arith.extui %ge3A_179 : i1 to i32
        %cond3A_181 = arith.constant 0 : i32
        %cond3A_182 = arith.cmpi ne, %convert_element_type3A_180, %cond3A_181 : i32
        scf.if %cond3A_182 {
          %sub3A = arith.constant 1 : i32
          %sub3A_241 = arith.subi %scan3A_177, %sub3A : i32
          %sub3A_242 = arith.constant 1 : i32
          %sub3A_243 = arith.subi %scan3A_177, %sub3A_242 : i32
          %jit3A_244 = arith.constant 3 : i32
          %eq3A_245 = arith.constant 0 : i32
          %eq3A_246 = arith.cmpi eq, %jit3A_244, %eq3A_245 : i32
          %jit3A_247 = arith.constant 1 : i32
          %select_n3A_248 = arith.select %eq3A_246, %jit3A_247, %jit3A_244 : i32
          %rem3A_249 = arith.remsi %sub3A_243, %select_n3A_248 : i32
          %ne3A_250 = arith.constant 0 : i32
          %ne3A_251 = arith.cmpi ne, %rem3A_249, %ne3A_250 : i32
          %lt3A_252 = arith.constant 0 : i32
          %lt3A_253 = arith.cmpi slt, %rem3A_249, %lt3A_252 : i32
          %lt3A_254 = arith.constant 0 : i32
          %lt3A_255 = arith.cmpi slt, %select_n3A_248, %lt3A_254 : i32
          %ne3A_256 = arith.xori %lt3A_253, %lt3A_255 : i1
          %and3A_257 = arith.andi %ne3A_256, %ne3A_251 : i1
          %add3A_258 = arith.addi %rem3A_249, %select_n3A_248 : i32
          %select_n3A_259 = arith.select %and3A_257, %add3A_258, %rem3A_249 : i32
          %dma_wait3A_260 = arith.constant 0 : i32
          %dma_wait3A_261 = arith.constant 0 : i32
          %dma_wait3A_262 = tpu.memref_slice %arg8[%select_n3A_259, %dma_wait3A_260, %dma_wait3A_261] : memref<3x80x128xf32, #tpu.memory_space<vmem>> -> memref<1x80x128xf32, #tpu.memory_space<vmem>>
          %dma_wait3A_263 = tpu.memref_squeeze %dma_wait3A_262 : memref<1x80x128xf32, #tpu.memory_space<vmem>> -> memref<80x128xf32, #tpu.memory_space<vmem>>
          %dma_wait3A_264 = arith.constant 0 : i32
          %dma_wait3A_265 = tpu.memref_slice %arg7[%select_n3A_120, %sub3A_241, %dma_wait3A_264] : memref<2x25x80xi32, #tpu.memory_space<vmem>> -> memref<1x1x80xi32, #tpu.memory_space<vmem>>
          %dma_wait3A_266 = tpu.memref_squeeze %dma_wait3A_265 : memref<1x1x80xi32, #tpu.memory_space<vmem>> -> memref<80xi32, #tpu.memory_space<vmem>>
          %dma_wait3A_267 = arith.constant 0 : i32
          %dma_wait3A_268 = arith.constant 0 : i32
          %dma_wait3A_269 = tpu.memref_slice %arg9[%dma_wait3A_267, %dma_wait3A_268] : memref<10240x128xf32, #tpu.memory_space<vmem_shared>> -> memref<10240x128xf32, #tpu.memory_space<vmem_shared>>
          tpu.wait_indirect_dma semaphore(%arg11 : memref<!tpu.dma_semaphore, #tpu.memory_space<semaphore_mem>>) src(%dma_wait3A_263 : memref<80x128xf32, #tpu.memory_space<vmem>>) dst(%dma_wait3A_269 : memref<10240x128xf32, #tpu.memory_space<vmem_shared>>)
        } else {
        }
        %lt3A_183 = arith.constant 23 : i32
        %lt3A_184 = arith.cmpi slt, %scan3A_177, %lt3A_183 : i32
        %convert_element_type3A_185 = arith.extui %lt3A_184 : i1 to i32
        %cond3A_186 = arith.constant 0 : i32
        %cond3A_187 = arith.cmpi ne, %convert_element_type3A_185, %cond3A_186 : i32
        scf.if %cond3A_187 {
          %add3A_241 = arith.constant 3 : i32
          %add3A_242 = arith.addi %scan3A_177, %add3A_241 : i32
          %sub3A = arith.constant 1 : i32
          %sub3A_243 = arith.subi %add3A_242, %sub3A : i32
          %add3A_244 = arith.constant 3 : i32
          %add3A_245 = arith.addi %scan3A_177, %add3A_244 : i32
          %sub3A_246 = arith.constant 1 : i32
          %sub3A_247 = arith.subi %add3A_245, %sub3A_246 : i32
          %jit3A_248 = arith.constant 3 : i32
          %eq3A_249 = arith.constant 0 : i32
          %eq3A_250 = arith.cmpi eq, %jit3A_248, %eq3A_249 : i32
          %jit3A_251 = arith.constant 1 : i32
          %select_n3A_252 = arith.select %eq3A_250, %jit3A_251, %jit3A_248 : i32
          %rem3A_253 = arith.remsi %sub3A_247, %select_n3A_252 : i32
          %ne3A_254 = arith.constant 0 : i32
          %ne3A_255 = arith.cmpi ne, %rem3A_253, %ne3A_254 : i32
          %lt3A_256 = arith.constant 0 : i32
          %lt3A_257 = arith.cmpi slt, %rem3A_253, %lt3A_256 : i32
          %lt3A_258 = arith.constant 0 : i32
          %lt3A_259 = arith.cmpi slt, %select_n3A_252, %lt3A_258 : i32
          %ne3A_260 = arith.xori %lt3A_257, %lt3A_259 : i1
          %and3A_261 = arith.andi %ne3A_260, %ne3A_255 : i1
          %add3A_262 = arith.addi %rem3A_253, %select_n3A_252 : i32
          %select_n3A_263 = arith.select %and3A_261, %add3A_262, %rem3A_253 : i32
          %dma_start3A_264 = arith.constant 0 : i32
          %dma_start3A_265 = arith.constant 0 : i32
          %dma_start3A_266 = tpu.memref_slice %arg8[%select_n3A_263, %dma_start3A_264, %dma_start3A_265] : memref<3x80x128xf32, #tpu.memory_space<vmem>> -> memref<1x80x128xf32, #tpu.memory_space<vmem>>
          %dma_start3A_267 = tpu.memref_squeeze %dma_start3A_266 : memref<1x80x128xf32, #tpu.memory_space<vmem>> -> memref<80x128xf32, #tpu.memory_space<vmem>>
          %dma_start3A_268 = arith.constant 0 : i32
          %dma_start3A_269 = tpu.memref_slice %arg6[%select_n3A_120, %sub3A_243, %dma_start3A_268] : memref<2x25x80xi32, #tpu.memory_space<vmem>> -> memref<1x1x80xi32, #tpu.memory_space<vmem>>
          %dma_start3A_270 = tpu.memref_squeeze %dma_start3A_269 : memref<1x1x80xi32, #tpu.memory_space<vmem>> -> memref<80xi32, #tpu.memory_space<vmem>>
          %dma_start3A_271 = arith.constant 0 : i32
          %dma_start3A_272 = arith.constant 0 : i32
          %dma_start3A_273 = tpu.memref_slice %arg2[%dma_start3A_271, %dma_start3A_272] : memref<10000x128xf32, #tpu.memory_space<hbm>> -> memref<10000x128xf32, #tpu.memory_space<hbm>>
          tpu.enqueue_indirect_dma source(%dma_start3A_273 : memref<10000x128xf32, #tpu.memory_space<hbm>>) target(%dma_start3A_267 : memref<80x128xf32, #tpu.memory_space<vmem>>) offsets(%dma_start3A_270 : memref<80xi32, #tpu.memory_space<vmem>>) semaphore(%arg10 : memref<!tpu.dma_semaphore, #tpu.memory_space<semaphore_mem>>)
        } else {
        }
        %jit3A_188 = arith.constant 3 : i32
        %eq3A_189 = arith.constant 0 : i32
        %eq3A_190 = arith.cmpi eq, %jit3A_188, %eq3A_189 : i32
        %jit3A_191 = arith.constant 1 : i32
        %select_n3A_192 = arith.select %eq3A_190, %jit3A_191, %jit3A_188 : i32
        %rem3A_193 = arith.remsi %scan3A_177, %select_n3A_192 : i32
        %ne3A_194 = arith.constant 0 : i32
        %ne3A_195 = arith.cmpi ne, %rem3A_193, %ne3A_194 : i32
        %lt3A_196 = arith.constant 0 : i32
        %lt3A_197 = arith.cmpi slt, %rem3A_193, %lt3A_196 : i32
        %lt3A_198 = arith.constant 0 : i32
        %lt3A_199 = arith.cmpi slt, %select_n3A_192, %lt3A_198 : i32
        %ne3A_200 = arith.xori %lt3A_197, %lt3A_199 : i1
        %and3A_201 = arith.andi %ne3A_200, %ne3A_195 : i1
        %add3A_202 = arith.addi %rem3A_193, %select_n3A_192 : i32
        %select_n3A_203 = arith.select %and3A_201, %add3A_202, %rem3A_193 : i32
        %dma_wait3A_204 = arith.constant 0 : i32
        %dma_wait3A_205 = arith.constant 0 : i32
        %dma_wait3A_206 = tpu.memref_slice %arg8[%select_n3A_203, %dma_wait3A_204, %dma_wait3A_205] : memref<3x80x128xf32, #tpu.memory_space<vmem>> -> memref<1x80x128xf32, #tpu.memory_space<vmem>>
        %dma_wait3A_207 = tpu.memref_squeeze %dma_wait3A_206 : memref<1x80x128xf32, #tpu.memory_space<vmem>> -> memref<80x128xf32, #tpu.memory_space<vmem>>
        %dma_wait3A_208 = arith.constant 0 : i32
        %dma_wait3A_209 = tpu.memref_slice %arg6[%select_n3A_120, %scan3A_177, %dma_wait3A_208] : memref<2x25x80xi32, #tpu.memory_space<vmem>> -> memref<1x1x80xi32, #tpu.memory_space<vmem>>
        %dma_wait3A_210 = tpu.memref_squeeze %dma_wait3A_209 : memref<1x1x80xi32, #tpu.memory_space<vmem>> -> memref<80xi32, #tpu.memory_space<vmem>>
        %dma_wait3A_211 = arith.constant 0 : i32
        %dma_wait3A_212 = arith.constant 0 : i32
        %dma_wait3A_213 = tpu.memref_slice %arg2[%dma_wait3A_211, %dma_wait3A_212] : memref<10000x128xf32, #tpu.memory_space<hbm>> -> memref<10000x128xf32, #tpu.memory_space<hbm>>
        tpu.wait_indirect_dma semaphore(%arg10 : memref<!tpu.dma_semaphore, #tpu.memory_space<semaphore_mem>>) src(%dma_wait3A_213 : memref<10000x128xf32, #tpu.memory_space<hbm>>) dst(%dma_wait3A_207 : memref<80x128xf32, #tpu.memory_space<vmem>>)
        %jit3A_214 = arith.constant 3 : i32
        %eq3A_215 = arith.constant 0 : i32
        %eq3A_216 = arith.cmpi eq, %jit3A_214, %eq3A_215 : i32
        %jit3A_217 = arith.constant 1 : i32
        %select_n3A_218 = arith.select %eq3A_216, %jit3A_217, %jit3A_214 : i32
        %rem3A_219 = arith.remsi %scan3A_177, %select_n3A_218 : i32
        %ne3A_220 = arith.constant 0 : i32
        %ne3A_221 = arith.cmpi ne, %rem3A_219, %ne3A_220 : i32
        %lt3A_222 = arith.constant 0 : i32
        %lt3A_223 = arith.cmpi slt, %rem3A_219, %lt3A_222 : i32
        %lt3A_224 = arith.constant 0 : i32
        %lt3A_225 = arith.cmpi slt, %select_n3A_218, %lt3A_224 : i32
        %ne3A_226 = arith.xori %lt3A_223, %lt3A_225 : i1
        %and3A_227 = arith.andi %ne3A_226, %ne3A_221 : i1
        %add3A_228 = arith.addi %rem3A_219, %select_n3A_218 : i32
        %select_n3A_229 = arith.select %and3A_227, %add3A_228, %rem3A_219 : i32
        %dma_start3A_230 = arith.constant 0 : i32
        %dma_start3A_231 = arith.constant 0 : i32
        %dma_start3A_232 = tpu.memref_slice %arg8[%select_n3A_229, %dma_start3A_230, %dma_start3A_231] : memref<3x80x128xf32, #tpu.memory_space<vmem>> -> memref<1x80x128xf32, #tpu.memory_space<vmem>>
        %dma_start3A_233 = tpu.memref_squeeze %dma_start3A_232 : memref<1x80x128xf32, #tpu.memory_space<vmem>> -> memref<80x128xf32, #tpu.memory_space<vmem>>
        %dma_start3A_234 = arith.constant 0 : i32
        %dma_start3A_235 = tpu.memref_slice %arg7[%select_n3A_120, %scan3A_177, %dma_start3A_234] : memref<2x25x80xi32, #tpu.memory_space<vmem>> -> memref<1x1x80xi32, #tpu.memory_space<vmem>>
        %dma_start3A_236 = tpu.memref_squeeze %dma_start3A_235 : memref<1x1x80xi32, #tpu.memory_space<vmem>> -> memref<80xi32, #tpu.memory_space<vmem>>
        %dma_start3A_237 = arith.constant 0 : i32
        %dma_start3A_238 = arith.constant 0 : i32
        %dma_start3A_239 = tpu.memref_slice %arg9[%dma_start3A_237, %dma_start3A_238] : memref<10240x128xf32, #tpu.memory_space<vmem_shared>> -> memref<10240x128xf32, #tpu.memory_space<vmem_shared>>
        tpu.enqueue_indirect_dma source(%dma_start3A_233 : memref<80x128xf32, #tpu.memory_space<vmem>>) target(%dma_start3A_239 : memref<10240x128xf32, #tpu.memory_space<vmem_shared>>) offsets(%dma_start3A_236 : memref<80xi32, #tpu.memory_space<vmem>>) semaphore(%arg11 : memref<!tpu.dma_semaphore, #tpu.memory_space<semaphore_mem>>) {add = true}
        %scan3A_240 = arith.constant 0 : i32
        scf.yield %scan3A_240 : i32
      }
      %scan3A_156 = arith.constant 25 : i32
      %dma_wait3A_157 = arith.constant 0 : i32
      %dma_wait3A_158 = arith.constant 24 : i32
      %dma_wait3A_159 = arith.constant 0 : i32
      %dma_wait3A_160 = arith.constant 0 : i32
      %dma_wait3A_161 = tpu.memref_slice %arg8[%dma_wait3A_157, %dma_wait3A_159, %dma_wait3A_160] : memref<3x80x128xf32, #tpu.memory_space<vmem>> -> memref<1x80x128xf32, #tpu.memory_space<vmem>>
      %dma_wait3A_162 = tpu.memref_squeeze %dma_wait3A_161 : memref<1x80x128xf32, #tpu.memory_space<vmem>> -> memref<80x128xf32, #tpu.memory_space<vmem>>
      %dma_wait3A_163 = arith.constant 0 : i32
      %dma_wait3A_164 = tpu.memref_slice %arg7[%select_n3A_120, %dma_wait3A_158, %dma_wait3A_163] : memref<2x25x80xi32, #tpu.memory_space<vmem>> -> memref<1x1x80xi32, #tpu.memory_space<vmem>>
      %dma_wait3A_165 = tpu.memref_squeeze %dma_wait3A_164 : memref<1x1x80xi32, #tpu.memory_space<vmem>> -> memref<80xi32, #tpu.memory_space<vmem>>
      %dma_wait3A_166 = arith.constant 0 : i32
      %dma_wait3A_167 = arith.constant 0 : i32
      %dma_wait3A_168 = tpu.memref_slice %arg9[%dma_wait3A_166, %dma_wait3A_167] : memref<10240x128xf32, #tpu.memory_space<vmem_shared>> -> memref<10240x128xf32, #tpu.memory_space<vmem_shared>>
      tpu.wait_indirect_dma semaphore(%arg11 : memref<!tpu.dma_semaphore, #tpu.memory_space<semaphore_mem>>) src(%dma_wait3A_162 : memref<80x128xf32, #tpu.memory_space<vmem>>) dst(%dma_wait3A_168 : memref<10240x128xf32, #tpu.memory_space<vmem_shared>>)
      %add3A_169 = arith.constant 1 : i32
      %add3A_170 = arith.addi %scan3A_110, %add3A_169 : i32
      %lt3A_171 = arith.constant 5 : i32
      %lt3A_172 = arith.cmpi slt, %add3A_170, %lt3A_171 : i32
      %convert_element_type3A_173 = arith.extui %lt3A_172 : i1 to i32
      %cond3A_174 = arith.constant 0 : i32
      %cond3A_175 = arith.cmpi ne, %convert_element_type3A_173, %cond3A_174 : i32
      scf.if %cond3A_175 {
        %add3A_177 = arith.constant 1 : i32
        %add3A_178 = arith.addi %scan3A_110, %add3A_177 : i32
        %sub3A = arith.constant 1 : i32
        %sub3A_179 = arith.subi %sub3A, %select_n3A_120 : i32
        %dma_wait3A_180 = arith.constant 0 : i32
        %dma_wait3A_181 = arith.constant 0 : i32
        %dma_wait3A_182 = tpu.memref_slice %arg6[%sub3A_179, %dma_wait3A_180, %dma_wait3A_181] : memref<2x25x80xi32, #tpu.memory_space<vmem>> -> memref<1x25x80xi32, #tpu.memory_space<vmem>>
        %dma_wait3A_183 = tpu.memref_squeeze %dma_wait3A_182 : memref<1x25x80xi32, #tpu.memory_space<vmem>> -> memref<25x80xi32, #tpu.memory_space<vmem>>
        %dma_wait3A_184 = arith.constant 0 : i32
        %dma_wait3A_185 = arith.constant 0 : i32
        %dma_wait3A_186 = tpu.memref_slice %arg3[%add3A, %add3A_178, %dma_wait3A_184, %dma_wait3A_185] : memref<32x5x25x80xi32, #tpu.memory_space<hbm>> -> memref<1x1x25x80xi32, #tpu.memory_space<hbm>>
        %dma_wait3A_187 = tpu.memref_squeeze %dma_wait3A_186 : memref<1x1x25x80xi32, #tpu.memory_space<hbm>> -> memref<25x80xi32, #tpu.memory_space<hbm>>
        %dma_wait3A_188 = arith.constant 0 : i32
        %dma_wait3A_189 = arith.constant 0 : i32
        %dma_wait3A_190 = tpu.memref_slice %arg6[%sub3A_179, %dma_wait3A_188, %dma_wait3A_189] : memref<2x25x80xi32, #tpu.memory_space<vmem>> -> memref<1x25x80xi32, #tpu.memory_space<vmem>>
        %dma_wait3A_191 = tpu.memref_squeeze %dma_wait3A_190 : memref<1x25x80xi32, #tpu.memory_space<vmem>> -> memref<25x80xi32, #tpu.memory_space<vmem>>
        %dma_wait3A_192 = arith.constant 0 : i32
        %dma_wait3A_193 = arith.constant 0 : i32
        %dma_wait3A_194 = tpu.memref_slice %arg3[%add3A, %add3A_178, %dma_wait3A_192, %dma_wait3A_193] : memref<32x5x25x80xi32, #tpu.memory_space<hbm>> -> memref<1x1x25x80xi32, #tpu.memory_space<hbm>>
        %dma_wait3A_195 = tpu.memref_squeeze %dma_wait3A_194 : memref<1x1x25x80xi32, #tpu.memory_space<hbm>> -> memref<25x80xi32, #tpu.memory_space<hbm>>
        tpu.wait_dma2 semaphore(%arg12 : memref<!tpu.dma_semaphore, #tpu.memory_space<semaphore_mem>>) src(%dma_wait3A_195 : memref<25x80xi32, #tpu.memory_space<hbm>>) dst(%dma_wait3A_191 : memref<25x80xi32, #tpu.memory_space<vmem>>)
        %dma_wait3A_196 = arith.constant 0 : i32
        %dma_wait3A_197 = arith.constant 0 : i32
        %dma_wait3A_198 = tpu.memref_slice %arg7[%sub3A_179, %dma_wait3A_196, %dma_wait3A_197] : memref<2x25x80xi32, #tpu.memory_space<vmem>> -> memref<1x25x80xi32, #tpu.memory_space<vmem>>
        %dma_wait3A_199 = tpu.memref_squeeze %dma_wait3A_198 : memref<1x25x80xi32, #tpu.memory_space<vmem>> -> memref<25x80xi32, #tpu.memory_space<vmem>>
        %dma_wait3A_200 = arith.constant 0 : i32
        %dma_wait3A_201 = arith.constant 0 : i32
        %dma_wait3A_202 = tpu.memref_slice %arg4[%add3A, %add3A_178, %dma_wait3A_200, %dma_wait3A_201] : memref<32x5x25x80xi32, #tpu.memory_space<hbm>> -> memref<1x1x25x80xi32, #tpu.memory_space<hbm>>
        %dma_wait3A_203 = tpu.memref_squeeze %dma_wait3A_202 : memref<1x1x25x80xi32, #tpu.memory_space<hbm>> -> memref<25x80xi32, #tpu.memory_space<hbm>>
        %dma_wait3A_204 = arith.constant 0 : i32
        %dma_wait3A_205 = arith.constant 0 : i32
        %dma_wait3A_206 = tpu.memref_slice %arg7[%sub3A_179, %dma_wait3A_204, %dma_wait3A_205] : memref<2x25x80xi32, #tpu.memory_space<vmem>> -> memref<1x25x80xi32, #tpu.memory_space<vmem>>
        %dma_wait3A_207 = tpu.memref_squeeze %dma_wait3A_206 : memref<1x25x80xi32, #tpu.memory_space<vmem>> -> memref<25x80xi32, #tpu.memory_space<vmem>>
        %dma_wait3A_208 = arith.constant 0 : i32
        %dma_wait3A_209 = arith.constant 0 : i32
        %dma_wait3A_210 = tpu.memref_slice %arg4[%add3A, %add3A_178, %dma_wait3A_208, %dma_wait3A_209] : memref<32x5x25x80xi32, #tpu.memory_space<hbm>> -> memref<1x1x25x80xi32, #tpu.memory_space<hbm>>
        %dma_wait3A_211 = tpu.memref_squeeze %dma_wait3A_210 : memref<1x1x25x80xi32, #tpu.memory_space<hbm>> -> memref<25x80xi32, #tpu.memory_space<hbm>>
        tpu.wait_dma2 semaphore(%arg12 : memref<!tpu.dma_semaphore, #tpu.memory_space<semaphore_mem>>) src(%dma_wait3A_211 : memref<25x80xi32, #tpu.memory_space<hbm>>) dst(%dma_wait3A_207 : memref<25x80xi32, #tpu.memory_space<vmem>>)
      } else {
      }
      %scan3A_176 = arith.constant 0 : i32
      scf.yield %scan3A_176 : i32
    }
    %scan3A_108 = arith.constant 5 : i32
    %barrier3A_109 = arith.constant 0 : index
    tpu.barrier barrier_id(%barrier3A_109)
    "tpu.region"() ({
      %run_scoped3A_110 = tpu.sem_alloc : memref<!tpu.dma_semaphore, #tpu.memory_space<semaphore_mem>>
      %dma_start3A_111 = arith.constant 0 : i32
      %dma_start3A_112 = tpu.memref_slice %arg5[%arg0, %mul3A_43, %dma_start3A_111] : memref<2x10240x128xf32, #tpu.memory_space<hbm>> -> memref<1x640x128xf32, #tpu.memory_space<hbm>>
      %dma_start3A_113 = tpu.memref_squeeze %dma_start3A_112 : memref<1x640x128xf32, #tpu.memory_space<hbm>> -> memref<640x128xf32, #tpu.memory_space<hbm>>
      %dma_start3A_114 = arith.constant 0 : i32
      %dma_start3A_115 = tpu.memref_slice %arg9[%mul3A_43, %dma_start3A_114] : memref<10240x128xf32, #tpu.memory_space<vmem_shared>> -> memref<640x128xf32, #tpu.memory_space<vmem_shared>>
      tpu.enqueue_dma source(%dma_start3A_115 : memref<640x128xf32, #tpu.memory_space<vmem_shared>>) target(%dma_start3A_113 : memref<640x128xf32, #tpu.memory_space<hbm>>) target_semaphore(%run_scoped3A_110 : memref<!tpu.dma_semaphore, #tpu.memory_space<semaphore_mem>>)
      %dma_wait3A_116 = arith.constant 0 : i32
      %dma_wait3A_117 = tpu.memref_slice %arg5[%arg0, %mul3A_43, %dma_wait3A_116] : memref<2x10240x128xf32, #tpu.memory_space<hbm>> -> memref<1x640x128xf32, #tpu.memory_space<hbm>>
      %dma_wait3A_118 = tpu.memref_squeeze %dma_wait3A_117 : memref<1x640x128xf32, #tpu.memory_space<hbm>> -> memref<640x128xf32, #tpu.memory_space<hbm>>
      %dma_wait3A_119 = arith.constant 0 : i32
      %dma_wait3A_120 = tpu.memref_slice %arg9[%mul3A_43, %dma_wait3A_119] : memref<10240x128xf32, #tpu.memory_space<vmem_shared>> -> memref<640x128xf32, #tpu.memory_space<vmem_shared>>
      tpu.wait_dma2 semaphore(%run_scoped3A_110 : memref<!tpu.dma_semaphore, #tpu.memory_space<semaphore_mem>>) src(%dma_wait3A_120 : memref<640x128xf32, #tpu.memory_space<vmem_shared>>) dst(%dma_wait3A_118 : memref<640x128xf32, #tpu.memory_space<hbm>>)
      tpu.yield
    }) : () -> ()
    return
  }
}

#map = affine_map<(d0, d1) -> (0, 0, 0, 0)>
#map1 = affine_map<(d0, d1) -> (0, 0, 0)>
module attributes {stable_mosaic.version = 14 : i64} {
  func.func @body(%arg0: i32, %arg1: i32, %arg2: memref<32x5x25x80xi32, #tpu.memory_space<hbm>>, %arg3: memref<2x10240x128xf32, #tpu.memory_space<hbm>>, %arg4: memref<2x25x80xi32, #tpu.memory_space<vmem>>, %arg5: memref<1x80x128xf32, #tpu.memory_space<vmem>>, %arg6: memref<10240x128xf32, #tpu.memory_space<vmem_shared>>, %arg7: memref<!tpu.dma_semaphore, #tpu.memory_space<semaphore_mem>>, %arg8: memref<!tpu.dma_semaphore, #tpu.memory_space<semaphore_mem>>) attributes {dimension_semantics = [#tpu.dimension_semantics<core_parallel>, #tpu.dimension_semantics<subcore_parallel>], iteration_bounds = array<i64: 2, 16>, scalar_prefetch = 0 : i64, scratch_operands = 5 : i64, tpu.core_type = #tpu.core_type<sc_vector_subcore>, window_params = [{transform_indices = #map}, {transform_indices = #map1}]} {
    %mul3A = arith.constant 16 : i32
    %mul3A_0 = arith.muli %arg0, %mul3A : i32
    %add3A = arith.addi %mul3A_0, %arg1 : i32
    %dma_start3A = arith.constant 0 : i32
    %dma_start3A_1 = arith.constant 0 : i32
    %dma_start3A_2 = arith.constant 0 : i32
    %dma_start3A_3 = arith.constant 0 : i32
    %dma_start3A_4 = tpu.memref_slice %arg4[%dma_start3A_1, %dma_start3A_2, %dma_start3A_3] : memref<2x25x80xi32, #tpu.memory_space<vmem>> -> memref<1x25x80xi32, #tpu.memory_space<vmem>>
    %dma_start3A_5 = tpu.memref_squeeze %dma_start3A_4 : memref<1x25x80xi32, #tpu.memory_space<vmem>> -> memref<25x80xi32, #tpu.memory_space<vmem>>
    %dma_start3A_6 = arith.constant 0 : i32
    %dma_start3A_7 = arith.constant 0 : i32
    %dma_start3A_8 = tpu.memref_slice %arg2[%add3A, %dma_start3A, %dma_start3A_6, %dma_start3A_7] : memref<32x5x25x80xi32, #tpu.memory_space<hbm>> -> memref<1x1x25x80xi32, #tpu.memory_space<hbm>>
    %dma_start3A_9 = tpu.memref_squeeze %dma_start3A_8 : memref<1x1x25x80xi32, #tpu.memory_space<hbm>> -> memref<25x80xi32, #tpu.memory_space<hbm>>
    %dma_start3A_10 = arith.constant 0 : i32
    %dma_start3A_11 = arith.constant 0 : i32
    %dma_start3A_12 = tpu.memref_slice %arg4[%dma_start3A_1, %dma_start3A_10, %dma_start3A_11] : memref<2x25x80xi32, #tpu.memory_space<vmem>> -> memref<1x25x80xi32, #tpu.memory_space<vmem>>
    %dma_start3A_13 = tpu.memref_squeeze %dma_start3A_12 : memref<1x25x80xi32, #tpu.memory_space<vmem>> -> memref<25x80xi32, #tpu.memory_space<vmem>>
    %dma_start3A_14 = arith.constant 0 : i32
    %dma_start3A_15 = arith.constant 0 : i32
    %dma_start3A_16 = tpu.memref_slice %arg2[%add3A, %dma_start3A, %dma_start3A_14, %dma_start3A_15] : memref<32x5x25x80xi32, #tpu.memory_space<hbm>> -> memref<1x1x25x80xi32, #tpu.memory_space<hbm>>
    %dma_start3A_17 = tpu.memref_squeeze %dma_start3A_16 : memref<1x1x25x80xi32, #tpu.memory_space<hbm>> -> memref<25x80xi32, #tpu.memory_space<hbm>>
    tpu.enqueue_dma source(%dma_start3A_17 : memref<25x80xi32, #tpu.memory_space<hbm>>) target(%dma_start3A_13 : memref<25x80xi32, #tpu.memory_space<vmem>>) target_semaphore(%arg8 : memref<!tpu.dma_semaphore, #tpu.memory_space<semaphore_mem>>)
    %scan3A = arith.constant 0 : i32
    %scan3A_18 = arith.constant 0 : i32
    %scan3A_19 = arith.constant 80 : i32
    %scan3A_20 = arith.addi %scan3A_18, %scan3A_19 : i32
    %scan3A_21 = arith.constant 1 : i32
    %scan3A_22 = scf.for %scan3A_81 = %scan3A_18 to %scan3A_20 step %scan3A_21 iter_args(%scan3A_82 = %scan3A) -> (i32)  : i32 {
      %broadcast_in_dim3A = arith.constant 0.000000e+00 : f32
      %broadcast_in_dim3A_83 = vector.broadcast %broadcast_in_dim3A : f32 to vector<16xf32>
      %swap3A = arith.constant 0 : i32
      %swap3A_84 = arith.index_cast %swap3A : i32 to index
      %swap3A_85 = arith.index_cast %scan3A_81 : i32 to index
      %swap3A_86 = arith.constant 0 : index
      %swap3A_87 = tpu.vector_load %arg5[%swap3A_84, %swap3A_85, %swap3A_86] {strides = array<i32>} : memref<1x80x128xf32, #tpu.memory_space<vmem>>, vector<1x1x16xf32>,
      %swap3A_88 = vector.shape_cast %swap3A_87 : vector<1x1x16xf32> to vector<16xf32>
      %swap3A_89 = vector.shape_cast %broadcast_in_dim3A_83 : vector<16xf32> to vector<1x1x16xf32>
      tpu.vector_store %arg5[%swap3A_84, %swap3A_85, %swap3A_86], %swap3A_89 {strides = array<i32>} : memref<1x80x128xf32, #tpu.memory_space<vmem>>, vector<1x1x16xf32>,
      %broadcast_in_dim3A_90 = arith.constant 0.000000e+00 : f32
      %broadcast_in_dim3A_91 = vector.broadcast %broadcast_in_dim3A_90 : f32 to vector<16xf32>
      %swap3A_92 = arith.constant 0 : i32
      %swap3A_93 = arith.index_cast %swap3A_92 : i32 to index
      %swap3A_94 = arith.index_cast %scan3A_81 : i32 to index
      %swap3A_95 = arith.constant 16 : index
      %swap3A_96 = tpu.vector_load %arg5[%swap3A_93, %swap3A_94, %swap3A_95] {strides = array<i32>} : memref<1x80x128xf32, #tpu.memory_space<vmem>>, vector<1x1x16xf32>,
      %swap3A_97 = vector.shape_cast %swap3A_96 : vector<1x1x16xf32> to vector<16xf32>
      %swap3A_98 = vector.shape_cast %broadcast_in_dim3A_91 : vector<16xf32> to vector<1x1x16xf32>
      tpu.vector_store %arg5[%swap3A_93, %swap3A_94, %swap3A_95], %swap3A_98 {strides = array<i32>} : memref<1x80x128xf32, #tpu.memory_space<vmem>>, vector<1x1x16xf32>,
      %broadcast_in_dim3A_99 = arith.constant 0.000000e+00 : f32
      %broadcast_in_dim3A_100 = vector.broadcast %broadcast_in_dim3A_99 : f32 to vector<16xf32>
      %swap3A_101 = arith.constant 0 : i32
      %swap3A_102 = arith.index_cast %swap3A_101 : i32 to index
      %swap3A_103 = arith.index_cast %scan3A_81 : i32 to index
      %swap3A_104 = arith.constant 32 : index
      %swap3A_105 = tpu.vector_load %arg5[%swap3A_102, %swap3A_103, %swap3A_104] {strides = array<i32>} : memref<1x80x128xf32, #tpu.memory_space<vmem>>, vector<1x1x16xf32>,
      %swap3A_106 = vector.shape_cast %swap3A_105 : vector<1x1x16xf32> to vector<16xf32>
      %swap3A_107 = vector.shape_cast %broadcast_in_dim3A_100 : vector<16xf32> to vector<1x1x16xf32>
      tpu.vector_store %arg5[%swap3A_102, %swap3A_103, %swap3A_104], %swap3A_107 {strides = array<i32>} : memref<1x80x128xf32, #tpu.memory_space<vmem>>, vector<1x1x16xf32>,
      %broadcast_in_dim3A_108 = arith.constant 0.000000e+00 : f32
      %broadcast_in_dim3A_109 = vector.broadcast %broadcast_in_dim3A_108 : f32 to vector<16xf32>
      %swap3A_110 = arith.constant 0 : i32
      %swap3A_111 = arith.index_cast %swap3A_110 : i32 to index
      %swap3A_112 = arith.index_cast %scan3A_81 : i32 to index
      %swap3A_113 = arith.constant 48 : index
      %swap3A_114 = tpu.vector_load %arg5[%swap3A_111, %swap3A_112, %swap3A_113] {strides = array<i32>} : memref<1x80x128xf32, #tpu.memory_space<vmem>>, vector<1x1x16xf32>,
      %swap3A_115 = vector.shape_cast %swap3A_114 : vector<1x1x16xf32> to vector<16xf32>
      %swap3A_116 = vector.shape_cast %broadcast_in_dim3A_109 : vector<16xf32> to vector<1x1x16xf32>
      tpu.vector_store %arg5[%swap3A_111, %swap3A_112, %swap3A_113], %swap3A_116 {strides = array<i32>} : memref<1x80x128xf32, #tpu.memory_space<vmem>>, vector<1x1x16xf32>,
      %broadcast_in_dim3A_117 = arith.constant 0.000000e+00 : f32
      %broadcast_in_dim3A_118 = vector.broadcast %broadcast_in_dim3A_117 : f32 to vector<16xf32>
      %swap3A_119 = arith.constant 0 : i32
      %swap3A_120 = arith.index_cast %swap3A_119 : i32 to index
      %swap3A_121 = arith.index_cast %scan3A_81 : i32 to index
      %swap3A_122 = arith.constant 64 : index
      %swap3A_123 = tpu.vector_load %arg5[%swap3A_120, %swap3A_121, %swap3A_122] {strides = array<i32>} : memref<1x80x128xf32, #tpu.memory_space<vmem>>, vector<1x1x16xf32>,
      %swap3A_124 = vector.shape_cast %swap3A_123 : vector<1x1x16xf32> to vector<16xf32>
      %swap3A_125 = vector.shape_cast %broadcast_in_dim3A_118 : vector<16xf32> to vector<1x1x16xf32>
      tpu.vector_store %arg5[%swap3A_120, %swap3A_121, %swap3A_122], %swap3A_125 {strides = array<i32>} : memref<1x80x128xf32, #tpu.memory_space<vmem>>, vector<1x1x16xf32>,
      %broadcast_in_dim3A_126 = arith.constant 0.000000e+00 : f32
      %broadcast_in_dim3A_127 = vector.broadcast %broadcast_in_dim3A_126 : f32 to vector<16xf32>
      %swap3A_128 = arith.constant 0 : i32
      %swap3A_129 = arith.index_cast %swap3A_128 : i32 to index
      %swap3A_130 = arith.index_cast %scan3A_81 : i32 to index
      %swap3A_131 = arith.constant 80 : index
      %swap3A_132 = tpu.vector_load %arg5[%swap3A_129, %swap3A_130, %swap3A_131] {strides = array<i32>} : memref<1x80x128xf32, #tpu.memory_space<vmem>>, vector<1x1x16xf32>,
      %swap3A_133 = vector.shape_cast %swap3A_132 : vector<1x1x16xf32> to vector<16xf32>
      %swap3A_134 = vector.shape_cast %broadcast_in_dim3A_127 : vector<16xf32> to vector<1x1x16xf32>
      tpu.vector_store %arg5[%swap3A_129, %swap3A_130, %swap3A_131], %swap3A_134 {strides = array<i32>} : memref<1x80x128xf32, #tpu.memory_space<vmem>>, vector<1x1x16xf32>,
      %broadcast_in_dim3A_135 = arith.constant 0.000000e+00 : f32
      %broadcast_in_dim3A_136 = vector.broadcast %broadcast_in_dim3A_135 : f32 to vector<16xf32>
      %swap3A_137 = arith.constant 0 : i32
      %swap3A_138 = arith.index_cast %swap3A_137 : i32 to index
      %swap3A_139 = arith.index_cast %scan3A_81 : i32 to index
      %swap3A_140 = arith.constant 96 : index
      %swap3A_141 = tpu.vector_load %arg5[%swap3A_138, %swap3A_139, %swap3A_140] {strides = array<i32>} : memref<1x80x128xf32, #tpu.memory_space<vmem>>, vector<1x1x16xf32>,
      %swap3A_142 = vector.shape_cast %swap3A_141 : vector<1x1x16xf32> to vector<16xf32>
      %swap3A_143 = vector.shape_cast %broadcast_in_dim3A_136 : vector<16xf32> to vector<1x1x16xf32>
      tpu.vector_store %arg5[%swap3A_138, %swap3A_139, %swap3A_140], %swap3A_143 {strides = array<i32>} : memref<1x80x128xf32, #tpu.memory_space<vmem>>, vector<1x1x16xf32>,
      %broadcast_in_dim3A_144 = arith.constant 0.000000e+00 : f32
      %broadcast_in_dim3A_145 = vector.broadcast %broadcast_in_dim3A_144 : f32 to vector<16xf32>
      %swap3A_146 = arith.constant 0 : i32
      %swap3A_147 = arith.index_cast %swap3A_146 : i32 to index
      %swap3A_148 = arith.index_cast %scan3A_81 : i32 to index
      %swap3A_149 = arith.constant 112 : index
      %swap3A_150 = tpu.vector_load %arg5[%swap3A_147, %swap3A_148, %swap3A_149] {strides = array<i32>} : memref<1x80x128xf32, #tpu.memory_space<vmem>>, vector<1x1x16xf32>,
      %swap3A_151 = vector.shape_cast %swap3A_150 : vector<1x1x16xf32> to vector<16xf32>
      %swap3A_152 = vector.shape_cast %broadcast_in_dim3A_145 : vector<16xf32> to vector<1x1x16xf32>
      tpu.vector_store %arg5[%swap3A_147, %swap3A_148, %swap3A_149], %swap3A_152 {strides = array<i32>} : memref<1x80x128xf32, #tpu.memory_space<vmem>>, vector<1x1x16xf32>,
      %scan3A_153 = arith.constant 0 : i32
      scf.yield %scan3A_153 : i32
    }
    %scan3A_23 = arith.constant 80 : i32
    %mul3A_24 = arith.constant 640 : i32
    %mul3A_25 = arith.muli %arg1, %mul3A_24 : i32
    %add3A_26 = arith.constant 0 : i32
    %add3A_27 = arith.addi %mul3A_25, %add3A_26 : i32
    %run_scoped3A = arith.constant 0 : i32
    "tpu.region"() ({
      %run_scoped3A_81 = tpu.sem_alloc : memref<!tpu.dma_semaphore, #tpu.memory_space<semaphore_mem>>
      %dma_start3A_82 = arith.constant 0 : i32
      %dma_start3A_83 = arith.constant 0 : i32
      %dma_start3A_84 = tpu.memref_slice %arg5[%run_scoped3A, %dma_start3A_82, %dma_start3A_83] : memref<1x80x128xf32, #tpu.memory_space<vmem>> -> memref<1x80x128xf32, #tpu.memory_space<vmem>>
      %dma_start3A_85 = tpu.memref_squeeze %dma_start3A_84 : memref<1x80x128xf32, #tpu.memory_space<vmem>> -> memref<80x128xf32, #tpu.memory_space<vmem>>
      %dma_start3A_86 = arith.constant 0 : i32
      %dma_start3A_87 = tpu.memref_slice %arg6[%add3A_27, %dma_start3A_86] : memref<10240x128xf32, #tpu.memory_space<vmem_shared>> -> memref<80x128xf32, #tpu.memory_space<vmem_shared>>
      %dma_start3A_88 = arith.constant 0 : i32
      %dma_start3A_89 = tpu.memref_slice %arg6[%add3A_27, %dma_start3A_88] : memref<10240x128xf32, #tpu.memory_space<vmem_shared>> -> memref<80x128xf32, #tpu.memory_space<vmem_shared>>
      %dma_start3A_90 = arith.constant 0 : i32
      %dma_start3A_91 = arith.constant 0 : i32
      %dma_start3A_92 = tpu.memref_slice %arg5[%run_scoped3A, %dma_start3A_90, %dma_start3A_91] : memref<1x80x128xf32, #tpu.memory_space<vmem>> -> memref<1x80x128xf32, #tpu.memory_space<vmem>>
      %dma_start3A_93 = tpu.memref_squeeze %dma_start3A_92 : memref<1x80x128xf32, #tpu.memory_space<vmem>> -> memref<80x128xf32, #tpu.memory_space<vmem>>
      tpu.enqueue_dma source(%dma_start3A_93 : memref<80x128xf32, #tpu.memory_space<vmem>>) target(%dma_start3A_89 : memref<80x128xf32, #tpu.memory_space<vmem_shared>>) target_semaphore(%run_scoped3A_81 : memref<!tpu.dma_semaphore, #tpu.memory_space<semaphore_mem>>)
      %dma_wait3A_94 = arith.constant 0 : i32
      %dma_wait3A_95 = arith.constant 0 : i32
      %dma_wait3A_96 = tpu.memref_slice %arg5[%run_scoped3A, %dma_wait3A_94, %dma_wait3A_95] : memref<1x80x128xf32, #tpu.memory_space<vmem>> -> memref<1x80x128xf32, #tpu.memory_space<vmem>>
      %dma_wait3A_97 = tpu.memref_squeeze %dma_wait3A_96 : memref<1x80x128xf32, #tpu.memory_space<vmem>> -> memref<80x128xf32, #tpu.memory_space<vmem>>
      %dma_wait3A_98 = arith.constant 0 : i32
      %dma_wait3A_99 = tpu.memref_slice %arg6[%add3A_27, %dma_wait3A_98] : memref<10240x128xf32, #tpu.memory_space<vmem_shared>> -> memref<80x128xf32, #tpu.memory_space<vmem_shared>>
      %dma_wait3A_100 = arith.constant 0 : i32
      %dma_wait3A_101 = tpu.memref_slice %arg6[%add3A_27, %dma_wait3A_100] : memref<10240x128xf32, #tpu.memory_space<vmem_shared>> -> memref<80x128xf32, #tpu.memory_space<vmem_shared>>
      %dma_wait3A_102 = arith.constant 0 : i32
      %dma_wait3A_103 = arith.constant 0 : i32
      %dma_wait3A_104 = tpu.memref_slice %arg5[%run_scoped3A, %dma_wait3A_102, %dma_wait3A_103] : memref<1x80x128xf32, #tpu.memory_space<vmem>> -> memref<1x80x128xf32, #tpu.memory_space<vmem>>
      %dma_wait3A_105 = tpu.memref_squeeze %dma_wait3A_104 : memref<1x80x128xf32, #tpu.memory_space<vmem>> -> memref<80x128xf32, #tpu.memory_space<vmem>>
      tpu.wait_dma2 semaphore(%run_scoped3A_81 : memref<!tpu.dma_semaphore, #tpu.memory_space<semaphore_mem>>) src(%dma_wait3A_105 : memref<80x128xf32, #tpu.memory_space<vmem>>) dst(%dma_wait3A_101 : memref<80x128xf32, #tpu.memory_space<vmem_shared>>)
      tpu.yield
    }) : () -> ()
    %add3A_28 = arith.constant 80 : i32
    %add3A_29 = arith.addi %mul3A_25, %add3A_28 : i32
    %run_scoped3A_30 = arith.constant 0 : i32
    "tpu.region"() ({
      %run_scoped3A_81 = tpu.sem_alloc : memref<!tpu.dma_semaphore, #tpu.memory_space<semaphore_mem>>
      %dma_start3A_82 = arith.constant 0 : i32
      %dma_start3A_83 = arith.constant 0 : i32
      %dma_start3A_84 = tpu.memref_slice %arg5[%run_scoped3A_30, %dma_start3A_82, %dma_start3A_83] : memref<1x80x128xf32, #tpu.memory_space<vmem>> -> memref<1x80x128xf32, #tpu.memory_space<vmem>>
      %dma_start3A_85 = tpu.memref_squeeze %dma_start3A_84 : memref<1x80x128xf32, #tpu.memory_space<vmem>> -> memref<80x128xf32, #tpu.memory_space<vmem>>
      %dma_start3A_86 = arith.constant 0 : i32
      %dma_start3A_87 = tpu.memref_slice %arg6[%add3A_29, %dma_start3A_86] : memref<10240x128xf32, #tpu.memory_space<vmem_shared>> -> memref<80x128xf32, #tpu.memory_space<vmem_shared>>
      %dma_start3A_88 = arith.constant 0 : i32
      %dma_start3A_89 = tpu.memref_slice %arg6[%add3A_29, %dma_start3A_88] : memref<10240x128xf32, #tpu.memory_space<vmem_shared>> -> memref<80x128xf32, #tpu.memory_space<vmem_shared>>
      %dma_start3A_90 = arith.constant 0 : i32
      %dma_start3A_91 = arith.constant 0 : i32
      %dma_start3A_92 = tpu.memref_slice %arg5[%run_scoped3A_30, %dma_start3A_90, %dma_start3A_91] : memref<1x80x128xf32, #tpu.memory_space<vmem>> -> memref<1x80x128xf32, #tpu.memory_space<vmem>>
      %dma_start3A_93 = tpu.memref_squeeze %dma_start3A_92 : memref<1x80x128xf32, #tpu.memory_space<vmem>> -> memref<80x128xf32, #tpu.memory_space<vmem>>
      tpu.enqueue_dma source(%dma_start3A_93 : memref<80x128xf32, #tpu.memory_space<vmem>>) target(%dma_start3A_89 : memref<80x128xf32, #tpu.memory_space<vmem_shared>>) target_semaphore(%run_scoped3A_81 : memref<!tpu.dma_semaphore, #tpu.memory_space<semaphore_mem>>)
      %dma_wait3A_94 = arith.constant 0 : i32
      %dma_wait3A_95 = arith.constant 0 : i32
      %dma_wait3A_96 = tpu.memref_slice %arg5[%run_scoped3A_30, %dma_wait3A_94, %dma_wait3A_95] : memref<1x80x128xf32, #tpu.memory_space<vmem>> -> memref<1x80x128xf32, #tpu.memory_space<vmem>>
      %dma_wait3A_97 = tpu.memref_squeeze %dma_wait3A_96 : memref<1x80x128xf32, #tpu.memory_space<vmem>> -> memref<80x128xf32, #tpu.memory_space<vmem>>
      %dma_wait3A_98 = arith.constant 0 : i32
      %dma_wait3A_99 = tpu.memref_slice %arg6[%add3A_29, %dma_wait3A_98] : memref<10240x128xf32, #tpu.memory_space<vmem_shared>> -> memref<80x128xf32, #tpu.memory_space<vmem_shared>>
      %dma_wait3A_100 = arith.constant 0 : i32
      %dma_wait3A_101 = tpu.memref_slice %arg6[%add3A_29, %dma_wait3A_100] : memref<10240x128xf32, #tpu.memory_space<vmem_shared>> -> memref<80x128xf32, #tpu.memory_space<vmem_shared>>
      %dma_wait3A_102 = arith.constant 0 : i32
      %dma_wait3A_103 = arith.constant 0 : i32
      %dma_wait3A_104 = tpu.memref_slice %arg5[%run_scoped3A_30, %dma_wait3A_102, %dma_wait3A_103] : memref<1x80x128xf32, #tpu.memory_space<vmem>> -> memref<1x80x128xf32, #tpu.memory_space<vmem>>
      %dma_wait3A_105 = tpu.memref_squeeze %dma_wait3A_104 : memref<1x80x128xf32, #tpu.memory_space<vmem>> -> memref<80x128xf32, #tpu.memory_space<vmem>>
      tpu.wait_dma2 semaphore(%run_scoped3A_81 : memref<!tpu.dma_semaphore, #tpu.memory_space<semaphore_mem>>) src(%dma_wait3A_105 : memref<80x128xf32, #tpu.memory_space<vmem>>) dst(%dma_wait3A_101 : memref<80x128xf32, #tpu.memory_space<vmem_shared>>)
      tpu.yield
    }) : () -> ()
    %add3A_31 = arith.constant 160 : i32
    %add3A_32 = arith.addi %mul3A_25, %add3A_31 : i32
    %run_scoped3A_33 = arith.constant 0 : i32
    "tpu.region"() ({
      %run_scoped3A_81 = tpu.sem_alloc : memref<!tpu.dma_semaphore, #tpu.memory_space<semaphore_mem>>
      %dma_start3A_82 = arith.constant 0 : i32
      %dma_start3A_83 = arith.constant 0 : i32
      %dma_start3A_84 = tpu.memref_slice %arg5[%run_scoped3A_33, %dma_start3A_82, %dma_start3A_83] : memref<1x80x128xf32, #tpu.memory_space<vmem>> -> memref<1x80x128xf32, #tpu.memory_space<vmem>>
      %dma_start3A_85 = tpu.memref_squeeze %dma_start3A_84 : memref<1x80x128xf32, #tpu.memory_space<vmem>> -> memref<80x128xf32, #tpu.memory_space<vmem>>
      %dma_start3A_86 = arith.constant 0 : i32
      %dma_start3A_87 = tpu.memref_slice %arg6[%add3A_32, %dma_start3A_86] : memref<10240x128xf32, #tpu.memory_space<vmem_shared>> -> memref<80x128xf32, #tpu.memory_space<vmem_shared>>
      %dma_start3A_88 = arith.constant 0 : i32
      %dma_start3A_89 = tpu.memref_slice %arg6[%add3A_32, %dma_start3A_88] : memref<10240x128xf32, #tpu.memory_space<vmem_shared>> -> memref<80x128xf32, #tpu.memory_space<vmem_shared>>
      %dma_start3A_90 = arith.constant 0 : i32
      %dma_start3A_91 = arith.constant 0 : i32
      %dma_start3A_92 = tpu.memref_slice %arg5[%run_scoped3A_33, %dma_start3A_90, %dma_start3A_91] : memref<1x80x128xf32, #tpu.memory_space<vmem>> -> memref<1x80x128xf32, #tpu.memory_space<vmem>>
      %dma_start3A_93 = tpu.memref_squeeze %dma_start3A_92 : memref<1x80x128xf32, #tpu.memory_space<vmem>> -> memref<80x128xf32, #tpu.memory_space<vmem>>
      tpu.enqueue_dma source(%dma_start3A_93 : memref<80x128xf32, #tpu.memory_space<vmem>>) target(%dma_start3A_89 : memref<80x128xf32, #tpu.memory_space<vmem_shared>>) target_semaphore(%run_scoped3A_81 : memref<!tpu.dma_semaphore, #tpu.memory_space<semaphore_mem>>)
      %dma_wait3A_94 = arith.constant 0 : i32
      %dma_wait3A_95 = arith.constant 0 : i32
      %dma_wait3A_96 = tpu.memref_slice %arg5[%run_scoped3A_33, %dma_wait3A_94, %dma_wait3A_95] : memref<1x80x128xf32, #tpu.memory_space<vmem>> -> memref<1x80x128xf32, #tpu.memory_space<vmem>>
      %dma_wait3A_97 = tpu.memref_squeeze %dma_wait3A_96 : memref<1x80x128xf32, #tpu.memory_space<vmem>> -> memref<80x128xf32, #tpu.memory_space<vmem>>
      %dma_wait3A_98 = arith.constant 0 : i32
      %dma_wait3A_99 = tpu.memref_slice %arg6[%add3A_32, %dma_wait3A_98] : memref<10240x128xf32, #tpu.memory_space<vmem_shared>> -> memref<80x128xf32, #tpu.memory_space<vmem_shared>>
      %dma_wait3A_100 = arith.constant 0 : i32
      %dma_wait3A_101 = tpu.memref_slice %arg6[%add3A_32, %dma_wait3A_100] : memref<10240x128xf32, #tpu.memory_space<vmem_shared>> -> memref<80x128xf32, #tpu.memory_space<vmem_shared>>
      %dma_wait3A_102 = arith.constant 0 : i32
      %dma_wait3A_103 = arith.constant 0 : i32
      %dma_wait3A_104 = tpu.memref_slice %arg5[%run_scoped3A_33, %dma_wait3A_102, %dma_wait3A_103] : memref<1x80x128xf32, #tpu.memory_space<vmem>> -> memref<1x80x128xf32, #tpu.memory_space<vmem>>
      %dma_wait3A_105 = tpu.memref_squeeze %dma_wait3A_104 : memref<1x80x128xf32, #tpu.memory_space<vmem>> -> memref<80x128xf32, #tpu.memory_space<vmem>>
      tpu.wait_dma2 semaphore(%run_scoped3A_81 : memref<!tpu.dma_semaphore, #tpu.memory_space<semaphore_mem>>) src(%dma_wait3A_105 : memref<80x128xf32, #tpu.memory_space<vmem>>) dst(%dma_wait3A_101 : memref<80x128xf32, #tpu.memory_space<vmem_shared>>)
      tpu.yield
    }) : () -> ()
    %add3A_34 = arith.constant 240 : i32
    %add3A_35 = arith.addi %mul3A_25, %add3A_34 : i32
    %run_scoped3A_36 = arith.constant 0 : i32
    "tpu.region"() ({
      %run_scoped3A_81 = tpu.sem_alloc : memref<!tpu.dma_semaphore, #tpu.memory_space<semaphore_mem>>
      %dma_start3A_82 = arith.constant 0 : i32
      %dma_start3A_83 = arith.constant 0 : i32
      %dma_start3A_84 = tpu.memref_slice %arg5[%run_scoped3A_36, %dma_start3A_82, %dma_start3A_83] : memref<1x80x128xf32, #tpu.memory_space<vmem>> -> memref<1x80x128xf32, #tpu.memory_space<vmem>>
      %dma_start3A_85 = tpu.memref_squeeze %dma_start3A_84 : memref<1x80x128xf32, #tpu.memory_space<vmem>> -> memref<80x128xf32, #tpu.memory_space<vmem>>
      %dma_start3A_86 = arith.constant 0 : i32
      %dma_start3A_87 = tpu.memref_slice %arg6[%add3A_35, %dma_start3A_86] : memref<10240x128xf32, #tpu.memory_space<vmem_shared>> -> memref<80x128xf32, #tpu.memory_space<vmem_shared>>
      %dma_start3A_88 = arith.constant 0 : i32
      %dma_start3A_89 = tpu.memref_slice %arg6[%add3A_35, %dma_start3A_88] : memref<10240x128xf32, #tpu.memory_space<vmem_shared>> -> memref<80x128xf32, #tpu.memory_space<vmem_shared>>
      %dma_start3A_90 = arith.constant 0 : i32
      %dma_start3A_91 = arith.constant 0 : i32
      %dma_start3A_92 = tpu.memref_slice %arg5[%run_scoped3A_36, %dma_start3A_90, %dma_start3A_91] : memref<1x80x128xf32, #tpu.memory_space<vmem>> -> memref<1x80x128xf32, #tpu.memory_space<vmem>>
      %dma_start3A_93 = tpu.memref_squeeze %dma_start3A_92 : memref<1x80x128xf32, #tpu.memory_space<vmem>> -> memref<80x128xf32, #tpu.memory_space<vmem>>
      tpu.enqueue_dma source(%dma_start3A_93 : memref<80x128xf32, #tpu.memory_space<vmem>>) target(%dma_start3A_89 : memref<80x128xf32, #tpu.memory_space<vmem_shared>>) target_semaphore(%run_scoped3A_81 : memref<!tpu.dma_semaphore, #tpu.memory_space<semaphore_mem>>)
      %dma_wait3A_94 = arith.constant 0 : i32
      %dma_wait3A_95 = arith.constant 0 : i32
      %dma_wait3A_96 = tpu.memref_slice %arg5[%run_scoped3A_36, %dma_wait3A_94, %dma_wait3A_95] : memref<1x80x128xf32, #tpu.memory_space<vmem>> -> memref<1x80x128xf32, #tpu.memory_space<vmem>>
      %dma_wait3A_97 = tpu.memref_squeeze %dma_wait3A_96 : memref<1x80x128xf32, #tpu.memory_space<vmem>> -> memref<80x128xf32, #tpu.memory_space<vmem>>
      %dma_wait3A_98 = arith.constant 0 : i32
      %dma_wait3A_99 = tpu.memref_slice %arg6[%add3A_35, %dma_wait3A_98] : memref<10240x128xf32, #tpu.memory_space<vmem_shared>> -> memref<80x128xf32, #tpu.memory_space<vmem_shared>>
      %dma_wait3A_100 = arith.constant 0 : i32
      %dma_wait3A_101 = tpu.memref_slice %arg6[%add3A_35, %dma_wait3A_100] : memref<10240x128xf32, #tpu.memory_space<vmem_shared>> -> memref<80x128xf32, #tpu.memory_space<vmem_shared>>
      %dma_wait3A_102 = arith.constant 0 : i32
      %dma_wait3A_103 = arith.constant 0 : i32
      %dma_wait3A_104 = tpu.memref_slice %arg5[%run_scoped3A_36, %dma_wait3A_102, %dma_wait3A_103] : memref<1x80x128xf32, #tpu.memory_space<vmem>> -> memref<1x80x128xf32, #tpu.memory_space<vmem>>
      %dma_wait3A_105 = tpu.memref_squeeze %dma_wait3A_104 : memref<1x80x128xf32, #tpu.memory_space<vmem>> -> memref<80x128xf32, #tpu.memory_space<vmem>>
      tpu.wait_dma2 semaphore(%run_scoped3A_81 : memref<!tpu.dma_semaphore, #tpu.memory_space<semaphore_mem>>) src(%dma_wait3A_105 : memref<80x128xf32, #tpu.memory_space<vmem>>) dst(%dma_wait3A_101 : memref<80x128xf32, #tpu.memory_space<vmem_shared>>)
      tpu.yield
    }) : () -> ()
    %add3A_37 = arith.constant 320 : i32
    %add3A_38 = arith.addi %mul3A_25, %add3A_37 : i32
    %run_scoped3A_39 = arith.constant 0 : i32
    "tpu.region"() ({
      %run_scoped3A_81 = tpu.sem_alloc : memref<!tpu.dma_semaphore, #tpu.memory_space<semaphore_mem>>
      %dma_start3A_82 = arith.constant 0 : i32
      %dma_start3A_83 = arith.constant 0 : i32
      %dma_start3A_84 = tpu.memref_slice %arg5[%run_scoped3A_39, %dma_start3A_82, %dma_start3A_83] : memref<1x80x128xf32, #tpu.memory_space<vmem>> -> memref<1x80x128xf32, #tpu.memory_space<vmem>>
      %dma_start3A_85 = tpu.memref_squeeze %dma_start3A_84 : memref<1x80x128xf32, #tpu.memory_space<vmem>> -> memref<80x128xf32, #tpu.memory_space<vmem>>
      %dma_start3A_86 = arith.constant 0 : i32
      %dma_start3A_87 = tpu.memref_slice %arg6[%add3A_38, %dma_start3A_86] : memref<10240x128xf32, #tpu.memory_space<vmem_shared>> -> memref<80x128xf32, #tpu.memory_space<vmem_shared>>
      %dma_start3A_88 = arith.constant 0 : i32
      %dma_start3A_89 = tpu.memref_slice %arg6[%add3A_38, %dma_start3A_88] : memref<10240x128xf32, #tpu.memory_space<vmem_shared>> -> memref<80x128xf32, #tpu.memory_space<vmem_shared>>
      %dma_start3A_90 = arith.constant 0 : i32
      %dma_start3A_91 = arith.constant 0 : i32
      %dma_start3A_92 = tpu.memref_slice %arg5[%run_scoped3A_39, %dma_start3A_90, %dma_start3A_91] : memref<1x80x128xf32, #tpu.memory_space<vmem>> -> memref<1x80x128xf32, #tpu.memory_space<vmem>>
      %dma_start3A_93 = tpu.memref_squeeze %dma_start3A_92 : memref<1x80x128xf32, #tpu.memory_space<vmem>> -> memref<80x128xf32, #tpu.memory_space<vmem>>
      tpu.enqueue_dma source(%dma_start3A_93 : memref<80x128xf32, #tpu.memory_space<vmem>>) target(%dma_start3A_89 : memref<80x128xf32, #tpu.memory_space<vmem_shared>>) target_semaphore(%run_scoped3A_81 : memref<!tpu.dma_semaphore, #tpu.memory_space<semaphore_mem>>)
      %dma_wait3A_94 = arith.constant 0 : i32
      %dma_wait3A_95 = arith.constant 0 : i32
      %dma_wait3A_96 = tpu.memref_slice %arg5[%run_scoped3A_39, %dma_wait3A_94, %dma_wait3A_95] : memref<1x80x128xf32, #tpu.memory_space<vmem>> -> memref<1x80x128xf32, #tpu.memory_space<vmem>>
      %dma_wait3A_97 = tpu.memref_squeeze %dma_wait3A_96 : memref<1x80x128xf32, #tpu.memory_space<vmem>> -> memref<80x128xf32, #tpu.memory_space<vmem>>
      %dma_wait3A_98 = arith.constant 0 : i32
      %dma_wait3A_99 = tpu.memref_slice %arg6[%add3A_38, %dma_wait3A_98] : memref<10240x128xf32, #tpu.memory_space<vmem_shared>> -> memref<80x128xf32, #tpu.memory_space<vmem_shared>>
      %dma_wait3A_100 = arith.constant 0 : i32
      %dma_wait3A_101 = tpu.memref_slice %arg6[%add3A_38, %dma_wait3A_100] : memref<10240x128xf32, #tpu.memory_space<vmem_shared>> -> memref<80x128xf32, #tpu.memory_space<vmem_shared>>
      %dma_wait3A_102 = arith.constant 0 : i32
      %dma_wait3A_103 = arith.constant 0 : i32
      %dma_wait3A_104 = tpu.memref_slice %arg5[%run_scoped3A_39, %dma_wait3A_102, %dma_wait3A_103] : memref<1x80x128xf32, #tpu.memory_space<vmem>> -> memref<1x80x128xf32, #tpu.memory_space<vmem>>
      %dma_wait3A_105 = tpu.memref_squeeze %dma_wait3A_104 : memref<1x80x128xf32, #tpu.memory_space<vmem>> -> memref<80x128xf32, #tpu.memory_space<vmem>>
      tpu.wait_dma2 semaphore(%run_scoped3A_81 : memref<!tpu.dma_semaphore, #tpu.memory_space<semaphore_mem>>) src(%dma_wait3A_105 : memref<80x128xf32, #tpu.memory_space<vmem>>) dst(%dma_wait3A_101 : memref<80x128xf32, #tpu.memory_space<vmem_shared>>)
      tpu.yield
    }) : () -> ()
    %add3A_40 = arith.constant 400 : i32
    %add3A_41 = arith.addi %mul3A_25, %add3A_40 : i32
    %run_scoped3A_42 = arith.constant 0 : i32
    "tpu.region"() ({
      %run_scoped3A_81 = tpu.sem_alloc : memref<!tpu.dma_semaphore, #tpu.memory_space<semaphore_mem>>
      %dma_start3A_82 = arith.constant 0 : i32
      %dma_start3A_83 = arith.constant 0 : i32
      %dma_start3A_84 = tpu.memref_slice %arg5[%run_scoped3A_42, %dma_start3A_82, %dma_start3A_83] : memref<1x80x128xf32, #tpu.memory_space<vmem>> -> memref<1x80x128xf32, #tpu.memory_space<vmem>>
      %dma_start3A_85 = tpu.memref_squeeze %dma_start3A_84 : memref<1x80x128xf32, #tpu.memory_space<vmem>> -> memref<80x128xf32, #tpu.memory_space<vmem>>
      %dma_start3A_86 = arith.constant 0 : i32
      %dma_start3A_87 = tpu.memref_slice %arg6[%add3A_41, %dma_start3A_86] : memref<10240x128xf32, #tpu.memory_space<vmem_shared>> -> memref<80x128xf32, #tpu.memory_space<vmem_shared>>
      %dma_start3A_88 = arith.constant 0 : i32
      %dma_start3A_89 = tpu.memref_slice %arg6[%add3A_41, %dma_start3A_88] : memref<10240x128xf32, #tpu.memory_space<vmem_shared>> -> memref<80x128xf32, #tpu.memory_space<vmem_shared>>
      %dma_start3A_90 = arith.constant 0 : i32
      %dma_start3A_91 = arith.constant 0 : i32
      %dma_start3A_92 = tpu.memref_slice %arg5[%run_scoped3A_42, %dma_start3A_90, %dma_start3A_91] : memref<1x80x128xf32, #tpu.memory_space<vmem>> -> memref<1x80x128xf32, #tpu.memory_space<vmem>>
      %dma_start3A_93 = tpu.memref_squeeze %dma_start3A_92 : memref<1x80x128xf32, #tpu.memory_space<vmem>> -> memref<80x128xf32, #tpu.memory_space<vmem>>
      tpu.enqueue_dma source(%dma_start3A_93 : memref<80x128xf32, #tpu.memory_space<vmem>>) target(%dma_start3A_89 : memref<80x128xf32, #tpu.memory_space<vmem_shared>>) target_semaphore(%run_scoped3A_81 : memref<!tpu.dma_semaphore, #tpu.memory_space<semaphore_mem>>)
      %dma_wait3A_94 = arith.constant 0 : i32
      %dma_wait3A_95 = arith.constant 0 : i32
      %dma_wait3A_96 = tpu.memref_slice %arg5[%run_scoped3A_42, %dma_wait3A_94, %dma_wait3A_95] : memref<1x80x128xf32, #tpu.memory_space<vmem>> -> memref<1x80x128xf32, #tpu.memory_space<vmem>>
      %dma_wait3A_97 = tpu.memref_squeeze %dma_wait3A_96 : memref<1x80x128xf32, #tpu.memory_space<vmem>> -> memref<80x128xf32, #tpu.memory_space<vmem>>
      %dma_wait3A_98 = arith.constant 0 : i32
      %dma_wait3A_99 = tpu.memref_slice %arg6[%add3A_41, %dma_wait3A_98] : memref<10240x128xf32, #tpu.memory_space<vmem_shared>> -> memref<80x128xf32, #tpu.memory_space<vmem_shared>>
      %dma_wait3A_100 = arith.constant 0 : i32
      %dma_wait3A_101 = tpu.memref_slice %arg6[%add3A_41, %dma_wait3A_100] : memref<10240x128xf32, #tpu.memory_space<vmem_shared>> -> memref<80x128xf32, #tpu.memory_space<vmem_shared>>
      %dma_wait3A_102 = arith.constant 0 : i32
      %dma_wait3A_103 = arith.constant 0 : i32
      %dma_wait3A_104 = tpu.memref_slice %arg5[%run_scoped3A_42, %dma_wait3A_102, %dma_wait3A_103] : memref<1x80x128xf32, #tpu.memory_space<vmem>> -> memref<1x80x128xf32, #tpu.memory_space<vmem>>
      %dma_wait3A_105 = tpu.memref_squeeze %dma_wait3A_104 : memref<1x80x128xf32, #tpu.memory_space<vmem>> -> memref<80x128xf32, #tpu.memory_space<vmem>>
      tpu.wait_dma2 semaphore(%run_scoped3A_81 : memref<!tpu.dma_semaphore, #tpu.memory_space<semaphore_mem>>) src(%dma_wait3A_105 : memref<80x128xf32, #tpu.memory_space<vmem>>) dst(%dma_wait3A_101 : memref<80x128xf32, #tpu.memory_space<vmem_shared>>)
      tpu.yield
    }) : () -> ()
    %add3A_43 = arith.constant 480 : i32
    %add3A_44 = arith.addi %mul3A_25, %add3A_43 : i32
    %run_scoped3A_45 = arith.constant 0 : i32
    "tpu.region"() ({
      %run_scoped3A_81 = tpu.sem_alloc : memref<!tpu.dma_semaphore, #tpu.memory_space<semaphore_mem>>
      %dma_start3A_82 = arith.constant 0 : i32
      %dma_start3A_83 = arith.constant 0 : i32
      %dma_start3A_84 = tpu.memref_slice %arg5[%run_scoped3A_45, %dma_start3A_82, %dma_start3A_83] : memref<1x80x128xf32, #tpu.memory_space<vmem>> -> memref<1x80x128xf32, #tpu.memory_space<vmem>>
      %dma_start3A_85 = tpu.memref_squeeze %dma_start3A_84 : memref<1x80x128xf32, #tpu.memory_space<vmem>> -> memref<80x128xf32, #tpu.memory_space<vmem>>
      %dma_start3A_86 = arith.constant 0 : i32
      %dma_start3A_87 = tpu.memref_slice %arg6[%add3A_44, %dma_start3A_86] : memref<10240x128xf32, #tpu.memory_space<vmem_shared>> -> memref<80x128xf32, #tpu.memory_space<vmem_shared>>
      %dma_start3A_88 = arith.constant 0 : i32
      %dma_start3A_89 = tpu.memref_slice %arg6[%add3A_44, %dma_start3A_88] : memref<10240x128xf32, #tpu.memory_space<vmem_shared>> -> memref<80x128xf32, #tpu.memory_space<vmem_shared>>
      %dma_start3A_90 = arith.constant 0 : i32
      %dma_start3A_91 = arith.constant 0 : i32
      %dma_start3A_92 = tpu.memref_slice %arg5[%run_scoped3A_45, %dma_start3A_90, %dma_start3A_91] : memref<1x80x128xf32, #tpu.memory_space<vmem>> -> memref<1x80x128xf32, #tpu.memory_space<vmem>>
      %dma_start3A_93 = tpu.memref_squeeze %dma_start3A_92 : memref<1x80x128xf32, #tpu.memory_space<vmem>> -> memref<80x128xf32, #tpu.memory_space<vmem>>
      tpu.enqueue_dma source(%dma_start3A_93 : memref<80x128xf32, #tpu.memory_space<vmem>>) target(%dma_start3A_89 : memref<80x128xf32, #tpu.memory_space<vmem_shared>>) target_semaphore(%run_scoped3A_81 : memref<!tpu.dma_semaphore, #tpu.memory_space<semaphore_mem>>)
      %dma_wait3A_94 = arith.constant 0 : i32
      %dma_wait3A_95 = arith.constant 0 : i32
      %dma_wait3A_96 = tpu.memref_slice %arg5[%run_scoped3A_45, %dma_wait3A_94, %dma_wait3A_95] : memref<1x80x128xf32, #tpu.memory_space<vmem>> -> memref<1x80x128xf32, #tpu.memory_space<vmem>>
      %dma_wait3A_97 = tpu.memref_squeeze %dma_wait3A_96 : memref<1x80x128xf32, #tpu.memory_space<vmem>> -> memref<80x128xf32, #tpu.memory_space<vmem>>
      %dma_wait3A_98 = arith.constant 0 : i32
      %dma_wait3A_99 = tpu.memref_slice %arg6[%add3A_44, %dma_wait3A_98] : memref<10240x128xf32, #tpu.memory_space<vmem_shared>> -> memref<80x128xf32, #tpu.memory_space<vmem_shared>>
      %dma_wait3A_100 = arith.constant 0 : i32
      %dma_wait3A_101 = tpu.memref_slice %arg6[%add3A_44, %dma_wait3A_100] : memref<10240x128xf32, #tpu.memory_space<vmem_shared>> -> memref<80x128xf32, #tpu.memory_space<vmem_shared>>
      %dma_wait3A_102 = arith.constant 0 : i32
      %dma_wait3A_103 = arith.constant 0 : i32
      %dma_wait3A_104 = tpu.memref_slice %arg5[%run_scoped3A_45, %dma_wait3A_102, %dma_wait3A_103] : memref<1x80x128xf32, #tpu.memory_space<vmem>> -> memref<1x80x128xf32, #tpu.memory_space<vmem>>
      %dma_wait3A_105 = tpu.memref_squeeze %dma_wait3A_104 : memref<1x80x128xf32, #tpu.memory_space<vmem>> -> memref<80x128xf32, #tpu.memory_space<vmem>>
      tpu.wait_dma2 semaphore(%run_scoped3A_81 : memref<!tpu.dma_semaphore, #tpu.memory_space<semaphore_mem>>) src(%dma_wait3A_105 : memref<80x128xf32, #tpu.memory_space<vmem>>) dst(%dma_wait3A_101 : memref<80x128xf32, #tpu.memory_space<vmem_shared>>)
      tpu.yield
    }) : () -> ()
    %add3A_46 = arith.constant 560 : i32
    %add3A_47 = arith.addi %mul3A_25, %add3A_46 : i32
    %run_scoped3A_48 = arith.constant 0 : i32
    "tpu.region"() ({
      %run_scoped3A_81 = tpu.sem_alloc : memref<!tpu.dma_semaphore, #tpu.memory_space<semaphore_mem>>
      %dma_start3A_82 = arith.constant 0 : i32
      %dma_start3A_83 = arith.constant 0 : i32
      %dma_start3A_84 = tpu.memref_slice %arg5[%run_scoped3A_48, %dma_start3A_82, %dma_start3A_83] : memref<1x80x128xf32, #tpu.memory_space<vmem>> -> memref<1x80x128xf32, #tpu.memory_space<vmem>>
      %dma_start3A_85 = tpu.memref_squeeze %dma_start3A_84 : memref<1x80x128xf32, #tpu.memory_space<vmem>> -> memref<80x128xf32, #tpu.memory_space<vmem>>
      %dma_start3A_86 = arith.constant 0 : i32
      %dma_start3A_87 = tpu.memref_slice %arg6[%add3A_47, %dma_start3A_86] : memref<10240x128xf32, #tpu.memory_space<vmem_shared>> -> memref<80x128xf32, #tpu.memory_space<vmem_shared>>
      %dma_start3A_88 = arith.constant 0 : i32
      %dma_start3A_89 = tpu.memref_slice %arg6[%add3A_47, %dma_start3A_88] : memref<10240x128xf32, #tpu.memory_space<vmem_shared>> -> memref<80x128xf32, #tpu.memory_space<vmem_shared>>
      %dma_start3A_90 = arith.constant 0 : i32
      %dma_start3A_91 = arith.constant 0 : i32
      %dma_start3A_92 = tpu.memref_slice %arg5[%run_scoped3A_48, %dma_start3A_90, %dma_start3A_91] : memref<1x80x128xf32, #tpu.memory_space<vmem>> -> memref<1x80x128xf32, #tpu.memory_space<vmem>>
      %dma_start3A_93 = tpu.memref_squeeze %dma_start3A_92 : memref<1x80x128xf32, #tpu.memory_space<vmem>> -> memref<80x128xf32, #tpu.memory_space<vmem>>
      tpu.enqueue_dma source(%dma_start3A_93 : memref<80x128xf32, #tpu.memory_space<vmem>>) target(%dma_start3A_89 : memref<80x128xf32, #tpu.memory_space<vmem_shared>>) target_semaphore(%run_scoped3A_81 : memref<!tpu.dma_semaphore, #tpu.memory_space<semaphore_mem>>)
      %dma_wait3A_94 = arith.constant 0 : i32
      %dma_wait3A_95 = arith.constant 0 : i32
      %dma_wait3A_96 = tpu.memref_slice %arg5[%run_scoped3A_48, %dma_wait3A_94, %dma_wait3A_95] : memref<1x80x128xf32, #tpu.memory_space<vmem>> -> memref<1x80x128xf32, #tpu.memory_space<vmem>>
      %dma_wait3A_97 = tpu.memref_squeeze %dma_wait3A_96 : memref<1x80x128xf32, #tpu.memory_space<vmem>> -> memref<80x128xf32, #tpu.memory_space<vmem>>
      %dma_wait3A_98 = arith.constant 0 : i32
      %dma_wait3A_99 = tpu.memref_slice %arg6[%add3A_47, %dma_wait3A_98] : memref<10240x128xf32, #tpu.memory_space<vmem_shared>> -> memref<80x128xf32, #tpu.memory_space<vmem_shared>>
      %dma_wait3A_100 = arith.constant 0 : i32
      %dma_wait3A_101 = tpu.memref_slice %arg6[%add3A_47, %dma_wait3A_100] : memref<10240x128xf32, #tpu.memory_space<vmem_shared>> -> memref<80x128xf32, #tpu.memory_space<vmem_shared>>
      %dma_wait3A_102 = arith.constant 0 : i32
      %dma_wait3A_103 = arith.constant 0 : i32
      %dma_wait3A_104 = tpu.memref_slice %arg5[%run_scoped3A_48, %dma_wait3A_102, %dma_wait3A_103] : memref<1x80x128xf32, #tpu.memory_space<vmem>> -> memref<1x80x128xf32, #tpu.memory_space<vmem>>
      %dma_wait3A_105 = tpu.memref_squeeze %dma_wait3A_104 : memref<1x80x128xf32, #tpu.memory_space<vmem>> -> memref<80x128xf32, #tpu.memory_space<vmem>>
      tpu.wait_dma2 semaphore(%run_scoped3A_81 : memref<!tpu.dma_semaphore, #tpu.memory_space<semaphore_mem>>) src(%dma_wait3A_105 : memref<80x128xf32, #tpu.memory_space<vmem>>) dst(%dma_wait3A_101 : memref<80x128xf32, #tpu.memory_space<vmem_shared>>)
      tpu.yield
    }) : () -> ()
    %scan3A_49 = arith.constant 0 : i32
    %scan3A_50 = arith.constant 0 : i32
    %scan3A_51 = arith.constant 80 : i32
    %scan3A_52 = arith.addi %scan3A_50, %scan3A_51 : i32
    %scan3A_53 = arith.constant 1 : i32
    %scan3A_54 = scf.for %scan3A_81 = %scan3A_50 to %scan3A_52 step %scan3A_53 iter_args(%scan3A_82 = %scan3A_49) -> (i32)  : i32 {
      %broadcast_in_dim3A = arith.constant 1.000000e+00 : f32
      %broadcast_in_dim3A_83 = vector.broadcast %broadcast_in_dim3A : f32 to vector<16xf32>
      %swap3A = arith.constant 0 : i32
      %swap3A_84 = arith.index_cast %swap3A : i32 to index
      %swap3A_85 = arith.index_cast %scan3A_81 : i32 to index
      %swap3A_86 = arith.constant 0 : index
      %swap3A_87 = tpu.vector_load %arg5[%swap3A_84, %swap3A_85, %swap3A_86] {strides = array<i32>} : memref<1x80x128xf32, #tpu.memory_space<vmem>>, vector<1x1x16xf32>,
      %swap3A_88 = vector.shape_cast %swap3A_87 : vector<1x1x16xf32> to vector<16xf32>
      %swap3A_89 = vector.shape_cast %broadcast_in_dim3A_83 : vector<16xf32> to vector<1x1x16xf32>
      tpu.vector_store %arg5[%swap3A_84, %swap3A_85, %swap3A_86], %swap3A_89 {strides = array<i32>} : memref<1x80x128xf32, #tpu.memory_space<vmem>>, vector<1x1x16xf32>,
      %scan3A_90 = arith.constant 0 : i32
      scf.yield %scan3A_90 : i32
    }
    %scan3A_55 = arith.constant 80 : i32
    %dma_wait3A = arith.constant 0 : i32
    %dma_wait3A_56 = arith.constant 0 : i32
    %dma_wait3A_57 = arith.constant 0 : i32
    %dma_wait3A_58 = arith.constant 0 : i32
    %dma_wait3A_59 = tpu.memref_slice %arg4[%dma_wait3A_56, %dma_wait3A_57, %dma_wait3A_58] : memref<2x25x80xi32, #tpu.memory_space<vmem>> -> memref<1x25x80xi32, #tpu.memory_space<vmem>>
    %dma_wait3A_60 = tpu.memref_squeeze %dma_wait3A_59 : memref<1x25x80xi32, #tpu.memory_space<vmem>> -> memref<25x80xi32, #tpu.memory_space<vmem>>
    %dma_wait3A_61 = arith.constant 0 : i32
    %dma_wait3A_62 = arith.constant 0 : i32
    %dma_wait3A_63 = tpu.memref_slice %arg2[%add3A, %dma_wait3A, %dma_wait3A_61, %dma_wait3A_62] : memref<32x5x25x80xi32, #tpu.memory_space<hbm>> -> memref<1x1x25x80xi32, #tpu.memory_space<hbm>>
    %dma_wait3A_64 = tpu.memref_squeeze %dma_wait3A_63 : memref<1x1x25x80xi32, #tpu.memory_space<hbm>> -> memref<25x80xi32, #tpu.memory_space<hbm>>
    %dma_wait3A_65 = arith.constant 0 : i32
    %dma_wait3A_66 = arith.constant 0 : i32
    %dma_wait3A_67 = tpu.memref_slice %arg4[%dma_wait3A_56, %dma_wait3A_65, %dma_wait3A_66] : memref<2x25x80xi32, #tpu.memory_space<vmem>> -> memref<1x25x80xi32, #tpu.memory_space<vmem>>
    %dma_wait3A_68 = tpu.memref_squeeze %dma_wait3A_67 : memref<1x25x80xi32, #tpu.memory_space<vmem>> -> memref<25x80xi32, #tpu.memory_space<vmem>>
    %dma_wait3A_69 = arith.constant 0 : i32
    %dma_wait3A_70 = arith.constant 0 : i32
    %dma_wait3A_71 = tpu.memref_slice %arg2[%add3A, %dma_wait3A, %dma_wait3A_69, %dma_wait3A_70] : memref<32x5x25x80xi32, #tpu.memory_space<hbm>> -> memref<1x1x25x80xi32, #tpu.memory_space<hbm>>
    %dma_wait3A_72 = tpu.memref_squeeze %dma_wait3A_71 : memref<1x1x25x80xi32, #tpu.memory_space<hbm>> -> memref<25x80xi32, #tpu.memory_space<hbm>>
    tpu.wait_dma2 semaphore(%arg8 : memref<!tpu.dma_semaphore, #tpu.memory_space<semaphore_mem>>) src(%dma_wait3A_72 : memref<25x80xi32, #tpu.memory_space<hbm>>) dst(%dma_wait3A_68 : memref<25x80xi32, #tpu.memory_space<vmem>>)
    %barrier3A = arith.constant 0 : index
    tpu.barrier barrier_id(%barrier3A)
    %scan3A_73 = arith.constant 0 : i32
    %scan3A_74 = arith.constant 0 : i32
    %scan3A_75 = arith.constant 5 : i32
    %scan3A_76 = arith.addi %scan3A_74, %scan3A_75 : i32
    %scan3A_77 = arith.constant 1 : i32
    %scan3A_78 = scf.for %scan3A_81 = %scan3A_74 to %scan3A_76 step %scan3A_77 iter_args(%scan3A_82 = %scan3A_73) -> (i32)  : i32 {
      %jit3A = arith.constant 2 : i32
      %eq3A = arith.constant 0 : i32
      %eq3A_83 = arith.cmpi eq, %jit3A, %eq3A : i32
      %jit3A_84 = arith.constant 1 : i32
      %select_n3A = arith.select %eq3A_83, %jit3A_84, %jit3A : i32
      %rem3A = arith.remsi %scan3A_81, %select_n3A : i32
      %ne3A = arith.constant 0 : i32
      %ne3A_85 = arith.cmpi ne, %rem3A, %ne3A : i32
      %lt3A = arith.constant 0 : i32
      %lt3A_86 = arith.cmpi slt, %rem3A, %lt3A : i32
      %lt3A_87 = arith.constant 0 : i32
      %lt3A_88 = arith.cmpi slt, %select_n3A, %lt3A_87 : i32
      %ne3A_89 = arith.xori %lt3A_86, %lt3A_88 : i1
      %and3A = arith.andi %ne3A_89, %ne3A_85 : i1
      %add3A_90 = arith.addi %rem3A, %select_n3A : i32
      %select_n3A_91 = arith.select %and3A, %add3A_90, %rem3A : i32
      %add3A_92 = arith.constant 1 : i32
      %add3A_93 = arith.addi %scan3A_81, %add3A_92 : i32
      %lt3A_94 = arith.constant 5 : i32
      %lt3A_95 = arith.cmpi slt, %add3A_93, %lt3A_94 : i32
      %convert_element_type3A = arith.extui %lt3A_95 : i1 to i32
      %cond3A = arith.constant 0 : i32
      %cond3A_96 = arith.cmpi ne, %convert_element_type3A, %cond3A : i32
      scf.if %cond3A_96 {
        %add3A_184 = arith.constant 1 : i32
        %add3A_185 = arith.addi %scan3A_81, %add3A_184 : i32
        %sub3A = arith.constant 1 : i32
        %sub3A_186 = arith.subi %sub3A, %select_n3A_91 : i32
        %dma_start3A_187 = arith.constant 0 : i32
        %dma_start3A_188 = arith.constant 0 : i32
        %dma_start3A_189 = tpu.memref_slice %arg4[%sub3A_186, %dma_start3A_187, %dma_start3A_188] : memref<2x25x80xi32, #tpu.memory_space<vmem>> -> memref<1x25x80xi32, #tpu.memory_space<vmem>>
        %dma_start3A_190 = tpu.memref_squeeze %dma_start3A_189 : memref<1x25x80xi32, #tpu.memory_space<vmem>> -> memref<25x80xi32, #tpu.memory_space<vmem>>
        %dma_start3A_191 = arith.constant 0 : i32
        %dma_start3A_192 = arith.constant 0 : i32
        %dma_start3A_193 = tpu.memref_slice %arg2[%add3A, %add3A_185, %dma_start3A_191, %dma_start3A_192] : memref<32x5x25x80xi32, #tpu.memory_space<hbm>> -> memref<1x1x25x80xi32, #tpu.memory_space<hbm>>
        %dma_start3A_194 = tpu.memref_squeeze %dma_start3A_193 : memref<1x1x25x80xi32, #tpu.memory_space<hbm>> -> memref<25x80xi32, #tpu.memory_space<hbm>>
        %dma_start3A_195 = arith.constant 0 : i32
        %dma_start3A_196 = arith.constant 0 : i32
        %dma_start3A_197 = tpu.memref_slice %arg4[%sub3A_186, %dma_start3A_195, %dma_start3A_196] : memref<2x25x80xi32, #tpu.memory_space<vmem>> -> memref<1x25x80xi32, #tpu.memory_space<vmem>>
        %dma_start3A_198 = tpu.memref_squeeze %dma_start3A_197 : memref<1x25x80xi32, #tpu.memory_space<vmem>> -> memref<25x80xi32, #tpu.memory_space<vmem>>
        %dma_start3A_199 = arith.constant 0 : i32
        %dma_start3A_200 = arith.constant 0 : i32
        %dma_start3A_201 = tpu.memref_slice %arg2[%add3A, %add3A_185, %dma_start3A_199, %dma_start3A_200] : memref<32x5x25x80xi32, #tpu.memory_space<hbm>> -> memref<1x1x25x80xi32, #tpu.memory_space<hbm>>
        %dma_start3A_202 = tpu.memref_squeeze %dma_start3A_201 : memref<1x1x25x80xi32, #tpu.memory_space<hbm>> -> memref<25x80xi32, #tpu.memory_space<hbm>>
        tpu.enqueue_dma source(%dma_start3A_202 : memref<25x80xi32, #tpu.memory_space<hbm>>) target(%dma_start3A_198 : memref<25x80xi32, #tpu.memory_space<vmem>>) target_semaphore(%arg8 : memref<!tpu.dma_semaphore, #tpu.memory_space<semaphore_mem>>)
      } else {
      }
      %scan3A_97 = arith.constant 0 : i32
      %scan3A_98 = arith.constant 0 : i32
      %scan3A_99 = arith.constant 25 : i32
      %scan3A_100 = arith.addi %scan3A_98, %scan3A_99 : i32
      %scan3A_101 = arith.constant 1 : i32
      %scan3A_102 = scf.for %scan3A_184 = %scan3A_98 to %scan3A_100 step %scan3A_101 iter_args(%scan3A_185 = %scan3A_97) -> (i32)  : i32 {
        %dma_start3A_186 = arith.constant 0 : i32
        %dma_start3A_187 = arith.constant 0 : i32
        %dma_start3A_188 = arith.constant 0 : i32
        %dma_start3A_189 = tpu.memref_slice %arg5[%dma_start3A_186, %dma_start3A_187, %dma_start3A_188] : memref<1x80x128xf32, #tpu.memory_space<vmem>> -> memref<1x80x128xf32, #tpu.memory_space<vmem>>
        %dma_start3A_190 = tpu.memref_squeeze %dma_start3A_189 : memref<1x80x128xf32, #tpu.memory_space<vmem>> -> memref<80x128xf32, #tpu.memory_space<vmem>>
        %dma_start3A_191 = arith.constant 0 : i32
        %dma_start3A_192 = tpu.memref_slice %arg4[%select_n3A_91, %scan3A_184, %dma_start3A_191] : memref<2x25x80xi32, #tpu.memory_space<vmem>> -> memref<1x1x80xi32, #tpu.memory_space<vmem>>
        %dma_start3A_193 = tpu.memref_squeeze %dma_start3A_192 : memref<1x1x80xi32, #tpu.memory_space<vmem>> -> memref<80xi32, #tpu.memory_space<vmem>>
        %dma_start3A_194 = arith.constant 0 : i32
        %dma_start3A_195 = arith.constant 0 : i32
        %dma_start3A_196 = tpu.memref_slice %arg6[%dma_start3A_194, %dma_start3A_195] : memref<10240x128xf32, #tpu.memory_space<vmem_shared>> -> memref<10240x128xf32, #tpu.memory_space<vmem_shared>>
        tpu.enqueue_indirect_dma source(%dma_start3A_190 : memref<80x128xf32, #tpu.memory_space<vmem>>) target(%dma_start3A_196 : memref<10240x128xf32, #tpu.memory_space<vmem_shared>>) offsets(%dma_start3A_193 : memref<80xi32, #tpu.memory_space<vmem>>) semaphore(%arg7 : memref<!tpu.dma_semaphore, #tpu.memory_space<semaphore_mem>>) {add = true}
        %ge3A = arith.constant 6 : i32
        %ge3A_197 = arith.cmpi sge, %scan3A_184, %ge3A : i32
        %convert_element_type3A_198 = arith.extui %ge3A_197 : i1 to i32
        %cond3A_199 = arith.constant 0 : i32
        %cond3A_200 = arith.cmpi ne, %convert_element_type3A_198, %cond3A_199 : i32
        scf.if %cond3A_200 {
          %sub3A = arith.constant 6 : i32
          %sub3A_202 = arith.subi %scan3A_184, %sub3A : i32
          %dma_wait3A_203 = arith.constant 0 : i32
          %dma_wait3A_204 = arith.constant 0 : i32
          %dma_wait3A_205 = arith.constant 0 : i32
          %dma_wait3A_206 = tpu.memref_slice %arg5[%dma_wait3A_203, %dma_wait3A_204, %dma_wait3A_205] : memref<1x80x128xf32, #tpu.memory_space<vmem>> -> memref<1x80x128xf32, #tpu.memory_space<vmem>>
          %dma_wait3A_207 = tpu.memref_squeeze %dma_wait3A_206 : memref<1x80x128xf32, #tpu.memory_space<vmem>> -> memref<80x128xf32, #tpu.memory_space<vmem>>
          %dma_wait3A_208 = arith.constant 0 : i32
          %dma_wait3A_209 = tpu.memref_slice %arg4[%select_n3A_91, %sub3A_202, %dma_wait3A_208] : memref<2x25x80xi32, #tpu.memory_space<vmem>> -> memref<1x1x80xi32, #tpu.memory_space<vmem>>
          %dma_wait3A_210 = tpu.memref_squeeze %dma_wait3A_209 : memref<1x1x80xi32, #tpu.memory_space<vmem>> -> memref<80xi32, #tpu.memory_space<vmem>>
          %dma_wait3A_211 = arith.constant 0 : i32
          %dma_wait3A_212 = arith.constant 0 : i32
          %dma_wait3A_213 = tpu.memref_slice %arg6[%dma_wait3A_211, %dma_wait3A_212] : memref<10240x128xf32, #tpu.memory_space<vmem_shared>> -> memref<10240x128xf32, #tpu.memory_space<vmem_shared>>
          tpu.wait_indirect_dma semaphore(%arg7 : memref<!tpu.dma_semaphore, #tpu.memory_space<semaphore_mem>>) src(%dma_wait3A_207 : memref<80x128xf32, #tpu.memory_space<vmem>>) dst(%dma_wait3A_213 : memref<10240x128xf32, #tpu.memory_space<vmem_shared>>)
        } else {
        }
        %scan3A_201 = arith.constant 0 : i32
        scf.yield %scan3A_201 : i32
      }
      %scan3A_103 = arith.constant 25 : i32
      %dma_wait3A_104 = arith.constant 0 : i32
      %dma_wait3A_105 = arith.constant 19 : i32
      %dma_wait3A_106 = arith.constant 0 : i32
      %dma_wait3A_107 = arith.constant 0 : i32
      %dma_wait3A_108 = tpu.memref_slice %arg5[%dma_wait3A_104, %dma_wait3A_106, %dma_wait3A_107] : memref<1x80x128xf32, #tpu.memory_space<vmem>> -> memref<1x80x128xf32, #tpu.memory_space<vmem>>
      %dma_wait3A_109 = tpu.memref_squeeze %dma_wait3A_108 : memref<1x80x128xf32, #tpu.memory_space<vmem>> -> memref<80x128xf32, #tpu.memory_space<vmem>>
      %dma_wait3A_110 = arith.constant 0 : i32
      %dma_wait3A_111 = tpu.memref_slice %arg4[%select_n3A_91, %dma_wait3A_105, %dma_wait3A_110] : memref<2x25x80xi32, #tpu.memory_space<vmem>> -> memref<1x1x80xi32, #tpu.memory_space<vmem>>
      %dma_wait3A_112 = tpu.memref_squeeze %dma_wait3A_111 : memref<1x1x80xi32, #tpu.memory_space<vmem>> -> memref<80xi32, #tpu.memory_space<vmem>>
      %dma_wait3A_113 = arith.constant 0 : i32
      %dma_wait3A_114 = arith.constant 0 : i32
      %dma_wait3A_115 = tpu.memref_slice %arg6[%dma_wait3A_113, %dma_wait3A_114] : memref<10240x128xf32, #tpu.memory_space<vmem_shared>> -> memref<10240x128xf32, #tpu.memory_space<vmem_shared>>
      tpu.wait_indirect_dma semaphore(%arg7 : memref<!tpu.dma_semaphore, #tpu.memory_space<semaphore_mem>>) src(%dma_wait3A_109 : memref<80x128xf32, #tpu.memory_space<vmem>>) dst(%dma_wait3A_115 : memref<10240x128xf32, #tpu.memory_space<vmem_shared>>)
      %dma_wait3A_116 = arith.constant 0 : i32
      %dma_wait3A_117 = arith.constant 20 : i32
      %dma_wait3A_118 = arith.constant 0 : i32
      %dma_wait3A_119 = arith.constant 0 : i32
      %dma_wait3A_120 = tpu.memref_slice %arg5[%dma_wait3A_116, %dma_wait3A_118, %dma_wait3A_119] : memref<1x80x128xf32, #tpu.memory_space<vmem>> -> memref<1x80x128xf32, #tpu.memory_space<vmem>>
      %dma_wait3A_121 = tpu.memref_squeeze %dma_wait3A_120 : memref<1x80x128xf32, #tpu.memory_space<vmem>> -> memref<80x128xf32, #tpu.memory_space<vmem>>
      %dma_wait3A_122 = arith.constant 0 : i32
      %dma_wait3A_123 = tpu.memref_slice %arg4[%select_n3A_91, %dma_wait3A_117, %dma_wait3A_122] : memref<2x25x80xi32, #tpu.memory_space<vmem>> -> memref<1x1x80xi32, #tpu.memory_space<vmem>>
      %dma_wait3A_124 = tpu.memref_squeeze %dma_wait3A_123 : memref<1x1x80xi32, #tpu.memory_space<vmem>> -> memref<80xi32, #tpu.memory_space<vmem>>
      %dma_wait3A_125 = arith.constant 0 : i32
      %dma_wait3A_126 = arith.constant 0 : i32
      %dma_wait3A_127 = tpu.memref_slice %arg6[%dma_wait3A_125, %dma_wait3A_126] : memref<10240x128xf32, #tpu.memory_space<vmem_shared>> -> memref<10240x128xf32, #tpu.memory_space<vmem_shared>>
      tpu.wait_indirect_dma semaphore(%arg7 : memref<!tpu.dma_semaphore, #tpu.memory_space<semaphore_mem>>) src(%dma_wait3A_121 : memref<80x128xf32, #tpu.memory_space<vmem>>) dst(%dma_wait3A_127 : memref<10240x128xf32, #tpu.memory_space<vmem_shared>>)
      %dma_wait3A_128 = arith.constant 0 : i32
      %dma_wait3A_129 = arith.constant 21 : i32
      %dma_wait3A_130 = arith.constant 0 : i32
      %dma_wait3A_131 = arith.constant 0 : i32
      %dma_wait3A_132 = tpu.memref_slice %arg5[%dma_wait3A_128, %dma_wait3A_130, %dma_wait3A_131] : memref<1x80x128xf32, #tpu.memory_space<vmem>> -> memref<1x80x128xf32, #tpu.memory_space<vmem>>
      %dma_wait3A_133 = tpu.memref_squeeze %dma_wait3A_132 : memref<1x80x128xf32, #tpu.memory_space<vmem>> -> memref<80x128xf32, #tpu.memory_space<vmem>>
      %dma_wait3A_134 = arith.constant 0 : i32
      %dma_wait3A_135 = tpu.memref_slice %arg4[%select_n3A_91, %dma_wait3A_129, %dma_wait3A_134] : memref<2x25x80xi32, #tpu.memory_space<vmem>> -> memref<1x1x80xi32, #tpu.memory_space<vmem>>
      %dma_wait3A_136 = tpu.memref_squeeze %dma_wait3A_135 : memref<1x1x80xi32, #tpu.memory_space<vmem>> -> memref<80xi32, #tpu.memory_space<vmem>>
      %dma_wait3A_137 = arith.constant 0 : i32
      %dma_wait3A_138 = arith.constant 0 : i32
      %dma_wait3A_139 = tpu.memref_slice %arg6[%dma_wait3A_137, %dma_wait3A_138] : memref<10240x128xf32, #tpu.memory_space<vmem_shared>> -> memref<10240x128xf32, #tpu.memory_space<vmem_shared>>
      tpu.wait_indirect_dma semaphore(%arg7 : memref<!tpu.dma_semaphore, #tpu.memory_space<semaphore_mem>>) src(%dma_wait3A_133 : memref<80x128xf32, #tpu.memory_space<vmem>>) dst(%dma_wait3A_139 : memref<10240x128xf32, #tpu.memory_space<vmem_shared>>)
      %dma_wait3A_140 = arith.constant 0 : i32
      %dma_wait3A_141 = arith.constant 22 : i32
      %dma_wait3A_142 = arith.constant 0 : i32
      %dma_wait3A_143 = arith.constant 0 : i32
      %dma_wait3A_144 = tpu.memref_slice %arg5[%dma_wait3A_140, %dma_wait3A_142, %dma_wait3A_143] : memref<1x80x128xf32, #tpu.memory_space<vmem>> -> memref<1x80x128xf32, #tpu.memory_space<vmem>>
      %dma_wait3A_145 = tpu.memref_squeeze %dma_wait3A_144 : memref<1x80x128xf32, #tpu.memory_space<vmem>> -> memref<80x128xf32, #tpu.memory_space<vmem>>
      %dma_wait3A_146 = arith.constant 0 : i32
      %dma_wait3A_147 = tpu.memref_slice %arg4[%select_n3A_91, %dma_wait3A_141, %dma_wait3A_146] : memref<2x25x80xi32, #tpu.memory_space<vmem>> -> memref<1x1x80xi32, #tpu.memory_space<vmem>>
      %dma_wait3A_148 = tpu.memref_squeeze %dma_wait3A_147 : memref<1x1x80xi32, #tpu.memory_space<vmem>> -> memref<80xi32, #tpu.memory_space<vmem>>
      %dma_wait3A_149 = arith.constant 0 : i32
      %dma_wait3A_150 = arith.constant 0 : i32
      %dma_wait3A_151 = tpu.memref_slice %arg6[%dma_wait3A_149, %dma_wait3A_150] : memref<10240x128xf32, #tpu.memory_space<vmem_shared>> -> memref<10240x128xf32, #tpu.memory_space<vmem_shared>>
      tpu.wait_indirect_dma semaphore(%arg7 : memref<!tpu.dma_semaphore, #tpu.memory_space<semaphore_mem>>) src(%dma_wait3A_145 : memref<80x128xf32, #tpu.memory_space<vmem>>) dst(%dma_wait3A_151 : memref<10240x128xf32, #tpu.memory_space<vmem_shared>>)
      %dma_wait3A_152 = arith.constant 0 : i32
      %dma_wait3A_153 = arith.constant 23 : i32
      %dma_wait3A_154 = arith.constant 0 : i32
      %dma_wait3A_155 = arith.constant 0 : i32
      %dma_wait3A_156 = tpu.memref_slice %arg5[%dma_wait3A_152, %dma_wait3A_154, %dma_wait3A_155] : memref<1x80x128xf32, #tpu.memory_space<vmem>> -> memref<1x80x128xf32, #tpu.memory_space<vmem>>
      %dma_wait3A_157 = tpu.memref_squeeze %dma_wait3A_156 : memref<1x80x128xf32, #tpu.memory_space<vmem>> -> memref<80x128xf32, #tpu.memory_space<vmem>>
      %dma_wait3A_158 = arith.constant 0 : i32
      %dma_wait3A_159 = tpu.memref_slice %arg4[%select_n3A_91, %dma_wait3A_153, %dma_wait3A_158] : memref<2x25x80xi32, #tpu.memory_space<vmem>> -> memref<1x1x80xi32, #tpu.memory_space<vmem>>
      %dma_wait3A_160 = tpu.memref_squeeze %dma_wait3A_159 : memref<1x1x80xi32, #tpu.memory_space<vmem>> -> memref<80xi32, #tpu.memory_space<vmem>>
      %dma_wait3A_161 = arith.constant 0 : i32
      %dma_wait3A_162 = arith.constant 0 : i32
      %dma_wait3A_163 = tpu.memref_slice %arg6[%dma_wait3A_161, %dma_wait3A_162] : memref<10240x128xf32, #tpu.memory_space<vmem_shared>> -> memref<10240x128xf32, #tpu.memory_space<vmem_shared>>
      tpu.wait_indirect_dma semaphore(%arg7 : memref<!tpu.dma_semaphore, #tpu.memory_space<semaphore_mem>>) src(%dma_wait3A_157 : memref<80x128xf32, #tpu.memory_space<vmem>>) dst(%dma_wait3A_163 : memref<10240x128xf32, #tpu.memory_space<vmem_shared>>)
      %dma_wait3A_164 = arith.constant 0 : i32
      %dma_wait3A_165 = arith.constant 24 : i32
      %dma_wait3A_166 = arith.constant 0 : i32
      %dma_wait3A_167 = arith.constant 0 : i32
      %dma_wait3A_168 = tpu.memref_slice %arg5[%dma_wait3A_164, %dma_wait3A_166, %dma_wait3A_167] : memref<1x80x128xf32, #tpu.memory_space<vmem>> -> memref<1x80x128xf32, #tpu.memory_space<vmem>>
      %dma_wait3A_169 = tpu.memref_squeeze %dma_wait3A_168 : memref<1x80x128xf32, #tpu.memory_space<vmem>> -> memref<80x128xf32, #tpu.memory_space<vmem>>
      %dma_wait3A_170 = arith.constant 0 : i32
      %dma_wait3A_171 = tpu.memref_slice %arg4[%select_n3A_91, %dma_wait3A_165, %dma_wait3A_170] : memref<2x25x80xi32, #tpu.memory_space<vmem>> -> memref<1x1x80xi32, #tpu.memory_space<vmem>>
      %dma_wait3A_172 = tpu.memref_squeeze %dma_wait3A_171 : memref<1x1x80xi32, #tpu.memory_space<vmem>> -> memref<80xi32, #tpu.memory_space<vmem>>
      %dma_wait3A_173 = arith.constant 0 : i32
      %dma_wait3A_174 = arith.constant 0 : i32
      %dma_wait3A_175 = tpu.memref_slice %arg6[%dma_wait3A_173, %dma_wait3A_174] : memref<10240x128xf32, #tpu.memory_space<vmem_shared>> -> memref<10240x128xf32, #tpu.memory_space<vmem_shared>>
      tpu.wait_indirect_dma semaphore(%arg7 : memref<!tpu.dma_semaphore, #tpu.memory_space<semaphore_mem>>) src(%dma_wait3A_169 : memref<80x128xf32, #tpu.memory_space<vmem>>) dst(%dma_wait3A_175 : memref<10240x128xf32, #tpu.memory_space<vmem_shared>>)
      %add3A_176 = arith.constant 1 : i32
      %add3A_177 = arith.addi %scan3A_81, %add3A_176 : i32
      %lt3A_178 = arith.constant 5 : i32
      %lt3A_179 = arith.cmpi slt, %add3A_177, %lt3A_178 : i32
      %convert_element_type3A_180 = arith.extui %lt3A_179 : i1 to i32
      %cond3A_181 = arith.constant 0 : i32
      %cond3A_182 = arith.cmpi ne, %convert_element_type3A_180, %cond3A_181 : i32
      scf.if %cond3A_182 {
        %add3A_184 = arith.constant 1 : i32
        %add3A_185 = arith.addi %scan3A_81, %add3A_184 : i32
        %sub3A = arith.constant 1 : i32
        %sub3A_186 = arith.subi %sub3A, %select_n3A_91 : i32
        %dma_wait3A_187 = arith.constant 0 : i32
        %dma_wait3A_188 = arith.constant 0 : i32
        %dma_wait3A_189 = tpu.memref_slice %arg4[%sub3A_186, %dma_wait3A_187, %dma_wait3A_188] : memref<2x25x80xi32, #tpu.memory_space<vmem>> -> memref<1x25x80xi32, #tpu.memory_space<vmem>>
        %dma_wait3A_190 = tpu.memref_squeeze %dma_wait3A_189 : memref<1x25x80xi32, #tpu.memory_space<vmem>> -> memref<25x80xi32, #tpu.memory_space<vmem>>
        %dma_wait3A_191 = arith.constant 0 : i32
        %dma_wait3A_192 = arith.constant 0 : i32
        %dma_wait3A_193 = tpu.memref_slice %arg2[%add3A, %add3A_185, %dma_wait3A_191, %dma_wait3A_192] : memref<32x5x25x80xi32, #tpu.memory_space<hbm>> -> memref<1x1x25x80xi32, #tpu.memory_space<hbm>>
        %dma_wait3A_194 = tpu.memref_squeeze %dma_wait3A_193 : memref<1x1x25x80xi32, #tpu.memory_space<hbm>> -> memref<25x80xi32, #tpu.memory_space<hbm>>
        %dma_wait3A_195 = arith.constant 0 : i32
        %dma_wait3A_196 = arith.constant 0 : i32
        %dma_wait3A_197 = tpu.memref_slice %arg4[%sub3A_186, %dma_wait3A_195, %dma_wait3A_196] : memref<2x25x80xi32, #tpu.memory_space<vmem>> -> memref<1x25x80xi32, #tpu.memory_space<vmem>>
        %dma_wait3A_198 = tpu.memref_squeeze %dma_wait3A_197 : memref<1x25x80xi32, #tpu.memory_space<vmem>> -> memref<25x80xi32, #tpu.memory_space<vmem>>
        %dma_wait3A_199 = arith.constant 0 : i32
        %dma_wait3A_200 = arith.constant 0 : i32
        %dma_wait3A_201 = tpu.memref_slice %arg2[%add3A, %add3A_185, %dma_wait3A_199, %dma_wait3A_200] : memref<32x5x25x80xi32, #tpu.memory_space<hbm>> -> memref<1x1x25x80xi32, #tpu.memory_space<hbm>>
        %dma_wait3A_202 = tpu.memref_squeeze %dma_wait3A_201 : memref<1x1x25x80xi32, #tpu.memory_space<hbm>> -> memref<25x80xi32, #tpu.memory_space<hbm>>
        tpu.wait_dma2 semaphore(%arg8 : memref<!tpu.dma_semaphore, #tpu.memory_space<semaphore_mem>>) src(%dma_wait3A_202 : memref<25x80xi32, #tpu.memory_space<hbm>>) dst(%dma_wait3A_198 : memref<25x80xi32, #tpu.memory_space<vmem>>)
      } else {
      }
      %scan3A_183 = arith.constant 0 : i32
      scf.yield %scan3A_183 : i32
    }
    %scan3A_79 = arith.constant 5 : i32
    %barrier3A_80 = arith.constant 0 : index
    tpu.barrier barrier_id(%barrier3A_80)
    "tpu.region"() ({
      %run_scoped3A_81 = tpu.sem_alloc : memref<!tpu.dma_semaphore, #tpu.memory_space<semaphore_mem>>
      %dma_start3A_82 = arith.constant 0 : i32
      %dma_start3A_83 = tpu.memref_slice %arg3[%arg0, %mul3A_25, %dma_start3A_82] : memref<2x10240x128xf32, #tpu.memory_space<hbm>> -> memref<1x640x128xf32, #tpu.memory_space<hbm>>
      %dma_start3A_84 = tpu.memref_squeeze %dma_start3A_83 : memref<1x640x128xf32, #tpu.memory_space<hbm>> -> memref<640x128xf32, #tpu.memory_space<hbm>>
      %dma_start3A_85 = arith.constant 0 : i32
      %dma_start3A_86 = tpu.memref_slice %arg6[%mul3A_25, %dma_start3A_85] : memref<10240x128xf32, #tpu.memory_space<vmem_shared>> -> memref<640x128xf32, #tpu.memory_space<vmem_shared>>
      tpu.enqueue_dma source(%dma_start3A_86 : memref<640x128xf32, #tpu.memory_space<vmem_shared>>) target(%dma_start3A_84 : memref<640x128xf32, #tpu.memory_space<hbm>>) target_semaphore(%run_scoped3A_81 : memref<!tpu.dma_semaphore, #tpu.memory_space<semaphore_mem>>)
      %dma_wait3A_87 = arith.constant 0 : i32
      %dma_wait3A_88 = tpu.memref_slice %arg3[%arg0, %mul3A_25, %dma_wait3A_87] : memref<2x10240x128xf32, #tpu.memory_space<hbm>> -> memref<1x640x128xf32, #tpu.memory_space<hbm>>
      %dma_wait3A_89 = tpu.memref_squeeze %dma_wait3A_88 : memref<1x640x128xf32, #tpu.memory_space<hbm>> -> memref<640x128xf32, #tpu.memory_space<hbm>>
      %dma_wait3A_90 = arith.constant 0 : i32
      %dma_wait3A_91 = tpu.memref_slice %arg6[%mul3A_25, %dma_wait3A_90] : memref<10240x128xf32, #tpu.memory_space<vmem_shared>> -> memref<640x128xf32, #tpu.memory_space<vmem_shared>>
      tpu.wait_dma2 semaphore(%run_scoped3A_81 : memref<!tpu.dma_semaphore, #tpu.memory_space<semaphore_mem>>) src(%dma_wait3A_91 : memref<640x128xf32, #tpu.memory_space<vmem_shared>>) dst(%dma_wait3A_89 : memref<640x128xf32, #tpu.memory_space<hbm>>)
      tpu.yield
    }) : () -> ()
    return
  }
}

module attributes {stable_mosaic.version = 14 : i64} {
  func.func @body(%arg0: i32, %arg1: memref<1024x128xf32, #tpu.memory_space<vmem>>, %arg2: memref<2x1024x128xf32, #tpu.memory_space<vmem>>, %arg3: memref<2x1024x128xf32, #tpu.memory_space<vmem>>, %arg4: memref<128x128xf32, #tpu.memory_space<vmem>>, %arg5: memref<128x128xf32, #tpu.memory_space<vmem>>, %arg6: memref<1x128xf32, #tpu.memory_space<vmem>>, %arg7: memref<128x16xf32, #tpu.memory_space<vmem>>, %arg8: memref<1x16xf32, #tpu.memory_space<vmem>>, %arg9: memref<1024x128xf32, #tpu.memory_space<vmem>>, %arg10: memref<1024x16xf32, #tpu.memory_space<vmem>>) attributes {dimension_semantics = [#tpu.dimension_semantics<arbitrary>], iteration_bounds = array<i64: 10>, scalar_prefetch = 0 : i64, scratch_operands = 0 : i64, tpu.core_type = #tpu.core_type<tc>, window_params = [{transform_indices = @transform_0, window_bounds = array<i64: 1024, 128>}, {transform_indices = @transform_1, window_bounds = array<i64: 2, 1024, 128>}, {transform_indices = @transform_2, window_bounds = array<i64: 2, 1024, 128>}, {pipeline_mode = #tpu.pipeline_mode<synchronous>, transform_indices = @transform_3, window_bounds = array<i64: 128, 128>}, {pipeline_mode = #tpu.pipeline_mode<synchronous>, transform_indices = @transform_4, window_bounds = array<i64: 128, 128>}, {pipeline_mode = #tpu.pipeline_mode<synchronous>, transform_indices = @transform_5, window_bounds = array<i64: 1, 128>}, {pipeline_mode = #tpu.pipeline_mode<synchronous>, transform_indices = @transform_6, window_bounds = array<i64: 128, 16>}, {pipeline_mode = #tpu.pipeline_mode<synchronous>, transform_indices = @transform_7, window_bounds = array<i64: 1, 16>}, {transform_indices = @transform_8, window_bounds = array<i64: 1024, 128>}, {transform_indices = @transform_9, window_bounds = array<i64: 1024, 16>}]} {
    %get3A = arith.constant 0 : index
    %get3A_0 = arith.constant 0 : index
    %get3A_1 = arith.constant 0 : index
    %get3A_2 = vector.load %arg3[%get3A, %get3A_0, %get3A_1] : memref<2x1024x128xf32, #tpu.memory_space<vmem>>, vector<2x1024x128xf32>
    %slice3A = vector.extract_strided_slice %get3A_2 {offsets = [0, 0, 0], sizes = [1, 1024, 1], strides = [1, 1, 1]} : vector<2x1024x128xf32> to vector<1x1024x1xf32>
    %squeeze3A = vector.shape_cast %slice3A : vector<1x1024x1xf32> to vector<1024x1xf32>
    %slice3A_3 = vector.extract_strided_slice %get3A_2 {offsets = [1, 0, 0], sizes = [1, 1024, 1], strides = [1, 1, 1]} : vector<2x1024x128xf32> to vector<1x1024x1xf32>
    %squeeze3A_4 = vector.shape_cast %slice3A_3 : vector<1x1024x1xf32> to vector<1024x1xf32>
    %add3A = arith.addf %squeeze3A, %squeeze3A_4 : vector<1024x1xf32>
    %max3A = arith.constant 1.000000e+00 : f32
    %max3A_5 = vector.broadcast %max3A : f32 to vector<1024x1xf32>
    %max3A_6 = arith.maximumf %add3A, %max3A_5 : vector<1024x1xf32>
    %get3A_7 = arith.constant 0 : index
    %get3A_8 = arith.constant 0 : index
    %get3A_9 = arith.constant 0 : index
    %get3A_10 = vector.load %arg2[%get3A_7, %get3A_8, %get3A_9] : memref<2x1024x128xf32, #tpu.memory_space<vmem>>, vector<2x1024x128xf32>
    %slice3A_11 = vector.extract_strided_slice %get3A_10 {offsets = [0, 0, 0], sizes = [1, 1024, 128], strides = [1, 1, 1]} : vector<2x1024x128xf32> to vector<1x1024x128xf32>
    %squeeze3A_12 = vector.shape_cast %slice3A_11 : vector<1x1024x128xf32> to vector<1024x128xf32>
    %slice3A_13 = vector.extract_strided_slice %get3A_10 {offsets = [1, 0, 0], sizes = [1, 1024, 128], strides = [1, 1, 1]} : vector<2x1024x128xf32> to vector<1x1024x128xf32>
    %squeeze3A_14 = vector.shape_cast %slice3A_13 : vector<1x1024x128xf32> to vector<1024x128xf32>
    %add3A_15 = arith.addf %squeeze3A_12, %squeeze3A_14 : vector<1024x128xf32>
    %get3A_16 = arith.constant 0 : index
    %get3A_17 = arith.constant 0 : index
    %get3A_18 = vector.load %arg5[%get3A_16, %get3A_17] : memref<128x128xf32, #tpu.memory_space<vmem>>, vector<128x128xf32>
    %dot_general3A = arith.constant dense<0.000000e+00> : vector<1024x128xf32>
    %dot_general3A_19 = tpu.matmul %add3A_15, %get3A_18, %dot_general3A {dimension_numbers = #tpu.dot_dimension_numbers<[1], [0], [0], [1], [0, 0, 1, 1], [], []>, transpose_lhs_hint = false} : vector<1024x128xf32>, vector<128x128xf32>, vector<1024x128xf32> -> vector<1024x128xf32>
    %div3A = vector.broadcast %max3A_6 : vector<1024x1xf32> to vector<1024x128xf32>
    %div3A_20 = arith.divf %dot_general3A_19, %div3A : vector<1024x128xf32>
    %get3A_21 = arith.constant 0 : index
    %get3A_22 = arith.constant 0 : index
    %get3A_23 = vector.load %arg1[%get3A_21, %get3A_22] : memref<1024x128xf32, #tpu.memory_space<vmem>>, vector<1024x128xf32>
    %get3A_24 = arith.constant 0 : index
    %get3A_25 = arith.constant 0 : index
    %get3A_26 = vector.load %arg4[%get3A_24, %get3A_25] : memref<128x128xf32, #tpu.memory_space<vmem>>, vector<128x128xf32>
    %dot_general3A_27 = arith.constant dense<0.000000e+00> : vector<1024x128xf32>
    %dot_general3A_28 = tpu.matmul %get3A_23, %get3A_26, %dot_general3A_27 {dimension_numbers = #tpu.dot_dimension_numbers<[1], [0], [0], [1], [0, 0, 1, 1], [], []>, transpose_lhs_hint = false} : vector<1024x128xf32>, vector<128x128xf32>, vector<1024x128xf32> -> vector<1024x128xf32>
    %add3A_29 = arith.addf %dot_general3A_28, %div3A_20 : vector<1024x128xf32>
    %get3A_30 = arith.constant 0 : index
    %get3A_31 = arith.constant 0 : index
    %get3A_32 = vector.load %arg6[%get3A_30, %get3A_31] : memref<1x128xf32, #tpu.memory_space<vmem>>, vector<1x128xf32>
    %add3A_33 = vector.broadcast %get3A_32 : vector<1x128xf32> to vector<1024x128xf32>
    %add3A_34 = arith.addf %add3A_29, %add3A_33 : vector<1024x128xf32>
    %max3A_35 = arith.constant 0.000000e+00 : f32
    %max3A_36 = vector.broadcast %max3A_35 : f32 to vector<1024x128xf32>
    %max3A_37 = arith.maximumf %add3A_34, %max3A_36 : vector<1024x128xf32>
    %swap3A = arith.constant 0 : index
    %swap3A_38 = arith.constant 0 : index
    %swap3A_39 = vector.load %arg9[%swap3A, %swap3A_38] : memref<1024x128xf32, #tpu.memory_space<vmem>>, vector<1024x128xf32>
    tpu.vector_store %arg9[%swap3A, %swap3A_38], %max3A_37 {strides = array<i32>} : memref<1024x128xf32, #tpu.memory_space<vmem>>, vector<1024x128xf32>,
    %get3A_40 = arith.constant 0 : index
    %get3A_41 = arith.constant 0 : index
    %get3A_42 = vector.load %arg7[%get3A_40, %get3A_41] : memref<128x16xf32, #tpu.memory_space<vmem>>, vector<128x16xf32>
    %dot_general3A_43 = arith.constant dense<0.000000e+00> : vector<1024x16xf32>
    %dot_general3A_44 = tpu.matmul %max3A_37, %get3A_42, %dot_general3A_43 {dimension_numbers = #tpu.dot_dimension_numbers<[1], [0], [0], [1], [0, 0, 1, 1], [], []>, transpose_lhs_hint = false} : vector<1024x128xf32>, vector<128x16xf32>, vector<1024x16xf32> -> vector<1024x16xf32>
    %get3A_45 = arith.constant 0 : index
    %get3A_46 = arith.constant 0 : index
    %get3A_47 = vector.load %arg8[%get3A_45, %get3A_46] : memref<1x16xf32, #tpu.memory_space<vmem>>, vector<1x16xf32>
    %add3A_48 = vector.broadcast %get3A_47 : vector<1x16xf32> to vector<1024x16xf32>
    %add3A_49 = arith.addf %dot_general3A_44, %add3A_48 : vector<1024x16xf32>
    %swap3A_50 = arith.constant 0 : index
    %swap3A_51 = arith.constant 0 : index
    %swap3A_52 = vector.load %arg10[%swap3A_50, %swap3A_51] : memref<1024x16xf32, #tpu.memory_space<vmem>>, vector<1024x16xf32>
    tpu.vector_store %arg10[%swap3A_50, %swap3A_51], %add3A_49 {strides = array<i32>} : memref<1024x16xf32, #tpu.memory_space<vmem>>, vector<1024x16xf32>,
    return
  }
  func.func @transform_0(%arg0: i32) -> (i32, i32) {
    %c0_i32 = arith.constant 0 : i32
    %c0_i32_0 = arith.constant 0 : i32
    return %arg0, %c0_i32 : i32, i32
  }
  func.func @transform_1(%arg0: i32) -> (i32, i32, i32) {
    %c0_i32 = arith.constant 0 : i32
    %c0_i32_0 = arith.constant 0 : i32
    %c0_i32_1 = arith.constant 0 : i32
    return %c0_i32, %arg0, %c0_i32_0 : i32, i32, i32
  }
  func.func @transform_2(%arg0: i32) -> (i32, i32, i32) {
    %c0_i32 = arith.constant 0 : i32
    %c0_i32_0 = arith.constant 0 : i32
    %c0_i32_1 = arith.constant 0 : i32
    return %c0_i32, %arg0, %c0_i32_0 : i32, i32, i32
  }
  func.func @transform_3(%arg0: i32) -> (i32, i32) {
    %c0_i32 = arith.constant 0 : i32
    %c0_i32_0 = arith.constant 0 : i32
    %c0_i32_1 = arith.constant 0 : i32
    return %c0_i32, %c0_i32_0 : i32, i32
  }
  func.func @transform_4(%arg0: i32) -> (i32, i32) {
    %c0_i32 = arith.constant 0 : i32
    %c0_i32_0 = arith.constant 0 : i32
    %c0_i32_1 = arith.constant 0 : i32
    return %c0_i32, %c0_i32_0 : i32, i32
  }
  func.func @transform_5(%arg0: i32) -> (i32, i32) {
    %c0_i32 = arith.constant 0 : i32
    %c0_i32_0 = arith.constant 0 : i32
    %c0_i32_1 = arith.constant 0 : i32
    return %c0_i32, %c0_i32_0 : i32, i32
  }
  func.func @transform_6(%arg0: i32) -> (i32, i32) {
    %c0_i32 = arith.constant 0 : i32
    %c0_i32_0 = arith.constant 0 : i32
    %c0_i32_1 = arith.constant 0 : i32
    return %c0_i32, %c0_i32_0 : i32, i32
  }
  func.func @transform_7(%arg0: i32) -> (i32, i32) {
    %c0_i32 = arith.constant 0 : i32
    %c0_i32_0 = arith.constant 0 : i32
    %c0_i32_1 = arith.constant 0 : i32
    return %c0_i32, %c0_i32_0 : i32, i32
  }
  func.func @transform_8(%arg0: i32) -> (i32, i32) {
    %c0_i32 = arith.constant 0 : i32
    %c0_i32_0 = arith.constant 0 : i32
    return %arg0, %c0_i32 : i32, i32
  }
  func.func @transform_9(%arg0: i32) -> (i32, i32) {
    %c0_i32 = arith.constant 0 : i32
    %c0_i32_0 = arith.constant 0 : i32
    return %arg0, %c0_i32 : i32, i32
  }
}

module attributes {stable_mosaic.version = 14 : i64} {
  func.func @body(%arg0: i32, %arg1: memref<1024x16xf32, #tpu.memory_space<vmem>>, %arg2: memref<2x1024x128xf32, #tpu.memory_space<vmem>>, %arg3: memref<2x1024x128xf32, #tpu.memory_space<vmem>>, %arg4: memref<128x16xf32, #tpu.memory_space<vmem>>, %arg5: memref<1024x16xf32, #tpu.memory_space<vmem>>) attributes {dimension_semantics = [#tpu.dimension_semantics<arbitrary>], iteration_bounds = array<i64: 10>, scalar_prefetch = 0 : i64, scratch_operands = 0 : i64, tpu.core_type = #tpu.core_type<tc>, window_params = [{transform_indices = @transform_0, window_bounds = array<i64: 1024, 16>}, {transform_indices = @transform_1, window_bounds = array<i64: 2, 1024, 128>}, {transform_indices = @transform_2, window_bounds = array<i64: 2, 1024, 128>}, {pipeline_mode = #tpu.pipeline_mode<synchronous>, transform_indices = @transform_3, window_bounds = array<i64: 128, 16>}, {transform_indices = @transform_4, window_bounds = array<i64: 1024, 16>}]} {
    %get3A = arith.constant 0 : index
    %get3A_0 = arith.constant 0 : index
    %get3A_1 = arith.constant 0 : index
    %get3A_2 = vector.load %arg3[%get3A, %get3A_0, %get3A_1] : memref<2x1024x128xf32, #tpu.memory_space<vmem>>, vector<2x1024x128xf32>
    %slice3A = vector.extract_strided_slice %get3A_2 {offsets = [0, 0, 0], sizes = [1, 1024, 1], strides = [1, 1, 1]} : vector<2x1024x128xf32> to vector<1x1024x1xf32>
    %squeeze3A = vector.shape_cast %slice3A : vector<1x1024x1xf32> to vector<1024x1xf32>
    %slice3A_3 = vector.extract_strided_slice %get3A_2 {offsets = [1, 0, 0], sizes = [1, 1024, 1], strides = [1, 1, 1]} : vector<2x1024x128xf32> to vector<1x1024x1xf32>
    %squeeze3A_4 = vector.shape_cast %slice3A_3 : vector<1x1024x1xf32> to vector<1024x1xf32>
    %add3A = arith.addf %squeeze3A, %squeeze3A_4 : vector<1024x1xf32>
    %max3A = arith.constant 1.000000e+00 : f32
    %max3A_5 = vector.broadcast %max3A : f32 to vector<1024x1xf32>
    %max3A_6 = arith.maximumf %add3A, %max3A_5 : vector<1024x1xf32>
    %get3A_7 = arith.constant 0 : index
    %get3A_8 = arith.constant 0 : index
    %get3A_9 = arith.constant 0 : index
    %get3A_10 = vector.load %arg2[%get3A_7, %get3A_8, %get3A_9] : memref<2x1024x128xf32, #tpu.memory_space<vmem>>, vector<2x1024x128xf32>
    %get3A_11 = arith.constant 0 : index
    %get3A_12 = arith.constant 0 : index
    %get3A_13 = vector.load %arg1[%get3A_11, %get3A_12] : memref<1024x16xf32, #tpu.memory_space<vmem>>, vector<1024x16xf32>
    %slice3A_14 = vector.extract_strided_slice %get3A_10 {offsets = [0, 0, 0], sizes = [1, 1024, 128], strides = [1, 1, 1]} : vector<2x1024x128xf32> to vector<1x1024x128xf32>
    %squeeze3A_15 = vector.shape_cast %slice3A_14 : vector<1x1024x128xf32> to vector<1024x128xf32>
    %slice3A_16 = vector.extract_strided_slice %get3A_10 {offsets = [1, 0, 0], sizes = [1, 1024, 128], strides = [1, 1, 1]} : vector<2x1024x128xf32> to vector<1x1024x128xf32>
    %squeeze3A_17 = vector.shape_cast %slice3A_16 : vector<1x1024x128xf32> to vector<1024x128xf32>
    %add3A_18 = arith.addf %squeeze3A_15, %squeeze3A_17 : vector<1024x128xf32>
    %get3A_19 = arith.constant 0 : index
    %get3A_20 = arith.constant 0 : index
    %get3A_21 = vector.load %arg4[%get3A_19, %get3A_20] : memref<128x16xf32, #tpu.memory_space<vmem>>, vector<128x16xf32>
    %dot_general3A = arith.constant dense<0.000000e+00> : vector<1024x16xf32>
    %dot_general3A_22 = tpu.matmul %add3A_18, %get3A_21, %dot_general3A {dimension_numbers = #tpu.dot_dimension_numbers<[1], [0], [0], [1], [0, 0, 1, 1], [], []>, transpose_lhs_hint = false} : vector<1024x128xf32>, vector<128x16xf32>, vector<1024x16xf32> -> vector<1024x16xf32>
    %div3A = vector.broadcast %max3A_6 : vector<1024x1xf32> to vector<1024x16xf32>
    %div3A_23 = arith.divf %dot_general3A_22, %div3A : vector<1024x16xf32>
    %add3A_24 = arith.addf %get3A_13, %div3A_23 : vector<1024x16xf32>
    %swap3A = arith.constant 0 : index
    %swap3A_25 = arith.constant 0 : index
    %swap3A_26 = vector.load %arg5[%swap3A, %swap3A_25] : memref<1024x16xf32, #tpu.memory_space<vmem>>, vector<1024x16xf32>
    tpu.vector_store %arg5[%swap3A, %swap3A_25], %add3A_24 {strides = array<i32>} : memref<1024x16xf32, #tpu.memory_space<vmem>>, vector<1024x16xf32>,
    return
  }
  func.func @transform_0(%arg0: i32) -> (i32, i32) {
    %c0_i32 = arith.constant 0 : i32
    %c0_i32_0 = arith.constant 0 : i32
    return %arg0, %c0_i32 : i32, i32
  }
  func.func @transform_1(%arg0: i32) -> (i32, i32, i32) {
    %c0_i32 = arith.constant 0 : i32
    %c0_i32_0 = arith.constant 0 : i32
    %c0_i32_1 = arith.constant 0 : i32
    return %c0_i32, %arg0, %c0_i32_0 : i32, i32, i32
  }
  func.func @transform_2(%arg0: i32) -> (i32, i32, i32) {
    %c0_i32 = arith.constant 0 : i32
    %c0_i32_0 = arith.constant 0 : i32
    %c0_i32_1 = arith.constant 0 : i32
    return %c0_i32, %arg0, %c0_i32_0 : i32, i32, i32
  }
  func.func @transform_3(%arg0: i32) -> (i32, i32) {
    %c0_i32 = arith.constant 0 : i32
    %c0_i32_0 = arith.constant 0 : i32
    %c0_i32_1 = arith.constant 0 : i32
    return %c0_i32, %c0_i32_0 : i32, i32
  }
  func.func @transform_4(%arg0: i32) -> (i32, i32) {
    %c0_i32 = arith.constant 0 : i32
    %c0_i32_0 = arith.constant 0 : i32
    return %arg0, %c0_i32 : i32, i32
  }
}

</mosaic_0001>

<sc_bundles>
// kernel: kernel.10.cloned.1.call-start
scs
__scs_entry_jumppad:
0x0: {  	(pc) =	sbr.rel $0x88, $3  }
0x1: {  	(tag) =	ssettag $0x0;
	lr =	simm.s32 $0x1  }
0x2: {  	[smem:$0x3F99] =	sst lr;
	_ =	strace $0xD0000000  }
0x3: {  	_ = 	snop  }
0x4: {  	_ = 	snop  }
0x5: {  	_ = 	snop  }
0x6: {  	_ = 	snop  }
0x7: {  	_ = 	snop  }
__scs_overlays_trampoline_lowered:
0x8: {  	[smem:$0x3FA8] =	sst s0  }
0x9: {  	[smem:$0x3FA9] =	sst s1  }
0xa: {  	[smem:$0x3FAA] =	sst s2  }
0xb: {  	[smem:$0x3FAB] =	sst s3  }
0xc: {  	[smem:$0x3FAC] =	sst s4  }
0xd: {  	[smem:$0x3FAD] =	sst s5  }
0xe: {  	[smem:$0x3FAE] =	sst s6  }
0xf: {  	[smem:$0x3FAF] =	sst s7  }
0x10: {  	[smem:$0x3FB0] =	sst s8  }
0x11: {  	[smem:$0x3FB1] =	sst s9;
	s0 =	simm.s32 @!p0 $0x0  }
0x12: {  	s1 =	sld [smem:$0x3F97];
	s0 =	simm.s32 @p0 $0x1  }
0x13: {  	[smem:$0x3FB2] =	sst s0;
	s0 =	simm.s32 @!p1 $0x0  }
0x14: {  	s2 =	sld [smem:$0x3F96];
	s0 =	simm.s32 @p1 $0x1  }
0x15: {  	[smem:$0x3FB3] =	sst s0;
	s0 =	simm.s32 @!p2 $0x0  }
0x16: {  	s3 =	sld [smem:$0x3FDB];
	s0 =	simm.s32 @p2 $0x1  }
0x17: {  	s4 =	simm.s32 $0x1BF5;
	[smem:$0x3FB5] =	sst s0  }
0x18: {  	s0 =	sld [smem:$0x3F98];
	_ =	swait.ge [sflag:s4], $0x0  }
0x19: {  	s7 =	sld [smem:$0x3F99]  }
0x1a: {  	s8 =	sadd.s32 $0xFFFFE003, lr  }
0x1b: {  	s9 =	sadd.s32 $0xFFFFFEF7, lr;
	s5 =	simm.s32 $0xFFFFFFFF;
	p2 =	slt.u32 s8, $0xFFFFF086  }
0x1c: {  	p1 =	slt.u32 s9, $0xF7A;
	s5 =	simm.s32 @!p2 $0x0  }
0x1d: {  	s5 =	simm.s32 @p1 $0x1;
	p0 =	seq.s32 s7, s2  }
0x1e: {  	s7 =	smul.u32 @!p0 $0xF7A, s2;
	p2 =	seq.s32 @!p0 s5, $0x0  }
0x1f: {  	s9 =	smul.u32 $0xF7A, s1;
	s8 =	simm.s32 @!p0 $0x1BF5;
	p2 =	por !p2, p0  }
0x20: {  	[sflag:s8] =	ssyncset.s32 @!p0 $0xFFFFF086;
	s6 =	sadd.s32 @!p0 s3, s7;
	s7 =	simm.s32 @!p0 $0x108  }
0x21: {  	s3 =	sadd.s32 s3, s9;
	s6 =	sadd.s32 @!p0 $0x88, s6;
	s7 =	simm.s32 @p2 $0x1082  }
0x22: {  	[simem:s7], [sflag:s8] =	dma.local @!p0 [hbm:s6], $0xF7A  }
0x23: {  	s9 =	sor.u32 $0xD0000000, s2;
	s6 =	simm.s32 $0x108;
	_ =	swait.ge @!p0 [sflag:s8], $0x0  }
0x24: {  	s3 =	sadd.s32 $0x88, s3;
	s6 =	simm.s32 @!p1 $0x1082;
	[sflag:s4] =	ssyncset.s32 $0xFFFFF086  }
0x25: {  	[simem:s6], [sflag:s4] =	dma.local [hbm:s3], $0xF7A  }
0x26: {  	[smem:$0x3F99] =	sst s1;
	(tag) =	ssettag s2;
	_ =	strace s9  }
0x27: {  	s1 =	sld [smem:$0x3FA9]  }
0x28: {  	s2 =	sld [smem:$0x3FAA]  }
0x29: {  	s4 =	sld [smem:$0x3FAC]  }
0x2a: {  	p0 =	seq.s32 s5, $0x0;
	s5 =	sld [smem:$0x3FAD]  }
0x2b: {  	s6 =	sld [smem:$0x3FAE]  }
0x2c: {  	s7 =	sld [smem:$0x3FAF]  }
0x2d: {  	s3 =	simm.s32 $0x108;
	s8 =	sld [smem:$0x3FB0]  }
0x2e: {  	s3 =	simm.s32 @!p0 $0x1082;
	s9 =	sld [smem:$0x3FB1]  }
0x2f: {  	lr =	sadd.s32 s0, s3;
	s0 =	sld [smem:$0x3FA8]  }
0x30: {  	s3 =	sld [smem:$0x3FAB]  }
0x31: {  	[smem:$0x3FB4] =	sst s10  }
0x32: {  	s10 =	sld [smem:$0x3FB2];
	_ =	sdelay $0x3  }
0x33: {  	p0 =	seq.s32 s10, $0x1;
	s10 =	sld [smem:$0x3FB4];
	_ =	sdelay $0x3  }
0x34: {  	[smem:$0x3FB4] =	sst s10  }
0x35: {  	s10 =	sld [smem:$0x3FB3];
	_ =	sdelay $0x3  }
0x36: {  	p1 =	seq.s32 s10, $0x1;
	s10 =	sld [smem:$0x3FB4];
	_ =	sdelay $0x3  }
0x37: {  	[smem:$0x3FB4] =	sst s10  }
0x38: {  	s10 =	sld [smem:$0x3FB5]  }
0x39: {  	_ = 	snop;
	(pc) =	sbr.ind lr, $3  }
0x3a: {  	_ = 	snop  }
0x3b: {  	_ = 	snop  }
0x3c: {  	p2 =	seq.s32 s10, $0x1;
	s10 =	sld [smem:$0x3FB4]  }
0x3d: {  	_ =	shalt  }
0x3e: {  	_ =	shalt  }
0x3f: {  	_ =	shalt  }
0x40: {  	_ =	shalt  }
0x41: {  	_ =	shalt  }
0x42: {  	_ =	shalt  }
0x43: {  	_ =	shalt  }
0x44: {  	_ =	shalt  }
0x45: {  	_ =	shalt  }
0x46: {  	_ =	shalt  }
0x47: {  	_ =	shalt  }
0x48: {  	_ =	shalt  }
0x49: {  	_ =	shalt  }
0x4a: {  	_ =	shalt  }
0x4b: {  	_ =	shalt  }
0x4c: {  	_ =	shalt  }
0x4d: {  	_ =	shalt  }
0x4e: {  	_ =	shalt  }
0x4f: {  	_ =	shalt  }
0x50: {  	_ =	shalt  }
0x51: {  	_ =	shalt  }
0x52: {  	_ =	shalt  }
0x53: {  	_ =	shalt  }
0x54: {  	_ =	shalt  }
0x55: {  	_ =	shalt  }
0x56: {  	_ =	shalt  }
0x57: {  	_ =	shalt  }
0x58: {  	_ =	shalt  }
0x59: {  	_ =	shalt  }
0x5a: {  	_ =	shalt  }
0x5b: {  	_ =	shalt  }
0x5c: {  	_ =	shalt  }
0x5d: {  	_ =	shalt  }
0x5e: {  	_ =	shalt  }
0x5f: {  	_ =	shalt  }
0x60: {  	_ =	shalt  }
0x61: {  	_ =	shalt  }
0x62: {  	_ =	shalt  }
0x63: {  	_ =	shalt  }
0x64: {  	_ =	shalt  }
0x65: {  	_ =	shalt  }
0x66: {  	_ =	shalt  }
0x67: {  	_ =	shalt  }
0x68: {  	_ =	shalt  }
0x69: {  	_ =	shalt  }
0x6a: {  	_ =	shalt  }
0x6b: {  	_ =	shalt  }
0x6c: {  	_ =	shalt  }
0x6d: {  	_ =	shalt  }
0x6e: {  	_ =	shalt  }
0x6f: {  	_ =	shalt  }
0x70: {  	_ =	shalt  }
0x71: {  	_ =	shalt  }
0x72: {  	_ =	shalt  }
0x73: {  	_ =	shalt  }
0x74: {  	_ =	shalt  }
0x75: {  	_ =	shalt  }
0x76: {  	_ =	shalt  }
0x77: {  	_ =	shalt  }
0x78: {  	_ =	shalt  }
0x79: {  	_ =	shalt  }
0x7a: {  	_ =	shalt  }
0x7b: {  	_ =	shalt  }
0x7c: {  	_ =	shalt  }
0x7d: {  	_ =	shalt  }
0x7e: {  	_ =	shalt  }
0x7f: {  	_ =	shalt  }
0x80: {  	_ =	shalt  }
0x81: {  	_ =	shalt  }
0x82: {  	_ =	shalt  }
0x83: {  	_ =	shalt  }
0x84: {  	_ =	shalt  }
0x85: {  	_ =	shalt  }
0x86: {  	_ =	shalt  }
0x87: {  	_ =	shalt  }
.Lfunc_end0:
.L_simem_size_0:
called_computation.1_lowered:
.L_overlay_start_0:
0x88: {  	s2 =	sld [smem:$0x3FD9]  }
0x89: {  	s3 =	sld [smem:$0x3FFE];
	_ =	sdelay $0x1  }
0x8a: {  	s1 =	srdreg.scid  }
0x8b: {  	s0 =	sand.u32 $0x1, s1  }
0x8c: {  	s17 =	sshll.u32 s0, $0xA;
	s2 =	sadd.s32 s3, s2  }
0x8d: {  	s2 =	sadd.s32 s2, s17  }
0x8e: {  	[smem:$0x3FC0] =	sst s2  }
0x8f: {  	_ = 	snop  }
0x90: {  	(tm) =	ssettm $0x1  }
0x91: {  	s18 =	sld [smem:$0x3FFB];
	_ =	sdelay $0x3  }
0x92: {  	_ =	strace s18  }
0x93: {  	s2 =	sld [smem:$0x3FFC];
	_ =	sdelay $0x3  }
0x94: {  	_ =	strace s2  }
0x95: {  	s2 =	sld [smem:$0x3FFD];
	_ =	sdelay $0x3  }
0x96: {  	_ =	strace s2  }
0x97: {  	_ =	strace $0x8FFFFFFF  }
0x98: {  	s19 =	sld [smem:$0x3FDB];
	_ =	sdelay $0x1  }
0x99: {  	s20 =	simm.s32 $_scs_section_size  }
0x9a: {  	s4 =	simm.s32 $_size__tile_overlayer_lowered;
	s5 =	simm.s32 $_tile_overlayer_lowered  }
0x9b: {  	s6 =	simm.s32 $0x1BFF;
	s21 =	sshll.u32 s5, $0x1;
	s3 =	sadd.s32 s20, s19  }
0x9c: {  	s22 =	simm.s32 $0x0;
	s4 =	sshll.u32 s4, $0x1;
	s5 =	sadd.s32 s21, s3  }
0x9d: {  	[timem:s22], [sflag:s6] =	dma.local [hbm:s5], s4  }
0x9e: {  	_ =	swait.ge [sflag:s6], s4  }
0x9f: {  	s4 =	ssub.s32 $0x0, s4;
	[sflag:s6] =	ssyncset.done $0x0  }
0xa0: {  	[sflag:s6] =	ssyncadd.s32 s4;
	_ =	sdelay $0x1  }
0xa1: {  	s23 =	simm.s32 $0x1B8B  }
0xa2: {  	_ =	swait.ge [sflag:s23], $0x1  }
0xa3: {  	[sflag:s23] =	ssyncset.done $0x0  }
0xa4: {  	[sflag:s23] =	ssyncadd.s32 $0xFFFFFFFF  }
0xa5: {  	s4 =	sld [smem:$0x0]  }
0xa6: {  	s5 =	sand.u32 $0xFFFFFFFE, s1  }
0xa7: {  	p0 =	sne.s32 s1, s5  }
0xa8: {  	s5 =	sshll.u32 @p0 s5, $0xE  }
0xa9: {  	s5 =	sadd.s32 @p0 $0x11B8D, s5;
	s6 =	sshll.u32 @p0 s4, $0x11  }
0xaa: {  	s5 =	sor.u32 @p0 s6, s5  }
0xab: {  	[sflag:s5] =	ssyncadd.remote.s32 @p0 $0x1;
	_ =	sdelay $0x1  }
0xac: {  	s5 =	simm.s32 @p0 $0x1B8D  }
0xad: {  	_ =	swait.eq @p0 [sflag:s5], $0x1  }
0xae: {  	[sflag:s5] =	ssyncadd.s32 @p0 $0xFFFFFFFF  }
0xaf: {  	s6 =	sshll.u32 @!p0 s1, $0xE  }
0xb0: {  	s6 =	sor.u32 @!p0 $0x4000, s6;
	s5 =	simm.s32 @!p0 $0x1B8D  }
0xb1: {  	s4 =	sshll.u32 @!p0 s4, $0x11;
	s6 =	sadd.s32 @!p0 $0x11B8D, s6;
	_ =	swait.eq @!p0 [sflag:s5], $0x1  }
0xb2: {  	s4 =	sor.u32 @!p0 s4, s6;
	[sflag:s5] =	ssyncadd.s32 @!p0 $0xFFFFFFFF  }
0xb3: {  	s25 =	simm.s32 $0x1B8E;
	s24 =	sld [smem:$0x3FFE];
	[sflag:s4] =	ssyncadd.remote.s32 @!p0 $0x1  }
0xb4: {  	s26 =	simm.s32 $execute0_lowered;
	[smem:$0x3FD2] =	sst s25  }
0xb5: {  	s5 =	sshll.u32 s26, $0x1;
	_ =	strace $0x80000049;
	[dreg:$0x1] =	wrdreg $0xFFFFFFFF  }
0xb6: {  	s28 =	simm.s32 $_size_execute0_lowered;
	s3 =	sadd.s32 s3, s5;
	[dreg:$0x0] =	wrdreg $0x0  }
0xb7: {  	s5 =	sshll.u32 s28, $0x1;
	[dreg:$0x2] =	wrdreg s3  }
0xb8: {  	[dreg:$0x3] =	wrdreg s5  }
0xb9: {  	[dreg:$0x4] =	wrdreg $0xC0  }
0xba: {  	_ =	task [dreg:s22], $0x5FFFF  }
0xbb: {  	[dreg:$0x1] =	wrdreg $0xFFFFFFFF  }
0xbc: {  	[dreg:$0x0] =	wrdreg $0x60  }
0xbd: {  	[dreg:$0x2] =	wrdreg s24  }
0xbe: {  	[dreg:$0x3] =	wrdreg $0x48000  }
0xbf: {  	[dreg:$0x4] =	wrdreg $0xA  }
0xc0: {  	_ =	task.clear_ibuf [dreg:s22], $0x5FFFF;
	_ =	strace $0x90000049  }
0xc1: {  	s29 =	simm.s32 $0xA;
	_ =	strace $0x8000004B  }
0xc2: {  	_ =	swait.ge [sflag:s29], $0x1  }
0xc3: {  	[sflag:s29] =	ssyncadd.s32 $0xFFFFFFFF  }
0xc4: {  	_ =	strace $0x9000004B  }
0xc5: {  	_ =	sfence  }
0xc6: {  	s30 =	sld [smem:$0x0];
	_ =	sdelay $0x2  }
0xc7: {  	s31 =	sshll.u32 s1, $0xD;
	s1 =	sshrl.u32 s1, $0x2  }
0xc8: {  	s4 =	sand.u32 $0x4000, s31;
	s1 =	sadd.s32 s1, s30  }
0xc9: {  	s0 =	sor.u32 s4, s0;
	s1 =	sshll.u32 s1, $0x11  }
0xca: {  	s0 =	sor.u32 s1, s0  }
0xcb: {  	s0 =	sadd.s32 $0x8F2B, s0  }
0xcc: {  	[sflag:s0] =	ssyncadd.remote.s32 $0x1  }
0xcd: {  	_ =	sfence.sel $0xFFFF  }
0xce: {  	[dreg:$0x0] =	wrdreg $0xFFFFFFFF;
	(pc) =	sbr.abs _section_cstart, $3  }
0xcf: {  	[dreg:$0x1] =	wrdreg $0xFFFFFFFF  }
0xd0: {  	_ =	task.clear_ibuf [dreg:s22], $0x2FFFF;
	_ =	strace $0x9FFFFFFF  }
0xd1: {  	(tm) =	ssettm $0x7FFFFFFF  }
tec
execute0_lowered:
.L_overlay_start_1:
0x0: {  	(tag) =	ssettag $0x1  }
0x1: {  	s5 =	rddreg [dreg:$0x0]  }
0x2: {  	s0 =	srdreg.scid;
	s2 =	rddreg [dreg:$0x1]  }
0x3: {  	s1 =	rddreg [dreg:$0x2];
	s3 =	simm.s32 $0x0;
	s9 =	sand.u32 $0x1, s0  }
0x4: {  	s18 =	simm.s32 $0x3;
	s0 =	stileid.u32;
	s4 =	smul.u32 $0x140000, s9  }
0x5: {  	s19 =	simm.s32 $0x2;
	s20 =	simm.s32 $0x50;
	s6 =	smul.u32 $0x14000, s0  }
0x6: {  	s21 =	simm.s32 $0x1;
	s23 =	simm.s32 $0x0;
	s8 =	smul.u32 $0x50000, s0  }
0x7: {  	[smem:$0x7FF] =	sst s3;
	s7 =	sshll.u32 s9, $0x4;
	s16 =	smul.u32 $0x50000, s9  }
0x8: {  	_ =	strace $0x8000004A;
	s30 =	ssub.s32 $0x2, s9;
	s17 =	smul.u32 $0x5000, s0  }
0x9: {  	s22 =	sshll.u32 s0, $0x6;
	s7 =	sor.u32 s0, s7;
	s31 =	sshrl.u32 s30, $0x1  }
0xa: {  	s22 =	sor.u32 $0x1C03, s22;
	s4 =	sadd.s32 s6, s4;
	s28 =	smul.u32 $0x5000, s7  }
0xb: {  	s8 =	sshrl.u32 s8, $0x2;
	s15 =	ssub.s32 s30, s31;
	s16 =	sadd.s32 s17, s16  }
0xc: {  	s17 =	simm.s32 $0x2000;
	s29 =	sshrl.u32 s4, $0x3;
	s4 =	sadd.s32 $0x1E00, s5  }
.Ltmp0:
0xd: {  	s15 =	smax.u32 s15, $0x1;
	s6 =	sshrl.u32 s28, $0x3;
	(pc) =	sbr.rel .LBB2_1-.Ltmp0, $4  }
0xe: {  	s14 =	sadd.s32 s29, s5;
	s5 =	sadd.s32 s4, s6;
	s6 =	sadd.s32 s8, s2  }
0xf: {  	s16 =	sadd.s32 $0x1000, s16;
	s14 =	sadd.s32 $0x79E00, s14;
	s7 =	sadd.s32 $0x2800, s6  }
0x10: {  	s8 =	sadd.s32 $0x5000, s6;
	s9 =	sadd.s32 $0x7800, s6;
	s10 =	sadd.s32 $0xA000, s6  }
0x11: {  	v0 =	vimm.f32 $0.0e+00;
	v1 =	vimm.f32 $1.000000000e+00;
	s11 =	sadd.s32 $0xC800, s6;
	s12 =	sadd.s32 $0xF000, s6;
	s13 =	sadd.s32 $0x11800, s6  }
.LBB2_8:
0x12: {  	s23 =	sadd.s32 $0x1, s23  }
0x13: {  	p0 =	sne.s32 s23, s15  }
.Ltmp1:
0x14: {  	[bflag:$0x0] =	sbarrier.arrive $0xFFFF;
	s24 =	sshrl.u32 s6, $0x3;
	(pc) =	sbr.rel @!p0 .LBB2_9-.Ltmp1, $4  }
0x15: {  	[hbm:s14], [sflag:s22] =	dma.local [spmem:s24], $0x2800  }
0x16: {  	_ =	swait.ge [sflag:s18], $0x2800  }
0x17: {  	[sflag:s18] =	ssyncset.done $0x0  }
0x18: {  	[sflag:s18] =	ssyncadd.s32 $0xFFFFD800  }
.LBB2_1:
0x19: {  	[tilespmem:s3], [sflag:$0x2] =	stream.linear.gather [hbm4b:s5+s3], $0xC80, $0x38;
	[tilespmem:$0x18800] =	vst v63  }
0x1a: {  	s24 =	simm.s32 $0x0;
	s25 =	simm.s32 $0x200  }
.LBB2_2:
0x1b: {  	p0 =	sne.s32 s25, $0x9E00;
	[tilespmem:s24+$0x2070] =	vst v0  }
0x1c: {  	[tilespmem:s24+$0x2000] =	vst v0  }
0x1d: {  	[tilespmem:s24+$0x2010] =	vst v0  }
.Ltmp2:
0x1e: {  	[tilespmem:s24+$0x2020] =	vst v0;
	(pc) =	sbr.rel @p0 .LBB2_2-.Ltmp2, $4  }
0x1f: {  	[tilespmem:s24+$0x2030] =	vst v0  }
0x20: {  	[tilespmem:s24+$0x2040] =	vst v0  }
0x21: {  	[tilespmem:s24+$0x2050] =	vst v0  }
0x22: {  	[tilespmem:s24+$0x2060] =	vst v0;
	s24 =	sshra.s32 s25, $0x2;
	s25 =	sadd.s32 $0x200, s25  }
0x23: {  	[tilespmem:s24+$0x2070] =	vst v0  }
0x24: {  	[tilespmem:s24+$0x2000] =	vst v0  }
0x25: {  	[tilespmem:s24+$0x2010] =	vst v0  }
0x26: {  	[tilespmem:s24+$0x2020] =	vst v0  }
0x27: {  	[tilespmem:s24+$0x2030] =	vst v0  }
0x28: {  	[tilespmem:s24+$0x2040] =	vst v0  }
0x29: {  	[tilespmem:s24+$0x2050] =	vst v0  }
0x2a: {  	[tilespmem:s24+$0x2060] =	vst v0  }
0x2b: {  	[spmem:s6] =	stream.linear.scatter [tilespmem:s17], [sflag:$0x3], $0x2800, $0x38;
	[tilespmem:$0x18800] =	vst v63  }
0x2c: {  	_ =	swait.ge [sflag:s18], $0x2800  }
0x2d: {  	[sflag:s18] =	ssyncset.done $0x0  }
0x2e: {  	[sflag:s18] =	ssyncadd.s32 $0xFFFFD800  }
0x2f: {  	[spmem:s7] =	stream.linear.scatter [tilespmem:s17], [sflag:$0x3], $0x2800, $0x38;
	[tilespmem:$0x18800] =	vst v63  }
0x30: {  	_ =	swait.ge [sflag:s18], $0x2800  }
0x31: {  	[sflag:s18] =	ssyncset.done $0x0  }
0x32: {  	[sflag:s18] =	ssyncadd.s32 $0xFFFFD800  }
0x33: {  	[spmem:s8] =	stream.linear.scatter [tilespmem:s17], [sflag:$0x3], $0x2800, $0x38;
	[tilespmem:$0x18800] =	vst v63  }
0x34: {  	_ =	swait.ge [sflag:s18], $0x2800  }
0x35: {  	[sflag:s18] =	ssyncset.done $0x0  }
0x36: {  	[sflag:s18] =	ssyncadd.s32 $0xFFFFD800  }
0x37: {  	[spmem:s9] =	stream.linear.scatter [tilespmem:s17], [sflag:$0x3], $0x2800, $0x38;
	[tilespmem:$0x18800] =	vst v63  }
0x38: {  	_ =	swait.ge [sflag:s18], $0x2800  }
0x39: {  	[sflag:s18] =	ssyncset.done $0x0  }
0x3a: {  	[sflag:s18] =	ssyncadd.s32 $0xFFFFD800  }
0x3b: {  	[spmem:s10] =	stream.linear.scatter [tilespmem:s17], [sflag:$0x3], $0x2800, $0x38;
	[tilespmem:$0x18800] =	vst v63  }
0x3c: {  	_ =	swait.ge [sflag:s18], $0x2800  }
0x3d: {  	[sflag:s18] =	ssyncset.done $0x0  }
0x3e: {  	[sflag:s18] =	ssyncadd.s32 $0xFFFFD800  }
0x3f: {  	[spmem:s11] =	stream.linear.scatter [tilespmem:s17], [sflag:$0x3], $0x2800, $0x38;
	[tilespmem:$0x18800] =	vst v63  }
0x40: {  	_ =	swait.ge [sflag:s18], $0x2800  }
0x41: {  	[sflag:s18] =	ssyncset.done $0x0  }
0x42: {  	[sflag:s18] =	ssyncadd.s32 $0xFFFFD800  }
0x43: {  	[spmem:s12] =	stream.linear.scatter [tilespmem:s17], [sflag:$0x3], $0x2800, $0x38;
	[tilespmem:$0x18800] =	vst v63  }
0x44: {  	_ =	swait.ge [sflag:s18], $0x2800  }
0x45: {  	[sflag:s18] =	ssyncset.done $0x0  }
0x46: {  	[sflag:s18] =	ssyncadd.s32 $0xFFFFD800  }
0x47: {  	[spmem:s13] =	stream.linear.scatter [tilespmem:s17], [sflag:$0x3], $0x2800, $0x38;
	[tilespmem:$0x18800] =	vst v63  }
0x48: {  	_ =	swait.ge [sflag:s18], $0x2800  }
0x49: {  	[sflag:s18] =	ssyncset.done $0x0  }
0x4a: {  	s24 =	simm.s32 $0x200;
	s25 =	simm.s32 $0x0;
	[sflag:s18] =	ssyncadd.s32 $0xFFFFD800  }
.LBB2_4:
0x4b: {  	p0 =	sne.s32 s24, $0x9E00;
	[tilespmem:s25+$0x2000] =	vst v1;
	s25 =	smov.u32 s24;
	s24 =	sadd.s32 $0x200, s24  }
.Ltmp3:
0x4c: {  	(pc) =	sbr.rel @p0 .LBB2_4-.Ltmp3, $2  }
0x4d: {  	_ =	sdelay $0x2  }
0x4e: {  	s25 =	sshra.s32 s25, $0x2  }
0x4f: {  	[tilespmem:s25+$0x2000] =	vst v1  }
0x50: {  	_ =	swait.ge [sflag:s19], $0xC80  }
0x51: {  	[sflag:s19] =	ssyncset.done $0x0  }
0x52: {  	[sflag:s19] =	ssyncadd.s32 $0xFFFFF380  }
0x53: {  	s24 =	simm.s32 $0x0;
	s25 =	smov.u32 s16;
	[bflag:$0x0] =	sbarrier.arrive $0xFFFF  }
.LBB2_6:
0x54: {  	s26 =	sand.u32 $0x1, s24;
	p0 =	seq.s32 s24, $0x4  }
0x55: {  	s28 =	sshll.u32 @!p0 s26, $0xC;
	s29 =	sshrl.u32 @!p0 s25, $0x3  }
0x56: {  	s30 =	simm.s32 @!p0 $0x0;
	s28 =	sxor.u32 @!p0 $0x1000, s28;
	s29 =	sadd.s32 @!p0 s4, s29  }
0x57: {  	[tilespmem:s28], [sflag:$0x2] =	stream.linear.gather @!p0 [hbm4b:s29+s30], $0xC80, $0x38;
	[tilespmem:$0x18800] =	vst v63  }
0x58: {  	s26 =	sshll.u32 s26, $0xC  }
0x59: {  	[spmem:s2] =	stream.indirect.scatter.add.f32 [tilespmem:s17], [sflag:$0x1], $0x80, s26, s20, $0xb8;
	[tilespmem:$0x18800] =	vst v63  }
0x5a: {  	s30 =	sor.u32 $0x80, s26  }
0x5b: {  	[spmem:s2] =	stream.indirect.scatter.add.f32 [tilespmem:s17], [sflag:$0x1], $0x80, s30, s20, $0xb8;
	[tilespmem:$0x18800] =	vst v63  }
0x5c: {  	s31 =	sor.u32 $0x100, s26  }
0x5d: {  	[spmem:s2] =	stream.indirect.scatter.add.f32 [tilespmem:s17], [sflag:$0x1], $0x80, s31, s20, $0xb8;
	[tilespmem:$0x18800] =	vst v63  }
0x5e: {  	s29 =	sor.u32 $0x180, s26  }
0x5f: {  	[spmem:s2] =	stream.indirect.scatter.add.f32 [tilespmem:s17], [sflag:$0x1], $0x80, s29, s20, $0xb8;
	[tilespmem:$0x18800] =	vst v63  }
0x60: {  	s30 =	sor.u32 $0x200, s26  }
0x61: {  	[spmem:s2] =	stream.indirect.scatter.add.f32 [tilespmem:s17], [sflag:$0x1], $0x80, s30, s20, $0xb8;
	[tilespmem:$0x18800] =	vst v63  }
0x62: {  	s31 =	sor.u32 $0x280, s26  }
0x63: {  	[spmem:s2] =	stream.indirect.scatter.add.f32 [tilespmem:s17], [sflag:$0x1], $0x80, s31, s20, $0xb8;
	[tilespmem:$0x18800] =	vst v63  }
0x64: {  	s29 =	sor.u32 $0x300, s26  }
0x65: {  	[spmem:s2] =	stream.indirect.scatter.add.f32 [tilespmem:s17], [sflag:$0x1], $0x80, s29, s20, $0xb8;
	[tilespmem:$0x18800] =	vst v63  }
0x66: {  	_ =	swait.ge [sflag:s21], $0x2800  }
0x67: {  	[sflag:s21] =	ssyncset.done $0x0  }
0x68: {  	s30 =	sor.u32 $0x380, s26;
	[sflag:s21] =	ssyncadd.s32 $0xFFFFD800  }
0x69: {  	[spmem:s2] =	stream.indirect.scatter.add.f32 [tilespmem:s17], [sflag:$0x1], $0x80, s30, s20, $0xb8;
	[tilespmem:$0x18800] =	vst v63  }
0x6a: {  	_ =	swait.ge [sflag:s21], $0x2800  }
0x6b: {  	[sflag:s21] =	ssyncset.done $0x0  }
0x6c: {  	s31 =	sor.u32 $0x400, s26;
	[sflag:s21] =	ssyncadd.s32 $0xFFFFD800  }
0x6d: {  	[spmem:s2] =	stream.indirect.scatter.add.f32 [tilespmem:s17], [sflag:$0x1], $0x80, s31, s20, $0xb8;
	[tilespmem:$0x18800] =	vst v63  }
0x6e: {  	_ =	swait.ge [sflag:s21], $0x2800  }
0x6f: {  	[sflag:s21] =	ssyncset.done $0x0  }
0x70: {  	s29 =	sor.u32 $0x480, s26;
	[sflag:s21] =	ssyncadd.s32 $0xFFFFD800  }
0x71: {  	[spmem:s2] =	stream.indirect.scatter.add.f32 [tilespmem:s17], [sflag:$0x1], $0x80, s29, s20, $0xb8;
	[tilespmem:$0x18800] =	vst v63  }
0x72: {  	_ =	swait.ge [sflag:s21], $0x2800  }
0x73: {  	[sflag:s21] =	ssyncset.done $0x0  }
0x74: {  	s30 =	sor.u32 $0x500, s26;
	[sflag:s21] =	ssyncadd.s32 $0xFFFFD800  }
0x75: {  	[spmem:s2] =	stream.indirect.scatter.add.f32 [tilespmem:s17], [sflag:$0x1], $0x80, s30, s20, $0xb8;
	[tilespmem:$0x18800] =	vst v63  }
0x76: {  	_ =	swait.ge [sflag:s21], $0x2800  }
0x77: {  	[sflag:s21] =	ssyncset.done $0x0  }
0x78: {  	s31 =	sor.u32 $0x580, s26;
	[sflag:s21] =	ssyncadd.s32 $0xFFFFD800  }
0x79: {  	[spmem:s2] =	stream.indirect.scatter.add.f32 [tilespmem:s17], [sflag:$0x1], $0x80, s31, s20, $0xb8;
	[tilespmem:$0x18800] =	vst v63  }
0x7a: {  	_ =	swait.ge [sflag:s21], $0x2800  }
0x7b: {  	[sflag:s21] =	ssyncset.done $0x0  }
0x7c: {  	s29 =	sor.u32 $0x600, s26;
	[sflag:s21] =	ssyncadd.s32 $0xFFFFD800  }
0x7d: {  	[spmem:s2] =	stream.indirect.scatter.add.f32 [tilespmem:s17], [sflag:$0x1], $0x80, s29, s20, $0xb8;
	[tilespmem:$0x18800] =	vst v63  }
0x7e: {  	_ =	swait.ge [sflag:s21], $0x2800  }
0x7f: {  	[sflag:s21] =	ssyncset.done $0x0  }
0x80: {  	s30 =	sor.u32 $0x680, s26;
	[sflag:s21] =	ssyncadd.s32 $0xFFFFD800  }
0x81: {  	[spmem:s2] =	stream.indirect.scatter.add.f32 [tilespmem:s17], [sflag:$0x1], $0x80, s30, s20, $0xb8;
	[tilespmem:$0x18800] =	vst v63  }
0x82: {  	_ =	swait.ge [sflag:s21], $0x2800  }
0x83: {  	[sflag:s21] =	ssyncset.done $0x0  }
0x84: {  	s31 =	sor.u32 $0x700, s26;
	[sflag:s21] =	ssyncadd.s32 $0xFFFFD800  }
0x85: {  	[spmem:s2] =	stream.indirect.scatter.add.f32 [tilespmem:s17], [sflag:$0x1], $0x80, s31, s20, $0xb8;
	[tilespmem:$0x18800] =	vst v63  }
0x86: {  	_ =	swait.ge [sflag:s21], $0x2800  }
0x87: {  	[sflag:s21] =	ssyncset.done $0x0  }
0x88: {  	s29 =	sor.u32 $0x780, s26;
	[sflag:s21] =	ssyncadd.s32 $0xFFFFD800  }
0x89: {  	[spmem:s2] =	stream.indirect.scatter.add.f32 [tilespmem:s17], [sflag:$0x1], $0x80, s29, s20, $0xb8;
	[tilespmem:$0x18800] =	vst v63  }
0x8a: {  	_ =	swait.ge [sflag:s21], $0x2800  }
0x8b: {  	[sflag:s21] =	ssyncset.done $0x0  }
0x8c: {  	s30 =	sor.u32 $0x800, s26;
	[sflag:s21] =	ssyncadd.s32 $0xFFFFD800  }
0x8d: {  	[spmem:s2] =	stream.indirect.scatter.add.f32 [tilespmem:s17], [sflag:$0x1], $0x80, s30, s20, $0xb8;
	[tilespmem:$0x18800] =	vst v63  }
0x8e: {  	_ =	swait.ge [sflag:s21], $0x2800  }
0x8f: {  	[sflag:s21] =	ssyncset.done $0x0  }
0x90: {  	s31 =	sor.u32 $0x880, s26;
	[sflag:s21] =	ssyncadd.s32 $0xFFFFD800  }
0x91: {  	[spmem:s2] =	stream.indirect.scatter.add.f32 [tilespmem:s17], [sflag:$0x1], $0x80, s31, s20, $0xb8;
	[tilespmem:$0x18800] =	vst v63  }
0x92: {  	_ =	swait.ge [sflag:s21], $0x2800  }
0x93: {  	[sflag:s21] =	ssyncset.done $0x0  }
0x94: {  	s29 =	sor.u32 $0x900, s26;
	[sflag:s21] =	ssyncadd.s32 $0xFFFFD800  }
0x95: {  	[spmem:s2] =	stream.indirect.scatter.add.f32 [tilespmem:s17], [sflag:$0x1], $0x80, s29, s20, $0xb8;
	[tilespmem:$0x18800] =	vst v63  }
0x96: {  	_ =	swait.ge [sflag:s21], $0x2800  }
0x97: {  	[sflag:s21] =	ssyncset.done $0x0  }
0x98: {  	s30 =	sor.u32 $0x980, s26;
	[sflag:s21] =	ssyncadd.s32 $0xFFFFD800  }
0x99: {  	[spmem:s2] =	stream.indirect.scatter.add.f32 [tilespmem:s17], [sflag:$0x1], $0x80, s30, s20, $0xb8;
	[tilespmem:$0x18800] =	vst v63  }
0x9a: {  	_ =	swait.ge [sflag:s21], $0x2800  }
0x9b: {  	[sflag:s21] =	ssyncset.done $0x0  }
0x9c: {  	s31 =	sor.u32 $0xA00, s26;
	[sflag:s21] =	ssyncadd.s32 $0xFFFFD800  }
0x9d: {  	[spmem:s2] =	stream.indirect.scatter.add.f32 [tilespmem:s17], [sflag:$0x1], $0x80, s31, s20, $0xb8;
	[tilespmem:$0x18800] =	vst v63  }
0x9e: {  	_ =	swait.ge [sflag:s21], $0x2800  }
0x9f: {  	[sflag:s21] =	ssyncset.done $0x0  }
0xa0: {  	s29 =	sor.u32 $0xA80, s26;
	[sflag:s21] =	ssyncadd.s32 $0xFFFFD800  }
0xa1: {  	[spmem:s2] =	stream.indirect.scatter.add.f32 [tilespmem:s17], [sflag:$0x1], $0x80, s29, s20, $0xb8;
	[tilespmem:$0x18800] =	vst v63  }
0xa2: {  	_ =	swait.ge [sflag:s21], $0x2800  }
0xa3: {  	[sflag:s21] =	ssyncset.done $0x0  }
0xa4: {  	s30 =	sor.u32 $0xB00, s26;
	[sflag:s21] =	ssyncadd.s32 $0xFFFFD800  }
0xa5: {  	[spmem:s2] =	stream.indirect.scatter.add.f32 [tilespmem:s17], [sflag:$0x1], $0x80, s30, s20, $0xb8;
	[tilespmem:$0x18800] =	vst v63  }
0xa6: {  	_ =	swait.ge [sflag:s21], $0x2800  }
0xa7: {  	[sflag:s21] =	ssyncset.done $0x0  }
0xa8: {  	s31 =	sor.u32 $0xB80, s26;
	[sflag:s21] =	ssyncadd.s32 $0xFFFFD800  }
0xa9: {  	[spmem:s2] =	stream.indirect.scatter.add.f32 [tilespmem:s17], [sflag:$0x1], $0x80, s31, s20, $0xb8;
	[tilespmem:$0x18800] =	vst v63  }
0xaa: {  	_ =	swait.ge [sflag:s21], $0x2800  }
0xab: {  	[sflag:s21] =	ssyncset.done $0x0  }
0xac: {  	s26 =	sor.u32 $0xC00, s26;
	[sflag:s21] =	ssyncadd.s32 $0xFFFFD800  }
0xad: {  	[spmem:s2] =	stream.indirect.scatter.add.f32 [tilespmem:s17], [sflag:$0x1], $0x80, s26, s20, $0xb8;
	[tilespmem:$0x18800] =	vst v63  }
0xae: {  	_ =	swait.ge [sflag:s21], $0x2800  }
0xaf: {  	[sflag:s21] =	ssyncset.done $0x0  }
0xb0: {  	[sflag:s21] =	ssyncadd.s32 $0xFFFFD800  }
0xb1: {  	_ =	swait.ge [sflag:s21], $0x2800  }
0xb2: {  	[sflag:s21] =	ssyncset.done $0x0  }
0xb3: {  	[sflag:s21] =	ssyncadd.s32 $0xFFFFD800  }
0xb4: {  	_ =	swait.ge [sflag:s21], $0x2800  }
0xb5: {  	[sflag:s21] =	ssyncset.done $0x0  }
0xb6: {  	[sflag:s21] =	ssyncadd.s32 $0xFFFFD800  }
0xb7: {  	_ =	swait.ge [sflag:s21], $0x2800  }
0xb8: {  	[sflag:s21] =	ssyncset.done $0x0  }
0xb9: {  	[sflag:s21] =	ssyncadd.s32 $0xFFFFD800  }
0xba: {  	_ =	swait.ge [sflag:s21], $0x2800  }
0xbb: {  	[sflag:s21] =	ssyncset.done $0x0  }
0xbc: {  	[sflag:s21] =	ssyncadd.s32 $0xFFFFD800  }
0xbd: {  	_ =	swait.ge [sflag:s21], $0x2800  }
.Ltmp4:
0xbe: {  	[sflag:s21] =	ssyncset.done $0x0;
	(pc) =	sbr.rel @p0 .LBB2_8-.Ltmp4, $4  }
0xbf: {  	[sflag:s21] =	ssyncadd.s32 $0xFFFFD800  }
0xc0: {  	_ =	swait.ge [sflag:s21], $0x2800  }
0xc1: {  	[sflag:s21] =	ssyncset.done $0x0  }
0xc2: {  	[sflag:s21] =	ssyncadd.s32 $0xFFFFD800  }
.Ltmp5:
0xc3: {  	(pc) =	sbr.rel .LBB2_6-.Ltmp5, $4  }
0xc4: {  	_ = 	snop  }
0xc5: {  	_ =	swait.ge [sflag:s19], $0xC80  }
0xc6: {  	[sflag:s19] =	ssyncset.done $0x0  }
0xc7: {  	s25 =	sadd.s32 $0x1000, s25;
	s24 =	sadd.s32 $0x1, s24;
	[sflag:s19] =	ssyncadd.s32 $0xFFFFF380  }
.LBB2_9:
0xc8: {  	_ =	sfence.sel $0x180000  }
0xc9: {  	[bflag:$0x0] =	sbarrier.arrive $0xFFFF  }
0xca: {  	p0 =	sne.s32 s0, $0x0;
	_ =	strace $0x9000004A  }
0xcb: {  	s0 =	sadd.s32 @!p0 $0x100000, s1;
	[bflag:$0x2] =	sbarrier.arrive $0xFFFF  }
0xcc: {  	[sflag:s0] =	ssyncadd.tile.s32 @!p0 $0x1;
	_ =	shalt  }
.Lfunc_end2:
_tile_overlayer_lowered:
.L_overlay_start_2:
0xcd: {  	(tag) =	ssettag $0x2  }
0xce: {  	s0 =	rddreg [dreg:$0x0];
	s2 =	stileid.u32  }
0xcf: {  	s1 =	rddreg [dreg:$0x1];
	p0 =	sne.s32 s2, $0x0  }
0xd0: {  	s3 =	rddreg [dreg:$0x2];
	[bflag:$0x3] =	sbarrier.arrive $0xFFFF;
	s2 =	simm.s32 @!p0 $0x1C03  }
0xd1: {  	[timem:s3], [sflag:s2] =	dma.local @!p0 [hbm:s0], s1  }
0xd2: {  	s0 =	simm.s32 @!p0 $0x3  }
0xd3: {  	_ =	swait.ge @!p0 [sflag:s0], s1  }
0xd4: {  	s1 =	ssub.s32 @!p0 $0x0, s1;
	[sflag:s0] =	ssyncset.done @!p0 $0x0  }
0xd5: {  	[sflag:s0] =	ssyncadd.s32 @!p0 s1  }
0xd6: {  	[bflag:$0x3] =	sbarrier.arrive $0xFFFF  }
0xd7: {  	_ =	shalt  }

// kernel: kernel.13.cloned.1.call-start
scs
__scs_entry_jumppad:
0x0: {  	(pc) =	sbr.rel $0x88, $3  }
0x1: {  	(tag) =	ssettag $0x0;
	lr =	simm.s32 $0x1  }
0x2: {  	[smem:$0x3F99] =	sst lr;
	_ =	strace $0xD0000000  }
0x3: {  	_ = 	snop  }
0x4: {  	_ = 	snop  }
0x5: {  	_ = 	snop  }
0x6: {  	_ = 	snop  }
0x7: {  	_ = 	snop  }
__scs_overlays_trampoline_lowered:
0x8: {  	[smem:$0x3FA8] =	sst s0  }
0x9: {  	[smem:$0x3FA9] =	sst s1  }
0xa: {  	[smem:$0x3FAA] =	sst s2  }
0xb: {  	[smem:$0x3FAB] =	sst s3  }
0xc: {  	[smem:$0x3FAC] =	sst s4  }
0xd: {  	[smem:$0x3FAD] =	sst s5  }
0xe: {  	[smem:$0x3FAE] =	sst s6  }
0xf: {  	[smem:$0x3FAF] =	sst s7  }
0x10: {  	[smem:$0x3FB0] =	sst s8  }
0x11: {  	[smem:$0x3FB1] =	sst s9;
	s0 =	simm.s32 @!p0 $0x0  }
0x12: {  	s1 =	sld [smem:$0x3F97];
	s0 =	simm.s32 @p0 $0x1  }
0x13: {  	[smem:$0x3FB2] =	sst s0;
	s0 =	simm.s32 @!p1 $0x0  }
0x14: {  	s2 =	sld [smem:$0x3F96];
	s0 =	simm.s32 @p1 $0x1  }
0x15: {  	[smem:$0x3FB3] =	sst s0;
	s0 =	simm.s32 @!p2 $0x0  }
0x16: {  	s3 =	sld [smem:$0x3FDB];
	s0 =	simm.s32 @p2 $0x1  }
0x17: {  	s4 =	simm.s32 $0x1BF5;
	[smem:$0x3FB5] =	sst s0  }
0x18: {  	s0 =	sld [smem:$0x3F98];
	_ =	swait.ge [sflag:s4], $0x0  }
0x19: {  	s7 =	sld [smem:$0x3F99]  }
0x1a: {  	s8 =	sadd.s32 $0xFFFFE003, lr  }
0x1b: {  	s9 =	sadd.s32 $0xFFFFFEF7, lr;
	s5 =	simm.s32 $0xFFFFFFFF;
	p2 =	slt.u32 s8, $0xFFFFF086  }
0x1c: {  	p1 =	slt.u32 s9, $0xF7A;
	s5 =	simm.s32 @!p2 $0x0  }
0x1d: {  	s5 =	simm.s32 @p1 $0x1;
	p0 =	seq.s32 s7, s2  }
0x1e: {  	s7 =	smul.u32 @!p0 $0xF7A, s2;
	p2 =	seq.s32 @!p0 s5, $0x0  }
0x1f: {  	s9 =	smul.u32 $0xF7A, s1;
	s8 =	simm.s32 @!p0 $0x1BF5;
	p2 =	por !p2, p0  }
0x20: {  	[sflag:s8] =	ssyncset.s32 @!p0 $0xFFFFF086;
	s6 =	sadd.s32 @!p0 s3, s7;
	s7 =	simm.s32 @!p0 $0x108  }
0x21: {  	s3 =	sadd.s32 s3, s9;
	s6 =	sadd.s32 @!p0 $0x88, s6;
	s7 =	simm.s32 @p2 $0x1082  }
0x22: {  	[simem:s7], [sflag:s8] =	dma.local @!p0 [hbm:s6], $0xF7A  }
0x23: {  	s9 =	sor.u32 $0xD0000000, s2;
	s6 =	simm.s32 $0x108;
	_ =	swait.ge @!p0 [sflag:s8], $0x0  }
0x24: {  	s3 =	sadd.s32 $0x88, s3;
	s6 =	simm.s32 @!p1 $0x1082;
	[sflag:s4] =	ssyncset.s32 $0xFFFFF086  }
0x25: {  	[simem:s6], [sflag:s4] =	dma.local [hbm:s3], $0xF7A  }
0x26: {  	[smem:$0x3F99] =	sst s1;
	(tag) =	ssettag s2;
	_ =	strace s9  }
0x27: {  	s1 =	sld [smem:$0x3FA9]  }
0x28: {  	s2 =	sld [smem:$0x3FAA]  }
0x29: {  	s4 =	sld [smem:$0x3FAC]  }
0x2a: {  	p0 =	seq.s32 s5, $0x0;
	s5 =	sld [smem:$0x3FAD]  }
0x2b: {  	s6 =	sld [smem:$0x3FAE]  }
0x2c: {  	s7 =	sld [smem:$0x3FAF]  }
0x2d: {  	s3 =	simm.s32 $0x108;
	s8 =	sld [smem:$0x3FB0]  }
0x2e: {  	s3 =	simm.s32 @!p0 $0x1082;
	s9 =	sld [smem:$0x3FB1]  }
0x2f: {  	lr =	sadd.s32 s0, s3;
	s0 =	sld [smem:$0x3FA8]  }
0x30: {  	s3 =	sld [smem:$0x3FAB]  }
0x31: {  	[smem:$0x3FB4] =	sst s10  }
0x32: {  	s10 =	sld [smem:$0x3FB2];
	_ =	sdelay $0x3  }
0x33: {  	p0 =	seq.s32 s10, $0x1;
	s10 =	sld [smem:$0x3FB4];
	_ =	sdelay $0x3  }
0x34: {  	[smem:$0x3FB4] =	sst s10  }
0x35: {  	s10 =	sld [smem:$0x3FB3];
	_ =	sdelay $0x3  }
0x36: {  	p1 =	seq.s32 s10, $0x1;
	s10 =	sld [smem:$0x3FB4];
	_ =	sdelay $0x3  }
0x37: {  	[smem:$0x3FB4] =	sst s10  }
0x38: {  	s10 =	sld [smem:$0x3FB5]  }
0x39: {  	_ = 	snop;
	(pc) =	sbr.ind lr, $3  }
0x3a: {  	_ = 	snop  }
0x3b: {  	_ = 	snop  }
0x3c: {  	p2 =	seq.s32 s10, $0x1;
	s10 =	sld [smem:$0x3FB4]  }
0x3d: {  	_ =	shalt  }
0x3e: {  	_ =	shalt  }
0x3f: {  	_ =	shalt  }
0x40: {  	_ =	shalt  }
0x41: {  	_ =	shalt  }
0x42: {  	_ =	shalt  }
0x43: {  	_ =	shalt  }
0x44: {  	_ =	shalt  }
0x45: {  	_ =	shalt  }
0x46: {  	_ =	shalt  }
0x47: {  	_ =	shalt  }
0x48: {  	_ =	shalt  }
0x49: {  	_ =	shalt  }
0x4a: {  	_ =	shalt  }
0x4b: {  	_ =	shalt  }
0x4c: {  	_ =	shalt  }
0x4d: {  	_ =	shalt  }
0x4e: {  	_ =	shalt  }
0x4f: {  	_ =	shalt  }
0x50: {  	_ =	shalt  }
0x51: {  	_ =	shalt  }
0x52: {  	_ =	shalt  }
0x53: {  	_ =	shalt  }
0x54: {  	_ =	shalt  }
0x55: {  	_ =	shalt  }
0x56: {  	_ =	shalt  }
0x57: {  	_ =	shalt  }
0x58: {  	_ =	shalt  }
0x59: {  	_ =	shalt  }
0x5a: {  	_ =	shalt  }
0x5b: {  	_ =	shalt  }
0x5c: {  	_ =	shalt  }
0x5d: {  	_ =	shalt  }
0x5e: {  	_ =	shalt  }
0x5f: {  	_ =	shalt  }
0x60: {  	_ =	shalt  }
0x61: {  	_ =	shalt  }
0x62: {  	_ =	shalt  }
0x63: {  	_ =	shalt  }
0x64: {  	_ =	shalt  }
0x65: {  	_ =	shalt  }
0x66: {  	_ =	shalt  }
0x67: {  	_ =	shalt  }
0x68: {  	_ =	shalt  }
0x69: {  	_ =	shalt  }
0x6a: {  	_ =	shalt  }
0x6b: {  	_ =	shalt  }
0x6c: {  	_ =	shalt  }
0x6d: {  	_ =	shalt  }
0x6e: {  	_ =	shalt  }
0x6f: {  	_ =	shalt  }
0x70: {  	_ =	shalt  }
0x71: {  	_ =	shalt  }
0x72: {  	_ =	shalt  }
0x73: {  	_ =	shalt  }
0x74: {  	_ =	shalt  }
0x75: {  	_ =	shalt  }
0x76: {  	_ =	shalt  }
0x77: {  	_ =	shalt  }
0x78: {  	_ =	shalt  }
0x79: {  	_ =	shalt  }
0x7a: {  	_ =	shalt  }
0x7b: {  	_ =	shalt  }
0x7c: {  	_ =	shalt  }
0x7d: {  	_ =	shalt  }
0x7e: {  	_ =	shalt  }
0x7f: {  	_ =	shalt  }
0x80: {  	_ =	shalt  }
0x81: {  	_ =	shalt  }
0x82: {  	_ =	shalt  }
0x83: {  	_ =	shalt  }
0x84: {  	_ =	shalt  }
0x85: {  	_ =	shalt  }
0x86: {  	_ =	shalt  }
0x87: {  	_ =	shalt  }
.Lfunc_end0:
.L_simem_size_0:
called_computation.2_lowered:
.L_overlay_start_0:
0x88: {  	s2 =	sld [smem:$0x3FD9]  }
0x89: {  	s3 =	sld [smem:$0x3FFE];
	_ =	sdelay $0x1  }
0x8a: {  	s1 =	srdreg.scid  }
0x8b: {  	s0 =	sand.u32 $0x1, s1  }
0x8c: {  	s16 =	sshll.u32 s0, $0xA;
	s2 =	sadd.s32 s3, s2  }
0x8d: {  	s2 =	sadd.s32 s2, s16  }
0x8e: {  	[smem:$0x3FC0] =	sst s2  }
0x8f: {  	_ = 	snop  }
0x90: {  	(tm) =	ssettm $0x1  }
0x91: {  	s17 =	sld [smem:$0x3FFB];
	_ =	sdelay $0x3  }
0x92: {  	_ =	strace s17  }
0x93: {  	s2 =	sld [smem:$0x3FFC];
	_ =	sdelay $0x3  }
0x94: {  	_ =	strace s2  }
0x95: {  	s2 =	sld [smem:$0x3FFD];
	_ =	sdelay $0x3  }
0x96: {  	_ =	strace s2  }
0x97: {  	_ =	strace $0x8FFFFFFF  }
0x98: {  	s18 =	sld [smem:$0x3FDB];
	_ =	sdelay $0x1  }
0x99: {  	s19 =	simm.s32 $_scs_section_size  }
0x9a: {  	s4 =	simm.s32 $_size__tile_overlayer_lowered;
	s5 =	simm.s32 $_tile_overlayer_lowered  }
0x9b: {  	s22 =	simm.s32 $0x1BFF;
	s21 =	sshll.u32 s5, $0x1;
	s2 =	sadd.s32 s19, s18  }
0x9c: {  	s6 =	simm.s32 $0x0;
	s20 =	sshll.u32 s4, $0x1;
	s4 =	sadd.s32 s21, s2  }
0x9d: {  	[timem:s6], [sflag:s22] =	dma.local [hbm:s4], s20  }
0x9e: {  	_ =	swait.ge [sflag:s22], s20  }
0x9f: {  	s3 =	ssub.s32 $0x0, s20;
	[sflag:s22] =	ssyncset.done $0x0  }
0xa0: {  	[sflag:s22] =	ssyncadd.s32 s3;
	_ =	sdelay $0x1  }
0xa1: {  	s23 =	simm.s32 $0x1B8B  }
0xa2: {  	_ =	swait.ge [sflag:s23], $0x1  }
0xa3: {  	[sflag:s23] =	ssyncset.done $0x0  }
0xa4: {  	s25 =	simm.s32 $0x1B8E;
	s24 =	sld [smem:$0x3FFE];
	[sflag:s23] =	ssyncadd.s32 $0xFFFFFFFF  }
0xa5: {  	s26 =	simm.s32 $execute0_lowered;
	[smem:$0x3FD2] =	sst s25  }
0xa6: {  	s4 =	sshll.u32 s26, $0x1;
	_ =	strace $0x8000004C;
	[dreg:$0x1] =	wrdreg $0xFFFFFFFF  }
0xa7: {  	s28 =	simm.s32 $_size_execute0_lowered;
	s2 =	sadd.s32 s2, s4;
	[dreg:$0x0] =	wrdreg $0x0  }
0xa8: {  	s4 =	sshll.u32 s28, $0x1;
	[dreg:$0x2] =	wrdreg s2  }
0xa9: {  	[dreg:$0x3] =	wrdreg s4  }
0xaa: {  	[dreg:$0x4] =	wrdreg $0xC0  }
0xab: {  	_ =	task [dreg:s6], $0x5FFFF  }
0xac: {  	[dreg:$0x1] =	wrdreg $0xFFFFFFFF  }
0xad: {  	[dreg:$0x0] =	wrdreg $0x60  }
0xae: {  	[dreg:$0x2] =	wrdreg s24  }
0xaf: {  	[dreg:$0x3] =	wrdreg $0xB8000  }
0xb0: {  	[dreg:$0x4] =	wrdreg $0x9  }
0xb1: {  	_ =	task.clear_ibuf [dreg:s6], $0x5FFFF;
	_ =	strace $0x9000004C  }
0xb2: {  	s29 =	simm.s32 $0x9;
	_ =	strace $0x8000004E  }
0xb3: {  	_ =	swait.ge [sflag:s29], $0x1  }
0xb4: {  	[sflag:s29] =	ssyncadd.s32 $0xFFFFFFFF  }
0xb5: {  	_ =	strace $0x9000004E  }
0xb6: {  	_ =	sfence  }
0xb7: {  	s30 =	sld [smem:$0x0];
	_ =	sdelay $0x2  }
0xb8: {  	s31 =	sshll.u32 s1, $0xD;
	s1 =	sshrl.u32 s1, $0x2  }
0xb9: {  	s3 =	sand.u32 $0x4000, s31;
	s1 =	sadd.s32 s1, s30  }
0xba: {  	s0 =	sor.u32 s3, s0;
	s1 =	sshll.u32 s1, $0x11  }
0xbb: {  	s0 =	sor.u32 s1, s0  }
0xbc: {  	s0 =	sadd.s32 $0x8F2B, s0  }
0xbd: {  	[sflag:s0] =	ssyncadd.remote.s32 $0x1  }
0xbe: {  	_ =	sfence.sel $0xFFFF  }
0xbf: {  	[dreg:$0x0] =	wrdreg $0xFFFFFFFF;
	(pc) =	sbr.abs _section_cstart, $3  }
0xc0: {  	[dreg:$0x1] =	wrdreg $0xFFFFFFFF  }
0xc1: {  	_ =	task.clear_ibuf [dreg:s6], $0x2FFFF;
	_ =	strace $0x9FFFFFFF  }
0xc2: {  	(tm) =	ssettm $0x7FFFFFFF  }
0xc3: {  	_ =	shalt  }
tec
execute0_lowered:
.L_overlay_start_1:
0x0: {  	(tag) =	ssettag $0x1  }
0x1: {  	s0 =	rddreg [dreg:$0x0]  }
0x2: {  	s1 =	rddreg [dreg:$0x1];
	s2 =	srdreg.scid;
	s4 =	simm.s32 $0x0  }
0x3: {  	s3 =	stileid.u32;
	s21 =	simm.s32 $0x4000;
	s22 =	simm.s32 $0x4  }
0x4: {  	s23 =	simm.s32 $0x3;
	s24 =	simm.s32 $0x50;
	s25 =	simm.s32 $0x6800  }
0x5: {  	s26 =	simm.s32 $0x1;
	s28 =	simm.s32 $0x2;
	s7 =	smul.u32 $0x14000, s3  }
0x6: {  	s29 =	simm.s32 $0x0;
	s2 =	sand.u32 $0x1, s2;
	s9 =	smul.u32 $0x50000, s3  }
0x7: {  	[smem:$0x7FF] =	sst s4;
	s4 =	sadd.s32 $0x29E00, s0;
	s6 =	smul.u32 $0x140000, s2  }
0x8: {  	s5 =	sshll.u32 s2, $0x4;
	_ =	strace $0x8000004D;
	s2 =	ssub.s32 $0x2, s2  }
0x9: {  	s8 =	sor.u32 s3, s5;
	s5 =	sadd.s32 $0x15E00, s0;
	s31 =	sshrl.u32 s2, $0x1  }
0xa: {  	s11 =	sshrl.u32 s9, $0x2;
	s7 =	sadd.s32 s7, s6;
	s6 =	smul.u32 $0x5000, s8  }
0xb: {  	s2 =	ssub.s32 s2, s31;
	s30 =	sshrl.u32 s7, $0x3;
	s7 =	sadd.s32 $0x1E00, s0  }
.Ltmp0:
0xc: {  	s0 =	sadd.s32 s30, s0;
	s10 =	sshrl.u32 s6, $0x3;
	(pc) =	sbr.rel .LBB2_1-.Ltmp0, $4  }
0xd: {  	s8 =	sadd.s32 s5, s10;
	s9 =	sadd.s32 s7, s10;
	s10 =	sadd.s32 s11, s1  }
0xe: {  	s19 =	smax.u32 s2, $0x1;
	s18 =	sadd.s32 $0xC9E00, s0;
	s11 =	sadd.s32 $0x2800, s10  }
0xf: {  	s12 =	sadd.s32 $0x5000, s10;
	s13 =	sadd.s32 $0x7800, s10;
	s14 =	sadd.s32 $0xA000, s10  }
0x10: {  	v0 =	vimm.f32 $0.0e+00;
	s15 =	sadd.s32 $0xC800, s10;
	s16 =	sadd.s32 $0xF000, s10;
	s17 =	sadd.s32 $0x11800, s10  }
.LBB2_8:
0x11: {  	s0 =	stileid.u32;
	s29 =	sadd.s32 $0x1, s29  }
0x12: {  	[bflag:$0x0] =	sbarrier.arrive $0xFFFF;
	s0 =	sshll.u32 s0, $0x6;
	p0 =	sne.s32 s29, s19  }
.Ltmp1:
0x13: {  	s2 =	sshrl.u32 s10, $0x3;
	s0 =	sor.u32 $0x1C04, s0;
	(pc) =	sbr.rel @!p0 .LBB2_9-.Ltmp1, $4  }
0x14: {  	[hbm:s18], [sflag:s0] =	dma.local [spmem:s2], $0x2800  }
0x15: {  	_ =	swait.ge [sflag:s22], $0x2800  }
0x16: {  	[sflag:s22] =	ssyncset.done $0x0  }
0x17: {  	[sflag:s22] =	ssyncadd.s32 $0xFFFFD800  }
.LBB2_1:
0x18: {  	s0 =	simm.s32 $0x0  }
0x19: {  	[tilespmem:s0], [sflag:$0x3] =	stream.linear.gather [hbm4b:s8+s0], $0xC80, $0x38;
	[tilespmem:$0x1F800] =	vst v63  }
0x1a: {  	s2 =	simm.s32 $0x2000  }
0x1b: {  	[tilespmem:s2], [sflag:$0x3] =	stream.linear.gather [hbm4b:s9+s0], $0xC80, $0x38;
	[tilespmem:$0x1F800] =	vst v63  }
0x1c: {  	s0 =	simm.s32 $0x0;
	s2 =	simm.s32 $0x200  }
.LBB2_2:
0x1d: {  	p0 =	sne.s32 s2, $0x9E00;
	[tilespmem:s0+$0x4070] =	vst v0  }
0x1e: {  	[tilespmem:s0+$0x4000] =	vst v0  }
0x1f: {  	[tilespmem:s0+$0x4010] =	vst v0  }
.Ltmp2:
0x20: {  	[tilespmem:s0+$0x4020] =	vst v0;
	(pc) =	sbr.rel @p0 .LBB2_2-.Ltmp2, $4  }
0x21: {  	[tilespmem:s0+$0x4030] =	vst v0  }
0x22: {  	[tilespmem:s0+$0x4040] =	vst v0  }
0x23: {  	[tilespmem:s0+$0x4050] =	vst v0  }
0x24: {  	[tilespmem:s0+$0x4060] =	vst v0;
	s0 =	sshra.s32 s2, $0x2;
	s2 =	sadd.s32 $0x200, s2  }
0x25: {  	[tilespmem:s0+$0x4070] =	vst v0  }
0x26: {  	[tilespmem:s0+$0x4000] =	vst v0  }
0x27: {  	[tilespmem:s0+$0x4010] =	vst v0  }
0x28: {  	[tilespmem:s0+$0x4020] =	vst v0  }
0x29: {  	[tilespmem:s0+$0x4030] =	vst v0  }
0x2a: {  	[tilespmem:s0+$0x4040] =	vst v0  }
0x2b: {  	[tilespmem:s0+$0x4050] =	vst v0  }
0x2c: {  	[tilespmem:s0+$0x4060] =	vst v0  }
0x2d: {  	[spmem:s10] =	stream.linear.scatter [tilespmem:s21], [sflag:$0x4], $0x2800, $0x38;
	[tilespmem:$0x1F800] =	vst v63  }
0x2e: {  	_ =	swait.ge [sflag:s22], $0x2800  }
0x2f: {  	[sflag:s22] =	ssyncset.done $0x0  }
0x30: {  	[sflag:s22] =	ssyncadd.s32 $0xFFFFD800  }
0x31: {  	[spmem:s11] =	stream.linear.scatter [tilespmem:s21], [sflag:$0x4], $0x2800, $0x38;
	[tilespmem:$0x1F800] =	vst v63  }
0x32: {  	_ =	swait.ge [sflag:s22], $0x2800  }
0x33: {  	[sflag:s22] =	ssyncset.done $0x0  }
0x34: {  	[sflag:s22] =	ssyncadd.s32 $0xFFFFD800  }
0x35: {  	[spmem:s12] =	stream.linear.scatter [tilespmem:s21], [sflag:$0x4], $0x2800, $0x38;
	[tilespmem:$0x1F800] =	vst v63  }
0x36: {  	_ =	swait.ge [sflag:s22], $0x2800  }
0x37: {  	[sflag:s22] =	ssyncset.done $0x0  }
0x38: {  	[sflag:s22] =	ssyncadd.s32 $0xFFFFD800  }
0x39: {  	[spmem:s13] =	stream.linear.scatter [tilespmem:s21], [sflag:$0x4], $0x2800, $0x38;
	[tilespmem:$0x1F800] =	vst v63  }
0x3a: {  	_ =	swait.ge [sflag:s22], $0x2800  }
0x3b: {  	[sflag:s22] =	ssyncset.done $0x0  }
0x3c: {  	[sflag:s22] =	ssyncadd.s32 $0xFFFFD800  }
0x3d: {  	[spmem:s14] =	stream.linear.scatter [tilespmem:s21], [sflag:$0x4], $0x2800, $0x38;
	[tilespmem:$0x1F800] =	vst v63  }
0x3e: {  	_ =	swait.ge [sflag:s22], $0x2800  }
0x3f: {  	[sflag:s22] =	ssyncset.done $0x0  }
0x40: {  	[sflag:s22] =	ssyncadd.s32 $0xFFFFD800  }
0x41: {  	[spmem:s15] =	stream.linear.scatter [tilespmem:s21], [sflag:$0x4], $0x2800, $0x38;
	[tilespmem:$0x1F800] =	vst v63  }
0x42: {  	_ =	swait.ge [sflag:s22], $0x2800  }
0x43: {  	[sflag:s22] =	ssyncset.done $0x0  }
0x44: {  	[sflag:s22] =	ssyncadd.s32 $0xFFFFD800  }
0x45: {  	[spmem:s16] =	stream.linear.scatter [tilespmem:s21], [sflag:$0x4], $0x2800, $0x38;
	[tilespmem:$0x1F800] =	vst v63  }
0x46: {  	_ =	swait.ge [sflag:s22], $0x2800  }
0x47: {  	[sflag:s22] =	ssyncset.done $0x0  }
0x48: {  	[sflag:s22] =	ssyncadd.s32 $0xFFFFD800  }
0x49: {  	[spmem:s17] =	stream.linear.scatter [tilespmem:s21], [sflag:$0x4], $0x2800, $0x38;
	[tilespmem:$0x1F800] =	vst v63  }
0x4a: {  	_ =	swait.ge [sflag:s22], $0x2800  }
0x4b: {  	[sflag:s22] =	ssyncset.done $0x0  }
0x4c: {  	[sflag:s22] =	ssyncadd.s32 $0xFFFFD800  }
0x4d: {  	_ =	swait.ge [sflag:s23], $0xC80  }
0x4e: {  	[sflag:s23] =	ssyncset.done $0x0  }
0x4f: {  	[sflag:s23] =	ssyncadd.s32 $0xFFFFF380  }
0x50: {  	_ =	swait.ge [sflag:s23], $0xC80  }
0x51: {  	[sflag:s23] =	ssyncset.done $0x0  }
0x52: {  	[sflag:s23] =	ssyncadd.s32 $0xFFFFF380  }
0x53: {  	s30 =	simm.s32 $0x0;
	[bflag:$0x0] =	sbarrier.arrive $0xFFFF  }
.LBB2_4:
0x54: {  	s0 =	smov.u32 s30  }
0x55: {  	s30 =	sadd.s32 $0x1, s30;
	p0 =	seq.s32 s0, $0x4  }
0x56: {  	s2 =	sshll.u32 @!p0 s30, $0xC  }
0x57: {  	s0 =	sshll.u32 @!p0 s0, $0xC;
	s2 =	sadd.s32 @!p0 s6, s2  }
0x58: {  	s0 =	sand.u32 @!p0 $0x1000, s0;
	s2 =	sshrl.u32 @!p0 s2, $0x3  }
0x59: {  	s3 =	simm.s32 @!p0 $0x0;
	s31 =	sxor.u32 @!p0 $0x1000, s0;
	s20 =	sadd.s32 @!p0 s5, s2  }
0x5a: {  	[tilespmem:s31], [sflag:$0x3] =	stream.linear.gather @!p0 [hbm4b:s20+s3], $0xC80, $0x38;
	[tilespmem:$0x1F800] =	vst v63  }
0x5b: {  	s0 =	simm.s32 @p0 $0x0;
	s2 =	sadd.s32 @!p0 s7, s2;
	s20 =	sor.u32 @!p0 $0x2000, s31  }
0x5c: {  	[tilespmem:s20], [sflag:$0x3] =	stream.linear.gather @!p0 [hbm4b:s2+s3], $0xC80, $0x38;
	[tilespmem:$0x1F800] =	vst v63  }
0x5d: {  	s31 =	sor.u32 $0x2000, s0  }
0x5e: {  	[tilespmem:s21], [sflag:$0x1] =	stream.indirect.gather [hbm4b:s4+s24], $0x80, s0, s24, $0xb8;
	[tilespmem:$0x1F800] =	vst v63  }
0x5f: {  	s20 =	sadd.s32 $0x80, s0;
	s2 =	simm.s32 $0x0;
	s0 =	sadd.s32 $0x100, s0  }
0x60: {  	[tilespmem:s25], [sflag:$0x1] =	stream.indirect.gather [hbm4b:s4+s24], $0x80, s20, s24, $0xb8;
	[tilespmem:$0x1F800] =	vst v63  }
.LBB2_5:
0x61: {  	p1 =	seq.s32 s2, $0x0  }
0x62: {  	s3 =	simm.s32 @!p1 $0x2  }
0x63: {  	p2 =	sgt.u32 @!p1 s2, $0x16;
	_ =	swait.ge @!p1 [sflag:s3], $0x2800  }
0x64: {  	p2 =	por p1, !p2;
	[sflag:s3] =	ssyncset.done @!p1 $0x0  }
0x65: {  	[sflag:s3] =	ssyncadd.s32 @!p1 $0xFFFFD800;
	s3 =	sadd.s32 @p2 $0x2, s2  }
0x66: {  	s20 =	smul.u32 @p2 $0xAB, s3;
	_ =	sdelay $0x1  }
0x67: {  	s20 =	sshrl.u32 @p2 s20, $0x9  }
0x68: {  	s20 =	sand.u32 @p2 $0x7F, s20  }
0x69: {  	s20 =	smul.u32 @p2 $0x3, s20;
	_ =	sdelay $0x1  }
0x6a: {  	s3 =	ssub.s32 @p2 s3, s20  }
0x6b: {  	s3 =	sand.u32 @p2 $0xFF, s3  }
0x6c: {  	s3 =	smul.u32 @p2 $0xA000, s3;
	_ =	sdelay $0x1  }
0x6d: {  	s3 =	sshrl.u32 @p2 s3, $0x2  }
0x6e: {  	s20 =	smul.u32 $0xAB, s2;
	s3 =	sadd.s32 @p2 $0x4000, s3  }
0x6f: {  	[tilespmem:s3], [sflag:$0x1] =	stream.indirect.gather @p2 [hbm4b:s4+s24], $0x80, s0, s24, $0xb8;
	[tilespmem:$0x1F800] =	vst v63  }
0x70: {  	s3 =	sshrl.u32 s20, $0x9  }
0x71: {  	s3 =	sand.u32 $0x7F, s3  }
0x72: {  	s3 =	smul.u32 $0x3, s3;
	_ =	sdelay $0x1  }
0x73: {  	s3 =	ssub.s32 s2, s3  }
0x74: {  	s2 =	sadd.s32 $0x1, s2;
	s3 =	sand.u32 $0xFF, s3  }
0x75: {  	p1 =	sne.s32 s2, $0x19;
	s3 =	smul.u32 $0xA000, s3  }
.Ltmp3:
0x76: {  	_ =	swait.ge [sflag:s26], $0x2800;
	(pc) =	sbr.rel @p1 .LBB2_5-.Ltmp3, $4  }
0x77: {  	[sflag:s26] =	ssyncset.done $0x0;
	s3 =	sshrl.u32 s3, $0x2  }
0x78: {  	[sflag:s26] =	ssyncadd.s32 $0xFFFFD800;
	s3 =	sadd.s32 $0x4000, s3  }
0x79: {  	[spmem:s1] =	stream.indirect.scatter.add.f32 [tilespmem:s3], [sflag:$0x2], $0x80, s31, s24, $0xb8;
	[tilespmem:$0x1F800] =	vst v63  }
0x7a: {  	s0 =	sadd.s32 $0x80, s0;
	s31 =	sadd.s32 $0x80, s31  }
.Ltmp4:
0x7b: {  	(pc) =	sbr.rel @p0 .LBB2_8-.Ltmp4, $4  }
0x7c: {  	_ = 	snop  }
0x7d: {  	_ =	swait.ge [sflag:s28], $0x2800  }
0x7e: {  	[sflag:s28] =	ssyncset.done $0x0  }
0x7f: {  	[sflag:s28] =	ssyncadd.s32 $0xFFFFD800  }
0x80: {  	_ =	swait.ge [sflag:s23], $0xC80  }
.Ltmp5:
0x81: {  	[sflag:s23] =	ssyncset.done $0x0;
	(pc) =	sbr.rel .LBB2_4-.Ltmp5, $4  }
0x82: {  	[sflag:s23] =	ssyncadd.s32 $0xFFFFF380  }
0x83: {  	_ =	swait.ge [sflag:s23], $0xC80  }
0x84: {  	[sflag:s23] =	ssyncset.done $0x0  }
0x85: {  	[sflag:s23] =	ssyncadd.s32 $0xFFFFF380  }
.LBB2_9:
0x86: {  	_ =	sfence.sel $0x180000  }
0x87: {  	[bflag:$0x0] =	sbarrier.arrive $0xFFFF  }
0x88: {  	_ =	strace $0x9000004D  }
0x89: {  	s0 =	stileid.u32;
	[bflag:$0x2] =	sbarrier.arrive $0xFFFF  }
0x8a: {  	p0 =	sne.s32 s0, $0x0;
	s0 =	rddreg [dreg:$0x2]  }
0x8b: {  	s0 =	sadd.s32 @!p0 $0x100000, s0  }
0x8c: {  	[sflag:s0] =	ssyncadd.tile.s32 @!p0 $0x1;
	_ =	shalt  }
.Lfunc_end2:
_tile_overlayer_lowered:
.L_overlay_start_2:
0x8d: {  	(tag) =	ssettag $0x2  }
0x8e: {  	s0 =	rddreg [dreg:$0x0];
	s2 =	stileid.u32  }
0x8f: {  	s1 =	rddreg [dreg:$0x1];
	p0 =	sne.s32 s2, $0x0  }
0x90: {  	s3 =	rddreg [dreg:$0x2];
	[bflag:$0x3] =	sbarrier.arrive $0xFFFF;
	s2 =	simm.s32 @!p0 $0x1C04  }
0x91: {  	[timem:s3], [sflag:s2] =	dma.local @!p0 [hbm:s0], s1  }
0x92: {  	s0 =	simm.s32 @!p0 $0x4  }
0x93: {  	_ =	swait.ge @!p0 [sflag:s0], s1  }
0x94: {  	s1 =	ssub.s32 @!p0 $0x0, s1;
	[sflag:s0] =	ssyncset.done @!p0 $0x0  }
0x95: {  	[sflag:s0] =	ssyncadd.s32 @!p0 s1  }
0x96: {  	[bflag:$0x3] =	sbarrier.arrive $0xFFFF  }
0x97: {  	_ =	shalt  }

// kernel: kernel.7.cloned.1.call-start
scs
__scs_entry_jumppad:
0x0: {  	(pc) =	sbr.rel $0x88, $3  }
0x1: {  	(tag) =	ssettag $0x0;
	lr =	simm.s32 $0x1  }
0x2: {  	[smem:$0x3F99] =	sst lr;
	_ =	strace $0xD0000000  }
0x3: {  	_ = 	snop  }
0x4: {  	_ = 	snop  }
0x5: {  	_ = 	snop  }
0x6: {  	_ = 	snop  }
0x7: {  	_ = 	snop  }
__scs_overlays_trampoline_lowered:
0x8: {  	[smem:$0x3FA8] =	sst s0  }
0x9: {  	[smem:$0x3FA9] =	sst s1  }
0xa: {  	[smem:$0x3FAA] =	sst s2  }
0xb: {  	[smem:$0x3FAB] =	sst s3  }
0xc: {  	[smem:$0x3FAC] =	sst s4  }
0xd: {  	[smem:$0x3FAD] =	sst s5  }
0xe: {  	[smem:$0x3FAE] =	sst s6  }
0xf: {  	[smem:$0x3FAF] =	sst s7  }
0x10: {  	[smem:$0x3FB0] =	sst s8  }
0x11: {  	[smem:$0x3FB1] =	sst s9;
	s0 =	simm.s32 @!p0 $0x0  }
0x12: {  	s1 =	sld [smem:$0x3F97];
	s0 =	simm.s32 @p0 $0x1  }
0x13: {  	[smem:$0x3FB2] =	sst s0;
	s0 =	simm.s32 @!p1 $0x0  }
0x14: {  	s2 =	sld [smem:$0x3F96];
	s0 =	simm.s32 @p1 $0x1  }
0x15: {  	[smem:$0x3FB3] =	sst s0;
	s0 =	simm.s32 @!p2 $0x0  }
0x16: {  	s3 =	sld [smem:$0x3FDB];
	s0 =	simm.s32 @p2 $0x1  }
0x17: {  	s4 =	simm.s32 $0x1BF5;
	[smem:$0x3FB5] =	sst s0  }
0x18: {  	s0 =	sld [smem:$0x3F98];
	_ =	swait.ge [sflag:s4], $0x0  }
0x19: {  	s7 =	sld [smem:$0x3F99]  }
0x1a: {  	s8 =	sadd.s32 $0xFFFFE003, lr  }
0x1b: {  	s9 =	sadd.s32 $0xFFFFFEF7, lr;
	s5 =	simm.s32 $0xFFFFFFFF;
	p2 =	slt.u32 s8, $0xFFFFF086  }
0x1c: {  	p1 =	slt.u32 s9, $0xF7A;
	s5 =	simm.s32 @!p2 $0x0  }
0x1d: {  	s5 =	simm.s32 @p1 $0x1;
	p0 =	seq.s32 s7, s2  }
0x1e: {  	s7 =	smul.u32 @!p0 $0xF7A, s2;
	p2 =	seq.s32 @!p0 s5, $0x0  }
0x1f: {  	s9 =	smul.u32 $0xF7A, s1;
	s8 =	simm.s32 @!p0 $0x1BF5;
	p2 =	por !p2, p0  }
0x20: {  	[sflag:s8] =	ssyncset.s32 @!p0 $0xFFFFF086;
	s6 =	sadd.s32 @!p0 s3, s7;
	s7 =	simm.s32 @!p0 $0x108  }
0x21: {  	s3 =	sadd.s32 s3, s9;
	s6 =	sadd.s32 @!p0 $0x88, s6;
	s7 =	simm.s32 @p2 $0x1082  }
0x22: {  	[simem:s7], [sflag:s8] =	dma.local @!p0 [hbm:s6], $0xF7A  }
0x23: {  	s9 =	sor.u32 $0xD0000000, s2;
	s6 =	simm.s32 $0x108;
	_ =	swait.ge @!p0 [sflag:s8], $0x0  }
0x24: {  	s3 =	sadd.s32 $0x88, s3;
	s6 =	simm.s32 @!p1 $0x1082;
	[sflag:s4] =	ssyncset.s32 $0xFFFFF086  }
0x25: {  	[simem:s6], [sflag:s4] =	dma.local [hbm:s3], $0xF7A  }
0x26: {  	[smem:$0x3F99] =	sst s1;
	(tag) =	ssettag s2;
	_ =	strace s9  }
0x27: {  	s1 =	sld [smem:$0x3FA9]  }
0x28: {  	s2 =	sld [smem:$0x3FAA]  }
0x29: {  	s4 =	sld [smem:$0x3FAC]  }
0x2a: {  	p0 =	seq.s32 s5, $0x0;
	s5 =	sld [smem:$0x3FAD]  }
0x2b: {  	s6 =	sld [smem:$0x3FAE]  }
0x2c: {  	s7 =	sld [smem:$0x3FAF]  }
0x2d: {  	s3 =	simm.s32 $0x108;
	s8 =	sld [smem:$0x3FB0]  }
0x2e: {  	s3 =	simm.s32 @!p0 $0x1082;
	s9 =	sld [smem:$0x3FB1]  }
0x2f: {  	lr =	sadd.s32 s0, s3;
	s0 =	sld [smem:$0x3FA8]  }
0x30: {  	s3 =	sld [smem:$0x3FAB]  }
0x31: {  	[smem:$0x3FB4] =	sst s10  }
0x32: {  	s10 =	sld [smem:$0x3FB2];
	_ =	sdelay $0x3  }
0x33: {  	p0 =	seq.s32 s10, $0x1;
	s10 =	sld [smem:$0x3FB4];
	_ =	sdelay $0x3  }
0x34: {  	[smem:$0x3FB4] =	sst s10  }
0x35: {  	s10 =	sld [smem:$0x3FB3];
	_ =	sdelay $0x3  }
0x36: {  	p1 =	seq.s32 s10, $0x1;
	s10 =	sld [smem:$0x3FB4];
	_ =	sdelay $0x3  }
0x37: {  	[smem:$0x3FB4] =	sst s10  }
0x38: {  	s10 =	sld [smem:$0x3FB5]  }
0x39: {  	_ = 	snop;
	(pc) =	sbr.ind lr, $3  }
0x3a: {  	_ = 	snop  }
0x3b: {  	_ = 	snop  }
0x3c: {  	p2 =	seq.s32 s10, $0x1;
	s10 =	sld [smem:$0x3FB4]  }
0x3d: {  	_ =	shalt  }
0x3e: {  	_ =	shalt  }
0x3f: {  	_ =	shalt  }
0x40: {  	_ =	shalt  }
0x41: {  	_ =	shalt  }
0x42: {  	_ =	shalt  }
0x43: {  	_ =	shalt  }
0x44: {  	_ =	shalt  }
0x45: {  	_ =	shalt  }
0x46: {  	_ =	shalt  }
0x47: {  	_ =	shalt  }
0x48: {  	_ =	shalt  }
0x49: {  	_ =	shalt  }
0x4a: {  	_ =	shalt  }
0x4b: {  	_ =	shalt  }
0x4c: {  	_ =	shalt  }
0x4d: {  	_ =	shalt  }
0x4e: {  	_ =	shalt  }
0x4f: {  	_ =	shalt  }
0x50: {  	_ =	shalt  }
0x51: {  	_ =	shalt  }
0x52: {  	_ =	shalt  }
0x53: {  	_ =	shalt  }
0x54: {  	_ =	shalt  }
0x55: {  	_ =	shalt  }
0x56: {  	_ =	shalt  }
0x57: {  	_ =	shalt  }
0x58: {  	_ =	shalt  }
0x59: {  	_ =	shalt  }
0x5a: {  	_ =	shalt  }
0x5b: {  	_ =	shalt  }
0x5c: {  	_ =	shalt  }
0x5d: {  	_ =	shalt  }
0x5e: {  	_ =	shalt  }
0x5f: {  	_ =	shalt  }
0x60: {  	_ =	shalt  }
0x61: {  	_ =	shalt  }
0x62: {  	_ =	shalt  }
0x63: {  	_ =	shalt  }
0x64: {  	_ =	shalt  }
0x65: {  	_ =	shalt  }
0x66: {  	_ =	shalt  }
0x67: {  	_ =	shalt  }
0x68: {  	_ =	shalt  }
0x69: {  	_ =	shalt  }
0x6a: {  	_ =	shalt  }
0x6b: {  	_ =	shalt  }
0x6c: {  	_ =	shalt  }
0x6d: {  	_ =	shalt  }
0x6e: {  	_ =	shalt  }
0x6f: {  	_ =	shalt  }
0x70: {  	_ =	shalt  }
0x71: {  	_ =	shalt  }
0x72: {  	_ =	shalt  }
0x73: {  	_ =	shalt  }
0x74: {  	_ =	shalt  }
0x75: {  	_ =	shalt  }
0x76: {  	_ =	shalt  }
0x77: {  	_ =	shalt  }
0x78: {  	_ =	shalt  }
0x79: {  	_ =	shalt  }
0x7a: {  	_ =	shalt  }
0x7b: {  	_ =	shalt  }
0x7c: {  	_ =	shalt  }
0x7d: {  	_ =	shalt  }
0x7e: {  	_ =	shalt  }
0x7f: {  	_ =	shalt  }
0x80: {  	_ =	shalt  }
0x81: {  	_ =	shalt  }
0x82: {  	_ =	shalt  }
0x83: {  	_ =	shalt  }
0x84: {  	_ =	shalt  }
0x85: {  	_ =	shalt  }
0x86: {  	_ =	shalt  }
0x87: {  	_ =	shalt  }
.Lfunc_end0:
.L_simem_size_0:
called_computation_lowered:
.L_overlay_start_0:
0x88: {  	s2 =	sld [smem:$0x3FD9]  }
0x89: {  	s3 =	sld [smem:$0x3FFE];
	_ =	sdelay $0x1  }
0x8a: {  	s1 =	srdreg.scid  }
0x8b: {  	s0 =	sand.u32 $0x1, s1  }
0x8c: {  	s17 =	sshll.u32 s0, $0xA;
	s2 =	sadd.s32 s3, s2  }
0x8d: {  	s2 =	sadd.s32 s2, s17  }
0x8e: {  	[smem:$0x3FC0] =	sst s2  }
0x8f: {  	_ = 	snop  }
0x90: {  	s2 =	sld [smem:$0x3FC9];
	(tm) =	ssettm $0x1  }
0x91: {  	s18 =	sld [smem:$0x3FFB];
	_ =	sdelay $0x3  }
0x92: {  	_ =	strace s18  }
0x93: {  	s3 =	sld [smem:$0x3FFC];
	_ =	sdelay $0x3  }
0x94: {  	_ =	strace s3  }
0x95: {  	s3 =	sld [smem:$0x3FFD];
	_ =	sdelay $0x3  }
0x96: {  	_ =	strace s3  }
0x97: {  	_ =	strace $0x8FFFFFFF  }
0x98: {  	s19 =	sld [smem:$0x3FDB];
	_ =	sdelay $0x1  }
0x99: {  	s4 =	simm.s32 $_scs_section_size  }
0x9a: {  	s5 =	simm.s32 $_size__tile_overlayer_lowered;
	s6 =	simm.s32 $_tile_overlayer_lowered  }
0x9b: {  	s22 =	simm.s32 $0x1BFF;
	s21 =	sshll.u32 s6, $0x1;
	s3 =	sadd.s32 s4, s19  }
0x9c: {  	s7 =	simm.s32 $0x0;
	s20 =	sshll.u32 s5, $0x1;
	s5 =	sadd.s32 s21, s3  }
0x9d: {  	[timem:s7], [sflag:s22] =	dma.local [hbm:s5], s20  }
0x9e: {  	_ =	swait.ge [sflag:s22], s20  }
0x9f: {  	s4 =	ssub.s32 $0x0, s20;
	[sflag:s22] =	ssyncset.done $0x0  }
0xa0: {  	[sflag:s22] =	ssyncadd.s32 s4;
	_ =	sdelay $0x1  }
0xa1: {  	s23 =	simm.s32 $0x1B8B  }
0xa2: {  	_ =	swait.ge [sflag:s23], $0x1  }
0xa3: {  	[sflag:s23] =	ssyncset.done $0x0  }
0xa4: {  	s25 =	simm.s32 $0x1B8E;
	s24 =	sld [smem:$0x3FFE];
	[sflag:s23] =	ssyncadd.s32 $0xFFFFFFFF  }
0xa5: {  	s26 =	simm.s32 $execute0_lowered;
	[smem:$0x3FD2] =	sst s25  }
0xa6: {  	s5 =	sshll.u32 s26, $0x1;
	_ =	strace $0x80000046;
	[dreg:$0x1] =	wrdreg $0xFFFFFFFF  }
0xa7: {  	s28 =	simm.s32 $_size_execute0_lowered;
	s3 =	sadd.s32 s3, s5;
	[dreg:$0x0] =	wrdreg $0x0  }
0xa8: {  	s5 =	sshll.u32 s28, $0x1;
	[dreg:$0x2] =	wrdreg s3  }
0xa9: {  	[dreg:$0x3] =	wrdreg s5  }
0xaa: {  	[dreg:$0x4] =	wrdreg $0xC0  }
0xab: {  	_ =	task [dreg:s7], $0x5FFFF  }
0xac: {  	[dreg:$0x1] =	wrdreg $0xFFFFFFFF  }
0xad: {  	[dreg:$0x0] =	wrdreg $0x60  }
0xae: {  	[dreg:$0x2] =	wrdreg s2  }
0xaf: {  	[dreg:$0x3] =	wrdreg s24  }
0xb0: {  	[dreg:$0x4] =	wrdreg $0xB8000  }
0xb1: {  	[dreg:$0x5] =	wrdreg $0x9  }
0xb2: {  	_ =	task.clear_ibuf [dreg:s7], $0x6FFFF;
	_ =	strace $0x90000046  }
0xb3: {  	s29 =	simm.s32 $0x9;
	_ =	strace $0x80000048  }
0xb4: {  	_ =	swait.ge [sflag:s29], $0x1  }
0xb5: {  	[sflag:s29] =	ssyncadd.s32 $0xFFFFFFFF  }
0xb6: {  	_ =	strace $0x90000048  }
0xb7: {  	_ =	sfence  }
0xb8: {  	s30 =	sld [smem:$0x0];
	_ =	sdelay $0x2  }
0xb9: {  	s31 =	sshll.u32 s1, $0xD;
	s1 =	sshrl.u32 s1, $0x2  }
0xba: {  	s3 =	sand.u32 $0x4000, s31;
	s1 =	sadd.s32 s1, s30  }
0xbb: {  	s0 =	sor.u32 s3, s0;
	s1 =	sshll.u32 s1, $0x11  }
0xbc: {  	s0 =	sor.u32 s1, s0  }
0xbd: {  	s0 =	sadd.s32 $0x8F2B, s0  }
0xbe: {  	[sflag:s0] =	ssyncadd.remote.s32 $0x1  }
0xbf: {  	_ =	sfence.sel $0xFFFF  }
0xc0: {  	[dreg:$0x0] =	wrdreg $0xFFFFFFFF;
	(pc) =	sbr.abs _section_cstart, $3  }
0xc1: {  	[dreg:$0x1] =	wrdreg $0xFFFFFFFF  }
0xc2: {  	_ =	task.clear_ibuf [dreg:s7], $0x2FFFF;
	_ =	strace $0x9FFFFFFF  }
0xc3: {  	(tm) =	ssettm $0x7FFFFFFF  }
tec
execute0_lowered:
.L_overlay_start_1:
0x0: {  	(tag) =	ssettag $0x1  }
0x1: {  	s1 =	rddreg [dreg:$0x0]  }
0x2: {  	s0 =	rddreg [dreg:$0x1]  }
0x3: {  	s2 =	rddreg [dreg:$0x2];
	s3 =	srdreg.scid  }
0x4: {  	s5 =	simm.s32 $0x0;
	s4 =	stileid.u32;
	s21 =	simm.s32 $0x4000  }
0x5: {  	s22 =	simm.s32 $0x4;
	s23 =	simm.s32 $0x3;
	s24 =	simm.s32 $0x50  }
0x6: {  	s25 =	simm.s32 $0x6800;
	s28 =	simm.s32 $0x2;
	s7 =	smul.u32 $0x14000, s4  }
0x7: {  	s29 =	simm.s32 $0x0;
	s3 =	sand.u32 $0x1, s3;
	s9 =	smul.u32 $0x50000, s4  }
0x8: {  	[smem:$0x7FF] =	sst s5;
	s5 =	sadd.s32 $0x15E00, s0;
	s6 =	smul.u32 $0x140000, s3  }
0x9: {  	s26 =	sshll.u32 s3, $0x4;
	_ =	strace $0x80000047;
	s3 =	ssub.s32 $0x2, s3  }
0xa: {  	s8 =	sor.u32 s4, s26;
	s31 =	sshrl.u32 s3, $0x1;
	s11 =	sshrl.u32 s9, $0x2  }
0xb: {  	s26 =	simm.s32 $0x1;
	s7 =	sadd.s32 s7, s6;
	s6 =	smul.u32 $0x5000, s8  }
0xc: {  	s3 =	ssub.s32 s3, s31;
	s30 =	sshrl.u32 s7, $0x3;
	s7 =	sadd.s32 $0x1E00, s0  }
.Ltmp0:
0xd: {  	s0 =	sadd.s32 s30, s0;
	s10 =	sshrl.u32 s6, $0x3;
	(pc) =	sbr.rel .LBB2_1-.Ltmp0, $4  }
0xe: {  	s8 =	sadd.s32 s5, s10;
	s9 =	sadd.s32 s7, s10;
	s10 =	sadd.s32 s11, s2  }
0xf: {  	s19 =	smax.u32 s3, $0x1;
	s18 =	sadd.s32 $0x29E00, s0;
	s11 =	sadd.s32 $0x2800, s10  }
0x10: {  	s12 =	sadd.s32 $0x5000, s10;
	s13 =	sadd.s32 $0x7800, s10;
	s14 =	sadd.s32 $0xA000, s10  }
0x11: {  	v0 =	vimm.f32 $0.0e+00;
	s15 =	sadd.s32 $0xC800, s10;
	s16 =	sadd.s32 $0xF000, s10;
	s17 =	sadd.s32 $0x11800, s10  }
.LBB2_8:
0x12: {  	s0 =	stileid.u32;
	s29 =	sadd.s32 $0x1, s29  }
0x13: {  	[bflag:$0x0] =	sbarrier.arrive $0xFFFF;
	s0 =	sshll.u32 s0, $0x6;
	p0 =	sne.s32 s29, s19  }
.Ltmp1:
0x14: {  	s3 =	sshrl.u32 s10, $0x3;
	s0 =	sor.u32 $0x1C04, s0;
	(pc) =	sbr.rel @!p0 .LBB2_9-.Ltmp1, $4  }
0x15: {  	[hbm:s18], [sflag:s0] =	dma.local [spmem:s3], $0x2800  }
0x16: {  	_ =	swait.ge [sflag:s22], $0x2800  }
0x17: {  	[sflag:s22] =	ssyncset.done $0x0  }
0x18: {  	[sflag:s22] =	ssyncadd.s32 $0xFFFFD800  }
.LBB2_1:
0x19: {  	s0 =	simm.s32 $0x0  }
0x1a: {  	[tilespmem:s0], [sflag:$0x3] =	stream.linear.gather [hbm4b:s8+s0], $0xC80, $0x38;
	[tilespmem:$0x1F800] =	vst v63  }
0x1b: {  	s3 =	simm.s32 $0x2000  }
0x1c: {  	[tilespmem:s3], [sflag:$0x3] =	stream.linear.gather [hbm4b:s9+s0], $0xC80, $0x38;
	[tilespmem:$0x1F800] =	vst v63  }
0x1d: {  	s0 =	simm.s32 $0x0;
	s3 =	simm.s32 $0x200  }
.LBB2_2:
0x1e: {  	p0 =	sne.s32 s3, $0x9E00;
	[tilespmem:s0+$0x4070] =	vst v0  }
0x1f: {  	[tilespmem:s0+$0x4000] =	vst v0  }
0x20: {  	[tilespmem:s0+$0x4010] =	vst v0  }
.Ltmp2:
0x21: {  	[tilespmem:s0+$0x4020] =	vst v0;
	(pc) =	sbr.rel @p0 .LBB2_2-.Ltmp2, $4  }
0x22: {  	[tilespmem:s0+$0x4030] =	vst v0  }
0x23: {  	[tilespmem:s0+$0x4040] =	vst v0  }
0x24: {  	[tilespmem:s0+$0x4050] =	vst v0  }
0x25: {  	[tilespmem:s0+$0x4060] =	vst v0;
	s0 =	sshra.s32 s3, $0x2;
	s3 =	sadd.s32 $0x200, s3  }
0x26: {  	[tilespmem:s0+$0x4070] =	vst v0  }
0x27: {  	[tilespmem:s0+$0x4000] =	vst v0  }
0x28: {  	[tilespmem:s0+$0x4010] =	vst v0  }
0x29: {  	[tilespmem:s0+$0x4020] =	vst v0  }
0x2a: {  	[tilespmem:s0+$0x4030] =	vst v0  }
0x2b: {  	[tilespmem:s0+$0x4040] =	vst v0  }
0x2c: {  	[tilespmem:s0+$0x4050] =	vst v0  }
0x2d: {  	[tilespmem:s0+$0x4060] =	vst v0  }
0x2e: {  	[spmem:s10] =	stream.linear.scatter [tilespmem:s21], [sflag:$0x4], $0x2800, $0x38;
	[tilespmem:$0x1F800] =	vst v63  }
0x2f: {  	_ =	swait.ge [sflag:s22], $0x2800  }
0x30: {  	[sflag:s22] =	ssyncset.done $0x0  }
0x31: {  	[sflag:s22] =	ssyncadd.s32 $0xFFFFD800  }
0x32: {  	[spmem:s11] =	stream.linear.scatter [tilespmem:s21], [sflag:$0x4], $0x2800, $0x38;
	[tilespmem:$0x1F800] =	vst v63  }
0x33: {  	_ =	swait.ge [sflag:s22], $0x2800  }
0x34: {  	[sflag:s22] =	ssyncset.done $0x0  }
0x35: {  	[sflag:s22] =	ssyncadd.s32 $0xFFFFD800  }
0x36: {  	[spmem:s12] =	stream.linear.scatter [tilespmem:s21], [sflag:$0x4], $0x2800, $0x38;
	[tilespmem:$0x1F800] =	vst v63  }
0x37: {  	_ =	swait.ge [sflag:s22], $0x2800  }
0x38: {  	[sflag:s22] =	ssyncset.done $0x0  }
0x39: {  	[sflag:s22] =	ssyncadd.s32 $0xFFFFD800  }
0x3a: {  	[spmem:s13] =	stream.linear.scatter [tilespmem:s21], [sflag:$0x4], $0x2800, $0x38;
	[tilespmem:$0x1F800] =	vst v63  }
0x3b: {  	_ =	swait.ge [sflag:s22], $0x2800  }
0x3c: {  	[sflag:s22] =	ssyncset.done $0x0  }
0x3d: {  	[sflag:s22] =	ssyncadd.s32 $0xFFFFD800  }
0x3e: {  	[spmem:s14] =	stream.linear.scatter [tilespmem:s21], [sflag:$0x4], $0x2800, $0x38;
	[tilespmem:$0x1F800] =	vst v63  }
0x3f: {  	_ =	swait.ge [sflag:s22], $0x2800  }
0x40: {  	[sflag:s22] =	ssyncset.done $0x0  }
0x41: {  	[sflag:s22] =	ssyncadd.s32 $0xFFFFD800  }
0x42: {  	[spmem:s15] =	stream.linear.scatter [tilespmem:s21], [sflag:$0x4], $0x2800, $0x38;
	[tilespmem:$0x1F800] =	vst v63  }
0x43: {  	_ =	swait.ge [sflag:s22], $0x2800  }
0x44: {  	[sflag:s22] =	ssyncset.done $0x0  }
0x45: {  	[sflag:s22] =	ssyncadd.s32 $0xFFFFD800  }
0x46: {  	[spmem:s16] =	stream.linear.scatter [tilespmem:s21], [sflag:$0x4], $0x2800, $0x38;
	[tilespmem:$0x1F800] =	vst v63  }
0x47: {  	_ =	swait.ge [sflag:s22], $0x2800  }
0x48: {  	[sflag:s22] =	ssyncset.done $0x0  }
0x49: {  	[sflag:s22] =	ssyncadd.s32 $0xFFFFD800  }
0x4a: {  	[spmem:s17] =	stream.linear.scatter [tilespmem:s21], [sflag:$0x4], $0x2800, $0x38;
	[tilespmem:$0x1F800] =	vst v63  }
0x4b: {  	_ =	swait.ge [sflag:s22], $0x2800  }
0x4c: {  	[sflag:s22] =	ssyncset.done $0x0  }
0x4d: {  	[sflag:s22] =	ssyncadd.s32 $0xFFFFD800  }
0x4e: {  	_ =	swait.ge [sflag:s23], $0xC80  }
0x4f: {  	[sflag:s23] =	ssyncset.done $0x0  }
0x50: {  	[sflag:s23] =	ssyncadd.s32 $0xFFFFF380  }
0x51: {  	_ =	swait.ge [sflag:s23], $0xC80  }
0x52: {  	[sflag:s23] =	ssyncset.done $0x0  }
0x53: {  	[sflag:s23] =	ssyncadd.s32 $0xFFFFF380  }
0x54: {  	s30 =	simm.s32 $0x0;
	[bflag:$0x0] =	sbarrier.arrive $0xFFFF  }
.LBB2_4:
0x55: {  	s0 =	smov.u32 s30  }
0x56: {  	s30 =	sadd.s32 $0x1, s30;
	p0 =	seq.s32 s0, $0x4  }
0x57: {  	s3 =	sshll.u32 @!p0 s30, $0xC  }
0x58: {  	s0 =	sshll.u32 @!p0 s0, $0xC;
	s3 =	sadd.s32 @!p0 s6, s3  }
0x59: {  	s0 =	sand.u32 @!p0 $0x1000, s0;
	s3 =	sshrl.u32 @!p0 s3, $0x3  }
0x5a: {  	s4 =	simm.s32 @!p0 $0x0;
	s31 =	sxor.u32 @!p0 $0x1000, s0;
	s20 =	sadd.s32 @!p0 s5, s3  }
0x5b: {  	[tilespmem:s31], [sflag:$0x3] =	stream.linear.gather @!p0 [hbm4b:s20+s4], $0xC80, $0x38;
	[tilespmem:$0x1F800] =	vst v63  }
0x5c: {  	s0 =	simm.s32 @p0 $0x0;
	s3 =	sadd.s32 @!p0 s7, s3;
	s20 =	sor.u32 @!p0 $0x2000, s31  }
0x5d: {  	[tilespmem:s20], [sflag:$0x3] =	stream.linear.gather @!p0 [hbm4b:s3+s4], $0xC80, $0x38;
	[tilespmem:$0x1F800] =	vst v63  }
0x5e: {  	s31 =	sor.u32 $0x2000, s0  }
0x5f: {  	[tilespmem:s21], [sflag:$0x1] =	stream.indirect.gather [hbm4b:s1+s24], $0x80, s0, s24, $0xb8;
	[tilespmem:$0x1F800] =	vst v63  }
0x60: {  	s20 =	sadd.s32 $0x80, s0;
	s3 =	simm.s32 $0x0;
	s0 =	sadd.s32 $0x100, s0  }
0x61: {  	[tilespmem:s25], [sflag:$0x1] =	stream.indirect.gather [hbm4b:s1+s24], $0x80, s20, s24, $0xb8;
	[tilespmem:$0x1F800] =	vst v63  }
.LBB2_5:
0x62: {  	p1 =	seq.s32 s3, $0x0  }
0x63: {  	s4 =	simm.s32 @!p1 $0x2  }
0x64: {  	p2 =	sgt.u32 @!p1 s3, $0x16;
	_ =	swait.ge @!p1 [sflag:s4], $0x2800  }
0x65: {  	p2 =	por p1, !p2;
	[sflag:s4] =	ssyncset.done @!p1 $0x0  }
0x66: {  	[sflag:s4] =	ssyncadd.s32 @!p1 $0xFFFFD800;
	s4 =	sadd.s32 @p2 $0x2, s3  }
0x67: {  	s20 =	smul.u32 @p2 $0xAB, s4;
	_ =	sdelay $0x1  }
0x68: {  	s20 =	sshrl.u32 @p2 s20, $0x9  }
0x69: {  	s20 =	sand.u32 @p2 $0x7F, s20  }
0x6a: {  	s20 =	smul.u32 @p2 $0x3, s20;
	_ =	sdelay $0x1  }
0x6b: {  	s4 =	ssub.s32 @p2 s4, s20  }
0x6c: {  	s4 =	sand.u32 @p2 $0xFF, s4  }
0x6d: {  	s4 =	smul.u32 @p2 $0xA000, s4;
	_ =	sdelay $0x1  }
0x6e: {  	s4 =	sshrl.u32 @p2 s4, $0x2  }
0x6f: {  	s20 =	smul.u32 $0xAB, s3;
	s4 =	sadd.s32 @p2 $0x4000, s4  }
0x70: {  	[tilespmem:s4], [sflag:$0x1] =	stream.indirect.gather @p2 [hbm4b:s1+s24], $0x80, s0, s24, $0xb8;
	[tilespmem:$0x1F800] =	vst v63  }
0x71: {  	s4 =	sshrl.u32 s20, $0x9  }
0x72: {  	s4 =	sand.u32 $0x7F, s4  }
0x73: {  	s4 =	smul.u32 $0x3, s4;
	_ =	sdelay $0x1  }
0x74: {  	s4 =	ssub.s32 s3, s4  }
0x75: {  	s3 =	sadd.s32 $0x1, s3;
	s4 =	sand.u32 $0xFF, s4  }
0x76: {  	p1 =	sne.s32 s3, $0x19;
	s4 =	smul.u32 $0xA000, s4  }
.Ltmp3:
0x77: {  	_ =	swait.ge [sflag:s26], $0x2800;
	(pc) =	sbr.rel @p1 .LBB2_5-.Ltmp3, $4  }
0x78: {  	[sflag:s26] =	ssyncset.done $0x0;
	s4 =	sshrl.u32 s4, $0x2  }
0x79: {  	[sflag:s26] =	ssyncadd.s32 $0xFFFFD800;
	s4 =	sadd.s32 $0x4000, s4  }
0x7a: {  	[spmem:s2] =	stream.indirect.scatter.add.f32 [tilespmem:s4], [sflag:$0x2], $0x80, s31, s24, $0xb8;
	[tilespmem:$0x1F800] =	vst v63  }
0x7b: {  	s0 =	sadd.s32 $0x80, s0;
	s31 =	sadd.s32 $0x80, s31  }
.Ltmp4:
0x7c: {  	(pc) =	sbr.rel @p0 .LBB2_8-.Ltmp4, $4  }
0x7d: {  	_ = 	snop  }
0x7e: {  	_ =	swait.ge [sflag:s28], $0x2800  }
0x7f: {  	[sflag:s28] =	ssyncset.done $0x0  }
0x80: {  	[sflag:s28] =	ssyncadd.s32 $0xFFFFD800  }
0x81: {  	_ =	swait.ge [sflag:s23], $0xC80  }
.Ltmp5:
0x82: {  	[sflag:s23] =	ssyncset.done $0x0;
	(pc) =	sbr.rel .LBB2_4-.Ltmp5, $4  }
0x83: {  	[sflag:s23] =	ssyncadd.s32 $0xFFFFF380  }
0x84: {  	_ =	swait.ge [sflag:s23], $0xC80  }
0x85: {  	[sflag:s23] =	ssyncset.done $0x0  }
0x86: {  	[sflag:s23] =	ssyncadd.s32 $0xFFFFF380  }
.LBB2_9:
0x87: {  	_ =	sfence.sel $0x180000  }
0x88: {  	[bflag:$0x0] =	sbarrier.arrive $0xFFFF  }
0x89: {  	_ =	strace $0x90000047  }
0x8a: {  	s0 =	stileid.u32;
	[bflag:$0x2] =	sbarrier.arrive $0xFFFF  }
0x8b: {  	p0 =	sne.s32 s0, $0x0;
	s0 =	rddreg [dreg:$0x3]  }
0x8c: {  	s0 =	sadd.s32 @!p0 $0x100000, s0  }
0x8d: {  	[sflag:s0] =	ssyncadd.tile.s32 @!p0 $0x1;
	_ =	shalt  }
.Lfunc_end2:
_tile_overlayer_lowered:
.L_overlay_start_2:
0x8e: {  	(tag) =	ssettag $0x2  }
0x8f: {  	s0 =	rddreg [dreg:$0x0];
	s2 =	stileid.u32  }
0x90: {  	s1 =	rddreg [dreg:$0x1];
	p0 =	sne.s32 s2, $0x0  }
0x91: {  	s3 =	rddreg [dreg:$0x2];
	[bflag:$0x3] =	sbarrier.arrive $0xFFFF;
	s2 =	simm.s32 @!p0 $0x1C04  }
0x92: {  	[timem:s3], [sflag:s2] =	dma.local @!p0 [hbm:s0], s1  }
0x93: {  	s0 =	simm.s32 @!p0 $0x4  }
0x94: {  	_ =	swait.ge @!p0 [sflag:s0], s1  }
0x95: {  	s1 =	ssub.s32 @!p0 $0x0, s1;
	[sflag:s0] =	ssyncset.done @!p0 $0x0  }
0x96: {  	[sflag:s0] =	ssyncadd.s32 @!p0 s1  }
0x97: {  	[bflag:$0x3] =	sbarrier.arrive $0xFFFF  }
0x98: {  	_ =	shalt  }

</sc_bundles>
